<compile_context>
chip_gen: v7x
topology: tpu7x:2x2x1
jax: 0.10.2.dev20260603
libtpu: 0.0.44.dev20260713+nightly
codegen_flags: <defaults>
</compile_context>

<pallas_src>
import dataclasses
import functools

import jax
import jax.numpy as jnp
from jax import lax
from jax.experimental import pallas as pl
from jax.experimental.pallas import tpu as pltpu
from jax.experimental.pallas import tpu_sc as plsc

N = 10000
E = 320000
D = 128
EPS = 1e-5

NC = 2
NS = 16
NW = NC * NS

K = 128
CPT = 80
CH = 40
EPM = NW * CPT * K
RPT = 640

NP = 10240
KD = 128
CPTD = EPM // (NW * KD)
HR = 79
NTP = N + 128

_MESH = plsc.VectorSubcoreMesh(core_axis_name="c", subcore_axis_name="s")

_NO_LAYOUT_CP = pltpu.CompilerParams()
if "needs_layout_passes" in pltpu.CompilerParams.__dataclass_fields__:
    _NO_LAYOUT_CP = dataclasses.replace(_NO_LAYOUT_CP,
                                        needs_layout_passes=False)



@functools.partial(
    pl.kernel,
    out_type=jax.ShapeDtypeStruct((2 * NP, D), jnp.float32),
    mesh=_MESH,
    scratch_types=[
        pltpu.VMEM((CH, K), jnp.int32),
        pltpu.VMEM((CH, K), jnp.int32),
        pltpu.VMEM((K, D), jnp.float32),
        pltpu.VMEM((K, D), jnp.float32),
        pltpu.VMEM_SHARED((NP, D), jnp.float32),
        pltpu.SemaphoreType.DMA,
        pltpu.SemaphoreType.DMA,
    ],
)
def _msg_pass(hs_hbm, srcT_hbm, dstT_hbm, z_hbm, out_hbm,
              sidx, didx, rows0, rows1, acc, sem0, sem1):
    c = lax.axis_index("c")
    s = lax.axis_index("s")
    w = c * NS + s

    zc = pltpu.async_copy(z_hbm, acc.at[pl.ds(s * RPT, RPT)], sem0)
    sc = pltpu.async_copy(srcT_hbm.at[w, pl.ds(0, CH)], sidx, sem1)
    dc = pltpu.async_copy(dstT_hbm.at[w, pl.ds(0, CH)], didx, sem1)
    zc.wait()
    sc.wait()
    dc.wait()
    plsc.subcore_barrier()

    dummy = z_hbm.at[pl.ds(0, K)]

    for h in range(2):
        if h:
            pltpu.sync_copy(srcT_hbm.at[w, pl.ds(h * CH, CH)], sidx)
            pltpu.sync_copy(dstT_hbm.at[w, pl.ds(h * CH, CH)], didx)
        pltpu.async_copy(hs_hbm.at[sidx.at[0]], rows0, sem0)
        pltpu.async_copy(hs_hbm.at[sidx.at[1]], rows1, sem1)

        @pl.loop(0, CH, step=2)
        def _(j):
            pltpu.make_async_copy(dummy, rows0, sem0).wait()
            pltpu.sync_copy(rows0, acc.at[didx.at[j]], add=True)

            @pl.when(j + 2 < CH)
            def _():
                pltpu.async_copy(hs_hbm.at[sidx.at[j + 2]], rows0, sem0)

            pltpu.make_async_copy(dummy, rows1, sem1).wait()
            pltpu.sync_copy(rows1, acc.at[didx.at[j + 1]], add=True)

            @pl.when(j + 3 < CH)
            def _():
                pltpu.async_copy(hs_hbm.at[sidx.at[j + 3]], rows1, sem1)

    plsc.subcore_barrier()
    pltpu.sync_copy(acc.at[pl.ds(s * RPT, RPT)],
                    out_hbm.at[pl.ds(c * NP + s * RPT, RPT)])


@functools.partial(
    pl.kernel,
    out_type=jax.ShapeDtypeStruct((2 * NW, HR, KD), jnp.float32),
    mesh=_MESH,
    scratch_types=[
        pltpu.VMEM((CPTD, KD), jnp.int32),
        pltpu.VMEM((CPTD, KD), jnp.int32),
        pltpu.VMEM((HR, KD), jnp.float32),
        pltpu.VMEM((HR, KD), jnp.float32),
    ],
    compiler_params=_NO_LAYOUT_CP,
)
def _degrees(srcT_hbm, dstT_hbm, out_hbm, sidx, didx, hsrc, hdst):
    c = lax.axis_index("c")
    s = lax.axis_index("s")
    w = c * NS + s

    pltpu.sync_copy(srcT_hbm.at[w], sidx)
    pltpu.sync_copy(dstT_hbm.at[w], didx)

    zv = jnp.zeros((16,), jnp.float32)

    @pl.loop(0, HR)
    def _(r):
        @pl.loop(0, KD, step=16)
        def _(i):
            hsrc[r, pl.ds(i, 16)] = zv
            hdst[r, pl.ds(i, 16)] = zv

    ones_v = jnp.ones((16,), jnp.float32)

    @pl.loop(0, CPTD)
    def _(j):
        @pl.loop(0, KD, step=16)
        def _(i):
            sv = sidx[j, pl.ds(i, 16)]
            plsc.addupdate_scatter(
                hsrc, [lax.shift_right_logical(sv, 7),
                       lax.bitwise_and(sv, 127)], ones_v)
            dv = didx[j, pl.ds(i, 16)]
            plsc.addupdate_scatter(
                hdst, [lax.shift_right_logical(dv, 7),
                       lax.bitwise_and(dv, 127)], ones_v)

    pltpu.sync_copy(hsrc, out_hbm.at[w])
    pltpu.sync_copy(hdst, out_hbm.at[NW + w])



def _scale_pad_body(x_ref, ns_ref, o_ref):
    o_ref[:N, :] = x_ref[...] * ns_ref[...]
    o_ref[N:, :] = jnp.zeros((NTP - N, D), jnp.float32)


def _scale_pad(x, ns):
    return pl.pallas_call(
        _scale_pad_body,
        out_shape=jax.ShapeDtypeStruct((NTP, D), jnp.float32),
    )(x, ns)


def _mid_body(bn, p_ref, w_ref, b_ref, nd_ref, ns_ref, g_ref,
              be_ref, o_ref):
    agg = p_ref[:N, :] + p_ref[NP:NP + N, :]
    y = jnp.dot(agg, w_ref[...], preferred_element_type=jnp.float32)
    y = jnp.maximum(y * nd_ref[...] + b_ref[...], 0.0)
    if bn:
        m = jnp.mean(y, axis=0, keepdims=True)
        v = jnp.mean((y - m) ** 2, axis=0, keepdims=True)
        y = (y - m) / jnp.sqrt(v + EPS) * g_ref[...] + be_ref[...]
    o_ref[:N, :] = y * ns_ref[...]
    o_ref[N:, :] = jnp.zeros((NTP - N, D), jnp.float32)


def _mid(parts, w, b, nd, ns, g, be, bn):
    return pl.pallas_call(
        functools.partial(_mid_body, bn),
        out_shape=jax.ShapeDtypeStruct((NTP, D), jnp.float32),
    )(parts, w, b, nd, ns, g, be)


def _final_body(p_ref, w_ref, b_ref, nd_ref, g_ref, be_ref, o_ref):
    agg = p_ref[:N, :] + p_ref[NP:NP + N, :]
    y = jnp.dot(agg, w_ref[...], preferred_element_type=jnp.float32)
    y = jnp.maximum(y * nd_ref[...] + b_ref[...], 0.0)
    m = jnp.mean(y, axis=0, keepdims=True)
    v = jnp.mean((y - m) ** 2, axis=0, keepdims=True)
    o_ref[...] = (y - m) / jnp.sqrt(v + EPS) * g_ref[...] + be_ref[...]


def _final(parts, w, b, nd, g, be):
    return pl.pallas_call(
        _final_body,
        out_shape=jax.ShapeDtypeStruct((N, D), jnp.float32),
    )(parts, w, b, nd, g, be)



def kernel(in_feat, edge_index, W1, b1, W2, b2, g1, be1, W3, b3, g2, be2):
    src = edge_index[0]
    dst = edge_index[1]

    npad = EPM - E
    pad_idx = N + (jnp.arange(npad, dtype=jnp.int32) % 112)
    pad_src = pad_idx
    pad_dst = pad_idx
    srcT = jnp.concatenate([src, pad_src]).reshape(NW, CPT, K)
    dstT = jnp.concatenate([dst, pad_dst]).reshape(NW, CPT, K)
    zrows = jnp.zeros((RPT, D), jnp.float32)

    degs = _degrees(srcT, dstT)
    deg_out = jnp.sum(degs[:NW], axis=0).reshape(HR * KD)[:N]
    deg_in = jnp.sum(degs[NW:], axis=0).reshape(HR * KD)[:N]
    norm_src = jnp.where(deg_out > 0,
                         1.0 / jnp.sqrt(jnp.maximum(deg_out, 1.0)),
                         0.0).reshape(N, 1)
    norm_dst = jnp.where(deg_in > 0,
                         1.0 / jnp.sqrt(jnp.maximum(deg_in, 1.0)),
                         0.0).reshape(N, 1)

    b1r = b1.reshape(1, D)
    b2r = b2.reshape(1, D)
    b3r = b3.reshape(1, D)
    g1r = g1.reshape(1, D)
    be1r = be1.reshape(1, D)
    g2r = g2.reshape(1, D)
    be2r = be2.reshape(1, D)

    hs1 = _scale_pad(in_feat, norm_src)
    p1 = _msg_pass(hs1, srcT, dstT, zrows)
    hs2 = _mid(p1, W1, b1r, norm_dst, norm_src, g1r, be1r, bn=False)
    p2 = _msg_pass(hs2, srcT, dstT, zrows)
    hs3 = _mid(p2, W2, b2r, norm_dst, norm_src, g1r, be1r, bn=True)
    p3 = _msg_pass(hs3, srcT, dstT, zrows)
    return _final(p3, W3, b3r, norm_dst, g2r, be2r)

# --- scband reference (transcript-rebuilt; emitter-appended) ---
"""Pipeline reference for scband-gcn-28037546508639 (READ-ONLY COPY).

The authoritative reference and input builder live on the scoring server;
editing this copy changes nothing except your own understanding.
"""

import jax, jax.numpy as jnp
import numpy as np

N = 10000
E = 320000
D = 128
EPS = 1e-5


def setup_inputs(seed: int = 0) -> dict:
    key = jax.random.key(seed)
    ks = jax.random.split(key, 10)
    x = jax.random.normal(ks[0], (N, D), dtype=jnp.float32)
    edge_index = jax.random.randint(ks[1], (2, E), 0, N, dtype=jnp.int32)
    scale = 0.05
    W1 = jax.random.normal(ks[2], (D, D), dtype=jnp.float32) * scale
    b1 = jnp.zeros((D,), dtype=jnp.float32)
    W2 = jax.random.normal(ks[3], (D, D), dtype=jnp.float32) * scale
    b2 = jnp.zeros((D,), dtype=jnp.float32)
    g1 = jnp.ones((D,), dtype=jnp.float32)
    be1 = jnp.zeros((D,), dtype=jnp.float32)
    W3 = jax.random.normal(ks[4], (D, D), dtype=jnp.float32) * scale
    b3 = jnp.zeros((D,), dtype=jnp.float32)
    g2 = jnp.ones((D,), dtype=jnp.float32)
    be2 = jnp.zeros((D,), dtype=jnp.float32)
    return {"in_feat": x, "edge_index": edge_index, "W1": W1, "b1": b1,
            "W2": W2, "b2": b2, "g1": g1, "be1": be1,
            "W3": W3, "b3": b3, "g2": g2, "be2": be2}


def _graph_conv(h, src, dst, W, b):
    # DGL GraphConv with norm='both': h <- D_out^{-1/2} -> sum-aggregate -> D_in^{-1/2}, then W, b
    ones = jnp.ones((E,), dtype=jnp.float32)
    deg_out = jax.ops.segment_sum(ones, src, num_segments=N)
    deg_in = jax.ops.segment_sum(ones, dst, num_segments=N)
    norm_src = jnp.where(deg_out > 0, 1.0 / jnp.sqrt(jnp.maximum(deg_out, 1.0)), 0.0)
    norm_dst = jnp.where(deg_in > 0, 1.0 / jnp.sqrt(jnp.maximum(deg_in, 1.0)), 0.0)
    h = h * norm_src[:, None]
    msgs = jnp.take(h, src, axis=0)
    agg = jax.ops.segment_sum(msgs, dst, num_segments=N)
    rst = agg @ W
    rst = rst * norm_dst[:, None]
    return rst + b


def _batch_norm(h, gamma, beta):
    mean = jnp.mean(h, axis=0)
    var = jnp.var(h, axis=0)
    return (h - mean) / jnp.sqrt(var + EPS) * gamma + beta


def reference(in_feat, edge_index, W1, b1, W2, b2, g1, be1, W3, b3, g2, be2):
    src = edge_index[0]
    dst = edge_index[1]
    h = _graph_conv(in_feat, src, dst, W1, b1)
    h = jax.nn.relu(h)
    h = _graph_conv(h, src, dst, W2, b2)
    h = jax.nn.relu(h)
    h = _batch_norm(h, g1, be1)
    h = _graph_conv(h, src, dst, W3, b3)
    h = jax.nn.relu(h)
    h = _batch_norm(h, g2, be2)
    return h

if __name__ == "__main__":
    import jax
    _d = setup_inputs()
    print(jax.jit(kernel)(*tuple(_d.values())))

</pallas_src>

<mosaic_0001>
#map = affine_map<(d0, d1) -> (0, 0, 0)>
module attributes {stable_mosaic.version = 14 : i64} {
  func.func @_degrees(%arg0: i32, %arg1: i32, %arg2: memref<32x80x128xi32, #tpu.memory_space<hbm>>, %arg3: memref<32x80x128xi32, #tpu.memory_space<hbm>>, %arg4: memref<64x79x128xf32, #tpu.memory_space<hbm>>, %arg5: memref<80x128xi32, #tpu.memory_space<vmem>>, %arg6: memref<80x128xi32, #tpu.memory_space<vmem>>, %arg7: memref<79x128xf32, #tpu.memory_space<vmem>>, %arg8: memref<79x128xf32, #tpu.memory_space<vmem>>) attributes {dimension_semantics = [#tpu.dimension_semantics<core_parallel>, #tpu.dimension_semantics<subcore_parallel>], iteration_bounds = array<i64: 2, 16>, scalar_prefetch = 0 : i64, scratch_operands = 4 : i64, tpu.core_type = #tpu.core_type<sc_vector_subcore>, window_params = [{transform_indices = #map}, {transform_indices = #map}, {transform_indices = #map}]} {
    %mul3A = arith.constant 16 : i32
    %mul3A_0 = arith.muli %arg0, %mul3A : i32
    %add3A = arith.addi %mul3A_0, %arg1 : i32
    "tpu.region"() ({
      %run_scoped3A = tpu.sem_alloc : memref<!tpu.dma_semaphore, #tpu.memory_space<semaphore_mem>>
      %dma_start3A = arith.constant 0 : i32
      %dma_start3A_15 = arith.constant 0 : i32
      %dma_start3A_16 = tpu.memref_slice %arg2[%add3A, %dma_start3A, %dma_start3A_15] : memref<32x80x128xi32, #tpu.memory_space<hbm>> -> memref<1x80x128xi32, #tpu.memory_space<hbm>>
      %dma_start3A_17 = tpu.memref_squeeze %dma_start3A_16 : memref<1x80x128xi32, #tpu.memory_space<hbm>> -> memref<80x128xi32, #tpu.memory_space<hbm>>
      %dma_start3A_18 = arith.constant 0 : i32
      %dma_start3A_19 = arith.constant 0 : i32
      %dma_start3A_20 = tpu.memref_slice %arg2[%add3A, %dma_start3A_18, %dma_start3A_19] : memref<32x80x128xi32, #tpu.memory_space<hbm>> -> memref<1x80x128xi32, #tpu.memory_space<hbm>>
      %dma_start3A_21 = tpu.memref_squeeze %dma_start3A_20 : memref<1x80x128xi32, #tpu.memory_space<hbm>> -> memref<80x128xi32, #tpu.memory_space<hbm>>
      tpu.enqueue_dma source(%dma_start3A_21 : memref<80x128xi32, #tpu.memory_space<hbm>>) target(%arg5 : memref<80x128xi32, #tpu.memory_space<vmem>>) target_semaphore(%run_scoped3A : memref<!tpu.dma_semaphore, #tpu.memory_space<semaphore_mem>>)
      %dma_wait3A = arith.constant 0 : i32
      %dma_wait3A_22 = arith.constant 0 : i32
      %dma_wait3A_23 = tpu.memref_slice %arg2[%add3A, %dma_wait3A, %dma_wait3A_22] : memref<32x80x128xi32, #tpu.memory_space<hbm>> -> memref<1x80x128xi32, #tpu.memory_space<hbm>>
      %dma_wait3A_24 = tpu.memref_squeeze %dma_wait3A_23 : memref<1x80x128xi32, #tpu.memory_space<hbm>> -> memref<80x128xi32, #tpu.memory_space<hbm>>
      %dma_wait3A_25 = arith.constant 0 : i32
      %dma_wait3A_26 = arith.constant 0 : i32
      %dma_wait3A_27 = tpu.memref_slice %arg2[%add3A, %dma_wait3A_25, %dma_wait3A_26] : memref<32x80x128xi32, #tpu.memory_space<hbm>> -> memref<1x80x128xi32, #tpu.memory_space<hbm>>
      %dma_wait3A_28 = tpu.memref_squeeze %dma_wait3A_27 : memref<1x80x128xi32, #tpu.memory_space<hbm>> -> memref<80x128xi32, #tpu.memory_space<hbm>>
      tpu.wait_dma2 semaphore(%run_scoped3A : memref<!tpu.dma_semaphore, #tpu.memory_space<semaphore_mem>>) src(%dma_wait3A_28 : memref<80x128xi32, #tpu.memory_space<hbm>>) dst(%arg5 : memref<80x128xi32, #tpu.memory_space<vmem>>)
      tpu.yield
    }) : () -> ()
    "tpu.region"() ({
      %run_scoped3A = tpu.sem_alloc : memref<!tpu.dma_semaphore, #tpu.memory_space<semaphore_mem>>
      %dma_start3A = arith.constant 0 : i32
      %dma_start3A_15 = arith.constant 0 : i32
      %dma_start3A_16 = tpu.memref_slice %arg3[%add3A, %dma_start3A, %dma_start3A_15] : memref<32x80x128xi32, #tpu.memory_space<hbm>> -> memref<1x80x128xi32, #tpu.memory_space<hbm>>
      %dma_start3A_17 = tpu.memref_squeeze %dma_start3A_16 : memref<1x80x128xi32, #tpu.memory_space<hbm>> -> memref<80x128xi32, #tpu.memory_space<hbm>>
      %dma_start3A_18 = arith.constant 0 : i32
      %dma_start3A_19 = arith.constant 0 : i32
      %dma_start3A_20 = tpu.memref_slice %arg3[%add3A, %dma_start3A_18, %dma_start3A_19] : memref<32x80x128xi32, #tpu.memory_space<hbm>> -> memref<1x80x128xi32, #tpu.memory_space<hbm>>
      %dma_start3A_21 = tpu.memref_squeeze %dma_start3A_20 : memref<1x80x128xi32, #tpu.memory_space<hbm>> -> memref<80x128xi32, #tpu.memory_space<hbm>>
      tpu.enqueue_dma source(%dma_start3A_21 : memref<80x128xi32, #tpu.memory_space<hbm>>) target(%arg6 : memref<80x128xi32, #tpu.memory_space<vmem>>) target_semaphore(%run_scoped3A : memref<!tpu.dma_semaphore, #tpu.memory_space<semaphore_mem>>)
      %dma_wait3A = arith.constant 0 : i32
      %dma_wait3A_22 = arith.constant 0 : i32
      %dma_wait3A_23 = tpu.memref_slice %arg3[%add3A, %dma_wait3A, %dma_wait3A_22] : memref<32x80x128xi32, #tpu.memory_space<hbm>> -> memref<1x80x128xi32, #tpu.memory_space<hbm>>
      %dma_wait3A_24 = tpu.memref_squeeze %dma_wait3A_23 : memref<1x80x128xi32, #tpu.memory_space<hbm>> -> memref<80x128xi32, #tpu.memory_space<hbm>>
      %dma_wait3A_25 = arith.constant 0 : i32
      %dma_wait3A_26 = arith.constant 0 : i32
      %dma_wait3A_27 = tpu.memref_slice %arg3[%add3A, %dma_wait3A_25, %dma_wait3A_26] : memref<32x80x128xi32, #tpu.memory_space<hbm>> -> memref<1x80x128xi32, #tpu.memory_space<hbm>>
      %dma_wait3A_28 = tpu.memref_squeeze %dma_wait3A_27 : memref<1x80x128xi32, #tpu.memory_space<hbm>> -> memref<80x128xi32, #tpu.memory_space<hbm>>
      tpu.wait_dma2 semaphore(%run_scoped3A : memref<!tpu.dma_semaphore, #tpu.memory_space<semaphore_mem>>) src(%dma_wait3A_28 : memref<80x128xi32, #tpu.memory_space<hbm>>) dst(%arg6 : memref<80x128xi32, #tpu.memory_space<vmem>>)
      tpu.yield
    }) : () -> ()
    %broadcast_in_dim3A = arith.constant 0.000000e+00 : f32
    %broadcast_in_dim3A_1 = vector.broadcast %broadcast_in_dim3A : f32 to vector<16xf32>
    %scan3A = arith.constant 0 : i32
    %scan3A_2 = arith.constant 79 : i32
    %scan3A_3 = arith.addi %scan3A, %scan3A_2 : i32
    %scan3A_4 = arith.constant 1 : i32
    scf.for %scan3A_15 = %scan3A to %scan3A_3 step %scan3A_4  : i32 {
      %mul3A_16 = arith.constant 1 : i32
      %mul3A_17 = arith.muli %scan3A_15, %mul3A_16 : i32
      %add3A_18 = arith.constant 0 : i32
      %add3A_19 = arith.addi %add3A_18, %mul3A_17 : i32
      %scan3A_20 = arith.constant 0 : i32
      %scan3A_21 = arith.constant 8 : i32
      %scan3A_22 = arith.addi %scan3A_20, %scan3A_21 : i32
      %scan3A_23 = arith.constant 1 : i32
      scf.for %scan3A_25 = %scan3A_20 to %scan3A_22 step %scan3A_23  : i32 {
        %mul3A_26 = arith.constant 16 : i32
        %mul3A_27 = arith.muli %scan3A_25, %mul3A_26 : i32
        %add3A_28 = arith.constant 0 : i32
        %add3A_29 = arith.addi %add3A_28, %mul3A_27 : i32
        %swap3A = arith.index_cast %add3A_19 : i32 to index
        %swap3A_30 = arith.index_cast %add3A_29 : i32 to index
        %swap3A_31 = tpu.vector_load %arg7[%swap3A, %swap3A_30] {strides = array<i32>} : memref<79x128xf32, #tpu.memory_space<vmem>>, vector<16xf32>,
        tpu.vector_store %arg7[%swap3A, %swap3A_30], %broadcast_in_dim3A_1 {strides = array<i32>} : memref<79x128xf32, #tpu.memory_space<vmem>>, vector<16xf32>,
        %swap3A_32 = arith.index_cast %add3A_19 : i32 to index
        %swap3A_33 = arith.index_cast %add3A_29 : i32 to index
        %swap3A_34 = tpu.vector_load %arg8[%swap3A_32, %swap3A_33] {strides = array<i32>} : memref<79x128xf32, #tpu.memory_space<vmem>>, vector<16xf32>,
        tpu.vector_store %arg8[%swap3A_32, %swap3A_33], %broadcast_in_dim3A_1 {strides = array<i32>} : memref<79x128xf32, #tpu.memory_space<vmem>>, vector<16xf32>,
      }
      %scan3A_24 = arith.constant 8 : i32
    }
    %scan3A_5 = arith.constant 79 : i32
    %broadcast_in_dim3A_6 = arith.constant 1.000000e+00 : f32
    %broadcast_in_dim3A_7 = vector.broadcast %broadcast_in_dim3A_6 : f32 to vector<16xf32>
    %scan3A_8 = arith.constant 0 : i32
    %scan3A_9 = arith.constant 80 : i32
    %scan3A_10 = arith.addi %scan3A_8, %scan3A_9 : i32
    %scan3A_11 = arith.constant 1 : i32
    scf.for %scan3A_15 = %scan3A_8 to %scan3A_10 step %scan3A_11  : i32 {
      %mul3A_16 = arith.constant 1 : i32
      %mul3A_17 = arith.muli %scan3A_15, %mul3A_16 : i32
      %add3A_18 = arith.constant 0 : i32
      %add3A_19 = arith.addi %add3A_18, %mul3A_17 : i32
      %scan3A_20 = arith.constant 0 : i32
      %scan3A_21 = arith.constant 8 : i32
      %scan3A_22 = arith.addi %scan3A_20, %scan3A_21 : i32
      %scan3A_23 = arith.constant 1 : i32
      scf.for %scan3A_25 = %scan3A_20 to %scan3A_22 step %scan3A_23  : i32 {
        %mul3A_26 = arith.constant 16 : i32
        %mul3A_27 = arith.muli %scan3A_25, %mul3A_26 : i32
        %add3A_28 = arith.constant 0 : i32
        %add3A_29 = arith.addi %add3A_28, %mul3A_27 : i32
        %get3A = arith.index_cast %add3A_19 : i32 to index
        %get3A_30 = arith.index_cast %add3A_29 : i32 to index
        %get3A_31 = tpu.vector_load %arg5[%get3A, %get3A_30] {strides = array<i32>} : memref<80x128xi32, #tpu.memory_space<vmem>>, vector<16xi32>,
        %shift_right_logical3A = arith.constant 7 : i32
        %shift_right_logical3A_32 = vector.broadcast %shift_right_logical3A : i32 to vector<16xi32>
        %shift_right_logical3A_33 = arith.shrui %get3A_31, %shift_right_logical3A_32 : vector<16xi32>
        %and3A = arith.constant 127 : i32
        %and3A_34 = vector.broadcast %and3A : i32 to vector<16xi32>
        %and3A_35 = arith.andi %get3A_31, %and3A_34 : vector<16xi32>
        tpu.vector_store_idx %arg7[%shift_right_logical3A_33, %and3A_35], %broadcast_in_dim3A_7 {add = true} : memref<79x128xf32, #tpu.memory_space<vmem>>[vector<16xi32>, vector<16xi32>], vector<16xf32>,
        %get3A_36 = arith.index_cast %add3A_19 : i32 to index
        %get3A_37 = arith.index_cast %add3A_29 : i32 to index
        %get3A_38 = tpu.vector_load %arg6[%get3A_36, %get3A_37] {strides = array<i32>} : memref<80x128xi32, #tpu.memory_space<vmem>>, vector<16xi32>,
        %shift_right_logical3A_39 = arith.constant 7 : i32
        %shift_right_logical3A_40 = vector.broadcast %shift_right_logical3A_39 : i32 to vector<16xi32>
        %shift_right_logical3A_41 = arith.shrui %get3A_38, %shift_right_logical3A_40 : vector<16xi32>
        %and3A_42 = arith.constant 127 : i32
        %and3A_43 = vector.broadcast %and3A_42 : i32 to vector<16xi32>
        %and3A_44 = arith.andi %get3A_38, %and3A_43 : vector<16xi32>
        tpu.vector_store_idx %arg8[%shift_right_logical3A_41, %and3A_44], %broadcast_in_dim3A_7 {add = true} : memref<79x128xf32, #tpu.memory_space<vmem>>[vector<16xi32>, vector<16xi32>], vector<16xf32>,
      }
      %scan3A_24 = arith.constant 8 : i32
    }
    %scan3A_12 = arith.constant 80 : i32
    "tpu.region"() ({
      %run_scoped3A = tpu.sem_alloc : memref<!tpu.dma_semaphore, #tpu.memory_space<semaphore_mem>>
      %dma_start3A = arith.constant 0 : i32
      %dma_start3A_15 = arith.constant 0 : i32
      %dma_start3A_16 = tpu.memref_slice %arg4[%add3A, %dma_start3A, %dma_start3A_15] : memref<64x79x128xf32, #tpu.memory_space<hbm>> -> memref<1x79x128xf32, #tpu.memory_space<hbm>>
      %dma_start3A_17 = tpu.memref_squeeze %dma_start3A_16 : memref<1x79x128xf32, #tpu.memory_space<hbm>> -> memref<79x128xf32, #tpu.memory_space<hbm>>
      %dma_start3A_18 = arith.constant 0 : i32
      %dma_start3A_19 = arith.constant 0 : i32
      %dma_start3A_20 = tpu.memref_slice %arg4[%add3A, %dma_start3A_18, %dma_start3A_19] : memref<64x79x128xf32, #tpu.memory_space<hbm>> -> memref<1x79x128xf32, #tpu.memory_space<hbm>>
      %dma_start3A_21 = tpu.memref_squeeze %dma_start3A_20 : memref<1x79x128xf32, #tpu.memory_space<hbm>> -> memref<79x128xf32, #tpu.memory_space<hbm>>
      tpu.enqueue_dma source(%arg7 : memref<79x128xf32, #tpu.memory_space<vmem>>) target(%dma_start3A_21 : memref<79x128xf32, #tpu.memory_space<hbm>>) target_semaphore(%run_scoped3A : memref<!tpu.dma_semaphore, #tpu.memory_space<semaphore_mem>>)
      %dma_wait3A = arith.constant 0 : i32
      %dma_wait3A_22 = arith.constant 0 : i32
      %dma_wait3A_23 = tpu.memref_slice %arg4[%add3A, %dma_wait3A, %dma_wait3A_22] : memref<64x79x128xf32, #tpu.memory_space<hbm>> -> memref<1x79x128xf32, #tpu.memory_space<hbm>>
      %dma_wait3A_24 = tpu.memref_squeeze %dma_wait3A_23 : memref<1x79x128xf32, #tpu.memory_space<hbm>> -> memref<79x128xf32, #tpu.memory_space<hbm>>
      %dma_wait3A_25 = arith.constant 0 : i32
      %dma_wait3A_26 = arith.constant 0 : i32
      %dma_wait3A_27 = tpu.memref_slice %arg4[%add3A, %dma_wait3A_25, %dma_wait3A_26] : memref<64x79x128xf32, #tpu.memory_space<hbm>> -> memref<1x79x128xf32, #tpu.memory_space<hbm>>
      %dma_wait3A_28 = tpu.memref_squeeze %dma_wait3A_27 : memref<1x79x128xf32, #tpu.memory_space<hbm>> -> memref<79x128xf32, #tpu.memory_space<hbm>>
      tpu.wait_dma2 semaphore(%run_scoped3A : memref<!tpu.dma_semaphore, #tpu.memory_space<semaphore_mem>>) src(%arg7 : memref<79x128xf32, #tpu.memory_space<vmem>>) dst(%dma_wait3A_28 : memref<79x128xf32, #tpu.memory_space<hbm>>)
      tpu.yield
    }) : () -> ()
    %add3A_13 = arith.constant 32 : i32
    %add3A_14 = arith.addi %add3A_13, %add3A : i32
    "tpu.region"() ({
      %run_scoped3A = tpu.sem_alloc : memref<!tpu.dma_semaphore, #tpu.memory_space<semaphore_mem>>
      %dma_start3A = arith.constant 0 : i32
      %dma_start3A_15 = arith.constant 0 : i32
      %dma_start3A_16 = tpu.memref_slice %arg4[%add3A_14, %dma_start3A, %dma_start3A_15] : memref<64x79x128xf32, #tpu.memory_space<hbm>> -> memref<1x79x128xf32, #tpu.memory_space<hbm>>
      %dma_start3A_17 = tpu.memref_squeeze %dma_start3A_16 : memref<1x79x128xf32, #tpu.memory_space<hbm>> -> memref<79x128xf32, #tpu.memory_space<hbm>>
      %dma_start3A_18 = arith.constant 0 : i32
      %dma_start3A_19 = arith.constant 0 : i32
      %dma_start3A_20 = tpu.memref_slice %arg4[%add3A_14, %dma_start3A_18, %dma_start3A_19] : memref<64x79x128xf32, #tpu.memory_space<hbm>> -> memref<1x79x128xf32, #tpu.memory_space<hbm>>
      %dma_start3A_21 = tpu.memref_squeeze %dma_start3A_20 : memref<1x79x128xf32, #tpu.memory_space<hbm>> -> memref<79x128xf32, #tpu.memory_space<hbm>>
      tpu.enqueue_dma source(%arg8 : memref<79x128xf32, #tpu.memory_space<vmem>>) target(%dma_start3A_21 : memref<79x128xf32, #tpu.memory_space<hbm>>) target_semaphore(%run_scoped3A : memref<!tpu.dma_semaphore, #tpu.memory_space<semaphore_mem>>)
      %dma_wait3A = arith.constant 0 : i32
      %dma_wait3A_22 = arith.constant 0 : i32
      %dma_wait3A_23 = tpu.memref_slice %arg4[%add3A_14, %dma_wait3A, %dma_wait3A_22] : memref<64x79x128xf32, #tpu.memory_space<hbm>> -> memref<1x79x128xf32, #tpu.memory_space<hbm>>
      %dma_wait3A_24 = tpu.memref_squeeze %dma_wait3A_23 : memref<1x79x128xf32, #tpu.memory_space<hbm>> -> memref<79x128xf32, #tpu.memory_space<hbm>>
      %dma_wait3A_25 = arith.constant 0 : i32
      %dma_wait3A_26 = arith.constant 0 : i32
      %dma_wait3A_27 = tpu.memref_slice %arg4[%add3A_14, %dma_wait3A_25, %dma_wait3A_26] : memref<64x79x128xf32, #tpu.memory_space<hbm>> -> memref<1x79x128xf32, #tpu.memory_space<hbm>>
      %dma_wait3A_28 = tpu.memref_squeeze %dma_wait3A_27 : memref<1x79x128xf32, #tpu.memory_space<hbm>> -> memref<79x128xf32, #tpu.memory_space<hbm>>
      tpu.wait_dma2 semaphore(%run_scoped3A : memref<!tpu.dma_semaphore, #tpu.memory_space<semaphore_mem>>) src(%arg8 : memref<79x128xf32, #tpu.memory_space<vmem>>) dst(%dma_wait3A_28 : memref<79x128xf32, #tpu.memory_space<hbm>>)
      tpu.yield
    }) : () -> ()
    return
  }
}

#map = affine_map<(d0, d1) -> (0, 0)>
#map1 = affine_map<(d0, d1) -> (0, 0, 0)>
module attributes {stable_mosaic.version = 14 : i64} {
  func.func @_msg_pass(%arg0: i32, %arg1: i32, %arg2: memref<10128x128xf32, #tpu.memory_space<hbm>>, %arg3: memref<32x80x128xi32, #tpu.memory_space<hbm>>, %arg4: memref<32x80x128xi32, #tpu.memory_space<hbm>>, %arg5: memref<640x128xf32, #tpu.memory_space<hbm>>, %arg6: memref<20480x128xf32, #tpu.memory_space<hbm>>, %arg7: memref<40x128xi32, #tpu.memory_space<vmem>>, %arg8: memref<40x128xi32, #tpu.memory_space<vmem>>, %arg9: memref<128x128xf32, #tpu.memory_space<vmem>>, %arg10: memref<128x128xf32, #tpu.memory_space<vmem>>, %arg11: memref<10240x128xf32, #tpu.memory_space<vmem_shared>>, %arg12: memref<!tpu.dma_semaphore, #tpu.memory_space<semaphore_mem>>, %arg13: memref<!tpu.dma_semaphore, #tpu.memory_space<semaphore_mem>>) attributes {dimension_semantics = [#tpu.dimension_semantics<core_parallel>, #tpu.dimension_semantics<subcore_parallel>], iteration_bounds = array<i64: 2, 16>, scalar_prefetch = 0 : i64, scratch_operands = 7 : i64, tpu.core_type = #tpu.core_type<sc_vector_subcore>, window_params = [{transform_indices = #map}, {transform_indices = #map1}, {transform_indices = #map1}, {transform_indices = #map}, {transform_indices = #map}]} {
    %mul3A = arith.constant 16 : i32
    %mul3A_0 = arith.muli %arg0, %mul3A : i32
    %add3A = arith.addi %mul3A_0, %arg1 : i32
    %mul3A_1 = arith.constant 640 : i32
    %mul3A_2 = arith.muli %arg1, %mul3A_1 : i32
    %dma_start3A = arith.constant 0 : i32
    %dma_start3A_3 = tpu.memref_slice %arg11[%mul3A_2, %dma_start3A] : memref<10240x128xf32, #tpu.memory_space<vmem_shared>> -> memref<640x128xf32, #tpu.memory_space<vmem_shared>>
    tpu.enqueue_dma source(%arg5 : memref<640x128xf32, #tpu.memory_space<hbm>>) target(%dma_start3A_3 : memref<640x128xf32, #tpu.memory_space<vmem_shared>>) target_semaphore(%arg12 : memref<!tpu.dma_semaphore, #tpu.memory_space<semaphore_mem>>)
    %dma_start3A_4 = arith.constant 0 : i32
    %dma_start3A_5 = arith.constant 0 : i32
    %dma_start3A_6 = tpu.memref_slice %arg3[%add3A, %dma_start3A_4, %dma_start3A_5] : memref<32x80x128xi32, #tpu.memory_space<hbm>> -> memref<1x40x128xi32, #tpu.memory_space<hbm>>
    %dma_start3A_7 = tpu.memref_squeeze %dma_start3A_6 : memref<1x40x128xi32, #tpu.memory_space<hbm>> -> memref<40x128xi32, #tpu.memory_space<hbm>>
    %dma_start3A_8 = arith.constant 0 : i32
    %dma_start3A_9 = arith.constant 0 : i32
    %dma_start3A_10 = tpu.memref_slice %arg3[%add3A, %dma_start3A_8, %dma_start3A_9] : memref<32x80x128xi32, #tpu.memory_space<hbm>> -> memref<1x40x128xi32, #tpu.memory_space<hbm>>
    %dma_start3A_11 = tpu.memref_squeeze %dma_start3A_10 : memref<1x40x128xi32, #tpu.memory_space<hbm>> -> memref<40x128xi32, #tpu.memory_space<hbm>>
    tpu.enqueue_dma source(%dma_start3A_11 : memref<40x128xi32, #tpu.memory_space<hbm>>) target(%arg7 : memref<40x128xi32, #tpu.memory_space<vmem>>) target_semaphore(%arg13 : memref<!tpu.dma_semaphore, #tpu.memory_space<semaphore_mem>>)
    %dma_start3A_12 = arith.constant 0 : i32
    %dma_start3A_13 = arith.constant 0 : i32
    %dma_start3A_14 = tpu.memref_slice %arg4[%add3A, %dma_start3A_12, %dma_start3A_13] : memref<32x80x128xi32, #tpu.memory_space<hbm>> -> memref<1x40x128xi32, #tpu.memory_space<hbm>>
    %dma_start3A_15 = tpu.memref_squeeze %dma_start3A_14 : memref<1x40x128xi32, #tpu.memory_space<hbm>> -> memref<40x128xi32, #tpu.memory_space<hbm>>
    %dma_start3A_16 = arith.constant 0 : i32
    %dma_start3A_17 = arith.constant 0 : i32
    %dma_start3A_18 = tpu.memref_slice %arg4[%add3A, %dma_start3A_16, %dma_start3A_17] : memref<32x80x128xi32, #tpu.memory_space<hbm>> -> memref<1x40x128xi32, #tpu.memory_space<hbm>>
    %dma_start3A_19 = tpu.memref_squeeze %dma_start3A_18 : memref<1x40x128xi32, #tpu.memory_space<hbm>> -> memref<40x128xi32, #tpu.memory_space<hbm>>
    tpu.enqueue_dma source(%dma_start3A_19 : memref<40x128xi32, #tpu.memory_space<hbm>>) target(%arg8 : memref<40x128xi32, #tpu.memory_space<vmem>>) target_semaphore(%arg13 : memref<!tpu.dma_semaphore, #tpu.memory_space<semaphore_mem>>)
    %dma_wait3A = arith.constant 0 : i32
    %dma_wait3A_20 = tpu.memref_slice %arg11[%mul3A_2, %dma_wait3A] : memref<10240x128xf32, #tpu.memory_space<vmem_shared>> -> memref<640x128xf32, #tpu.memory_space<vmem_shared>>
    tpu.wait_dma2 semaphore(%arg12 : memref<!tpu.dma_semaphore, #tpu.memory_space<semaphore_mem>>) src(%arg5 : memref<640x128xf32, #tpu.memory_space<hbm>>) dst(%dma_wait3A_20 : memref<640x128xf32, #tpu.memory_space<vmem_shared>>)
    %dma_wait3A_21 = arith.constant 0 : i32
    %dma_wait3A_22 = arith.constant 0 : i32
    %dma_wait3A_23 = tpu.memref_slice %arg3[%add3A, %dma_wait3A_21, %dma_wait3A_22] : memref<32x80x128xi32, #tpu.memory_space<hbm>> -> memref<1x40x128xi32, #tpu.memory_space<hbm>>
    %dma_wait3A_24 = tpu.memref_squeeze %dma_wait3A_23 : memref<1x40x128xi32, #tpu.memory_space<hbm>> -> memref<40x128xi32, #tpu.memory_space<hbm>>
    %dma_wait3A_25 = arith.constant 0 : i32
    %dma_wait3A_26 = arith.constant 0 : i32
    %dma_wait3A_27 = tpu.memref_slice %arg3[%add3A, %dma_wait3A_25, %dma_wait3A_26] : memref<32x80x128xi32, #tpu.memory_space<hbm>> -> memref<1x40x128xi32, #tpu.memory_space<hbm>>
    %dma_wait3A_28 = tpu.memref_squeeze %dma_wait3A_27 : memref<1x40x128xi32, #tpu.memory_space<hbm>> -> memref<40x128xi32, #tpu.memory_space<hbm>>
    tpu.wait_dma2 semaphore(%arg13 : memref<!tpu.dma_semaphore, #tpu.memory_space<semaphore_mem>>) src(%dma_wait3A_28 : memref<40x128xi32, #tpu.memory_space<hbm>>) dst(%arg7 : memref<40x128xi32, #tpu.memory_space<vmem>>)
    %dma_wait3A_29 = arith.constant 0 : i32
    %dma_wait3A_30 = arith.constant 0 : i32
    %dma_wait3A_31 = tpu.memref_slice %arg4[%add3A, %dma_wait3A_29, %dma_wait3A_30] : memref<32x80x128xi32, #tpu.memory_space<hbm>> -> memref<1x40x128xi32, #tpu.memory_space<hbm>>
    %dma_wait3A_32 = tpu.memref_squeeze %dma_wait3A_31 : memref<1x40x128xi32, #tpu.memory_space<hbm>> -> memref<40x128xi32, #tpu.memory_space<hbm>>
    %dma_wait3A_33 = arith.constant 0 : i32
    %dma_wait3A_34 = arith.constant 0 : i32
    %dma_wait3A_35 = tpu.memref_slice %arg4[%add3A, %dma_wait3A_33, %dma_wait3A_34] : memref<32x80x128xi32, #tpu.memory_space<hbm>> -> memref<1x40x128xi32, #tpu.memory_space<hbm>>
    %dma_wait3A_36 = tpu.memref_squeeze %dma_wait3A_35 : memref<1x40x128xi32, #tpu.memory_space<hbm>> -> memref<40x128xi32, #tpu.memory_space<hbm>>
    tpu.wait_dma2 semaphore(%arg13 : memref<!tpu.dma_semaphore, #tpu.memory_space<semaphore_mem>>) src(%dma_wait3A_36 : memref<40x128xi32, #tpu.memory_space<hbm>>) dst(%arg8 : memref<40x128xi32, #tpu.memory_space<vmem>>)
    %barrier3A = arith.constant 0 : index
    tpu.barrier barrier_id(%barrier3A)
    %dma_start3A_37 = arith.constant 0 : i32
    %dma_start3A_38 = arith.constant 0 : i32
    %dma_start3A_39 = tpu.memref_slice %arg7[%dma_start3A_37, %dma_start3A_38] : memref<40x128xi32, #tpu.memory_space<vmem>> -> memref<1x128xi32, #tpu.memory_space<vmem>>
    %dma_start3A_40 = tpu.memref_squeeze %dma_start3A_39 : memref<1x128xi32, #tpu.memory_space<vmem>> -> memref<128xi32, #tpu.memory_space<vmem>>
    %dma_start3A_41 = arith.constant 0 : i32
    %dma_start3A_42 = arith.constant 0 : i32
    %dma_start3A_43 = tpu.memref_slice %arg2[%dma_start3A_41, %dma_start3A_42] : memref<10128x128xf32, #tpu.memory_space<hbm>> -> memref<10128x128xf32, #tpu.memory_space<hbm>>
    tpu.enqueue_indirect_dma source(%dma_start3A_43 : memref<10128x128xf32, #tpu.memory_space<hbm>>) target(%arg9 : memref<128x128xf32, #tpu.memory_space<vmem>>) offsets(%dma_start3A_40 : memref<128xi32, #tpu.memory_space<vmem>>) semaphore(%arg12 : memref<!tpu.dma_semaphore, #tpu.memory_space<semaphore_mem>>)
    %dma_start3A_44 = arith.constant 1 : i32
    %dma_start3A_45 = arith.constant 0 : i32
    %dma_start3A_46 = tpu.memref_slice %arg7[%dma_start3A_44, %dma_start3A_45] : memref<40x128xi32, #tpu.memory_space<vmem>> -> memref<1x128xi32, #tpu.memory_space<vmem>>
    %dma_start3A_47 = tpu.memref_squeeze %dma_start3A_46 : memref<1x128xi32, #tpu.memory_space<vmem>> -> memref<128xi32, #tpu.memory_space<vmem>>
    %dma_start3A_48 = arith.constant 0 : i32
    %dma_start3A_49 = arith.constant 0 : i32
    %dma_start3A_50 = tpu.memref_slice %arg2[%dma_start3A_48, %dma_start3A_49] : memref<10128x128xf32, #tpu.memory_space<hbm>> -> memref<10128x128xf32, #tpu.memory_space<hbm>>
    tpu.enqueue_indirect_dma source(%dma_start3A_50 : memref<10128x128xf32, #tpu.memory_space<hbm>>) target(%arg10 : memref<128x128xf32, #tpu.memory_space<vmem>>) offsets(%dma_start3A_47 : memref<128xi32, #tpu.memory_space<vmem>>) semaphore(%arg13 : memref<!tpu.dma_semaphore, #tpu.memory_space<semaphore_mem>>)
    %scan3A = arith.constant 0 : i32
    %scan3A_51 = arith.constant 20 : i32
    %scan3A_52 = arith.addi %scan3A, %scan3A_51 : i32
    %scan3A_53 = arith.constant 1 : i32
    scf.for %scan3A_82 = %scan3A to %scan3A_52 step %scan3A_53  : i32 {
      %mul3A_83 = arith.constant 2 : i32
      %mul3A_84 = arith.muli %scan3A_82, %mul3A_83 : i32
      %add3A_85 = arith.constant 0 : i32
      %add3A_86 = arith.addi %add3A_85, %mul3A_84 : i32
      %dma_wait3A_87 = arith.constant 0 : i32
      %dma_wait3A_88 = arith.constant 0 : i32
      %dma_wait3A_89 = tpu.memref_slice %arg5[%dma_wait3A_87, %dma_wait3A_88] : memref<640x128xf32, #tpu.memory_space<hbm>> -> memref<128x128xf32, #tpu.memory_space<hbm>>
      %dma_wait3A_90 = arith.constant 0 : i32
      %dma_wait3A_91 = arith.constant 0 : i32
      %dma_wait3A_92 = tpu.memref_slice %arg5[%dma_wait3A_90, %dma_wait3A_91] : memref<640x128xf32, #tpu.memory_space<hbm>> -> memref<128x128xf32, #tpu.memory_space<hbm>>
      tpu.wait_dma2 semaphore(%arg12 : memref<!tpu.dma_semaphore, #tpu.memory_space<semaphore_mem>>) src(%dma_wait3A_92 : memref<128x128xf32, #tpu.memory_space<hbm>>) dst(%arg9 : memref<128x128xf32, #tpu.memory_space<vmem>>)
      "tpu.region"() ({
        %run_scoped3A = tpu.sem_alloc : memref<!tpu.dma_semaphore, #tpu.memory_space<semaphore_mem>>
        %dma_start3A_112 = arith.constant 0 : i32
        %dma_start3A_113 = tpu.memref_slice %arg8[%add3A_86, %dma_start3A_112] : memref<40x128xi32, #tpu.memory_space<vmem>> -> memref<1x128xi32, #tpu.memory_space<vmem>>
        %dma_start3A_114 = tpu.memref_squeeze %dma_start3A_113 : memref<1x128xi32, #tpu.memory_space<vmem>> -> memref<128xi32, #tpu.memory_space<vmem>>
        %dma_start3A_115 = arith.constant 0 : i32
        %dma_start3A_116 = arith.constant 0 : i32
        %dma_start3A_117 = tpu.memref_slice %arg11[%dma_start3A_115, %dma_start3A_116] : memref<10240x128xf32, #tpu.memory_space<vmem_shared>> -> memref<10240x128xf32, #tpu.memory_space<vmem_shared>>
        tpu.enqueue_indirect_dma source(%arg9 : memref<128x128xf32, #tpu.memory_space<vmem>>) target(%dma_start3A_117 : memref<10240x128xf32, #tpu.memory_space<vmem_shared>>) offsets(%dma_start3A_114 : memref<128xi32, #tpu.memory_space<vmem>>) semaphore(%run_scoped3A : memref<!tpu.dma_semaphore, #tpu.memory_space<semaphore_mem>>) {add = true}
        %dma_wait3A_118 = arith.constant 0 : i32
        %dma_wait3A_119 = tpu.memref_slice %arg8[%add3A_86, %dma_wait3A_118] : memref<40x128xi32, #tpu.memory_space<vmem>> -> memref<1x128xi32, #tpu.memory_space<vmem>>
        %dma_wait3A_120 = tpu.memref_squeeze %dma_wait3A_119 : memref<1x128xi32, #tpu.memory_space<vmem>> -> memref<128xi32, #tpu.memory_space<vmem>>
        %dma_wait3A_121 = arith.constant 0 : i32
        %dma_wait3A_122 = arith.constant 0 : i32
        %dma_wait3A_123 = tpu.memref_slice %arg11[%dma_wait3A_121, %dma_wait3A_122] : memref<10240x128xf32, #tpu.memory_space<vmem_shared>> -> memref<10240x128xf32, #tpu.memory_space<vmem_shared>>
        tpu.wait_indirect_dma semaphore(%run_scoped3A : memref<!tpu.dma_semaphore, #tpu.memory_space<semaphore_mem>>) src(%arg9 : memref<128x128xf32, #tpu.memory_space<vmem>>) dst(%dma_wait3A_123 : memref<10240x128xf32, #tpu.memory_space<vmem_shared>>)
        tpu.yield
      }) : () -> ()
      %add3A_93 = arith.constant 2 : i32
      %add3A_94 = arith.addi %add3A_86, %add3A_93 : i32
      %lt3A = arith.constant 40 : i32
      %lt3A_95 = arith.cmpi slt, %add3A_94, %lt3A : i32
      %convert_element_type3A = arith.extui %lt3A_95 : i1 to i32
      %cond3A = arith.constant 0 : i32
      %cond3A_96 = arith.cmpi ne, %convert_element_type3A, %cond3A : i32
      scf.if %cond3A_96 {
        %add3A_112 = arith.constant 2 : i32
        %add3A_113 = arith.addi %add3A_86, %add3A_112 : i32
        %dma_start3A_114 = arith.constant 0 : i32
        %dma_start3A_115 = tpu.memref_slice %arg7[%add3A_113, %dma_start3A_114] : memref<40x128xi32, #tpu.memory_space<vmem>> -> memref<1x128xi32, #tpu.memory_space<vmem>>
        %dma_start3A_116 = tpu.memref_squeeze %dma_start3A_115 : memref<1x128xi32, #tpu.memory_space<vmem>> -> memref<128xi32, #tpu.memory_space<vmem>>
        %dma_start3A_117 = arith.constant 0 : i32
        %dma_start3A_118 = arith.constant 0 : i32
        %dma_start3A_119 = tpu.memref_slice %arg2[%dma_start3A_117, %dma_start3A_118] : memref<10128x128xf32, #tpu.memory_space<hbm>> -> memref<10128x128xf32, #tpu.memory_space<hbm>>
        tpu.enqueue_indirect_dma source(%dma_start3A_119 : memref<10128x128xf32, #tpu.memory_space<hbm>>) target(%arg9 : memref<128x128xf32, #tpu.memory_space<vmem>>) offsets(%dma_start3A_116 : memref<128xi32, #tpu.memory_space<vmem>>) semaphore(%arg12 : memref<!tpu.dma_semaphore, #tpu.memory_space<semaphore_mem>>)
      } else {
      }
      %dma_wait3A_97 = arith.constant 0 : i32
      %dma_wait3A_98 = arith.constant 0 : i32
      %dma_wait3A_99 = tpu.memref_slice %arg5[%dma_wait3A_97, %dma_wait3A_98] : memref<640x128xf32, #tpu.memory_space<hbm>> -> memref<128x128xf32, #tpu.memory_space<hbm>>
      %dma_wait3A_100 = arith.constant 0 : i32
      %dma_wait3A_101 = arith.constant 0 : i32
      %dma_wait3A_102 = tpu.memref_slice %arg5[%dma_wait3A_100, %dma_wait3A_101] : memref<640x128xf32, #tpu.memory_space<hbm>> -> memref<128x128xf32, #tpu.memory_space<hbm>>
      tpu.wait_dma2 semaphore(%arg13 : memref<!tpu.dma_semaphore, #tpu.memory_space<semaphore_mem>>) src(%dma_wait3A_102 : memref<128x128xf32, #tpu.memory_space<hbm>>) dst(%arg10 : memref<128x128xf32, #tpu.memory_space<vmem>>)
      %add3A_103 = arith.constant 1 : i32
      %add3A_104 = arith.addi %add3A_86, %add3A_103 : i32
      "tpu.region"() ({
        %run_scoped3A = tpu.sem_alloc : memref<!tpu.dma_semaphore, #tpu.memory_space<semaphore_mem>>
        %dma_start3A_112 = arith.constant 0 : i32
        %dma_start3A_113 = tpu.memref_slice %arg8[%add3A_104, %dma_start3A_112] : memref<40x128xi32, #tpu.memory_space<vmem>> -> memref<1x128xi32, #tpu.memory_space<vmem>>
        %dma_start3A_114 = tpu.memref_squeeze %dma_start3A_113 : memref<1x128xi32, #tpu.memory_space<vmem>> -> memref<128xi32, #tpu.memory_space<vmem>>
        %dma_start3A_115 = arith.constant 0 : i32
        %dma_start3A_116 = arith.constant 0 : i32
        %dma_start3A_117 = tpu.memref_slice %arg11[%dma_start3A_115, %dma_start3A_116] : memref<10240x128xf32, #tpu.memory_space<vmem_shared>> -> memref<10240x128xf32, #tpu.memory_space<vmem_shared>>
        tpu.enqueue_indirect_dma source(%arg10 : memref<128x128xf32, #tpu.memory_space<vmem>>) target(%dma_start3A_117 : memref<10240x128xf32, #tpu.memory_space<vmem_shared>>) offsets(%dma_start3A_114 : memref<128xi32, #tpu.memory_space<vmem>>) semaphore(%run_scoped3A : memref<!tpu.dma_semaphore, #tpu.memory_space<semaphore_mem>>) {add = true}
        %dma_wait3A_118 = arith.constant 0 : i32
        %dma_wait3A_119 = tpu.memref_slice %arg8[%add3A_104, %dma_wait3A_118] : memref<40x128xi32, #tpu.memory_space<vmem>> -> memref<1x128xi32, #tpu.memory_space<vmem>>
        %dma_wait3A_120 = tpu.memref_squeeze %dma_wait3A_119 : memref<1x128xi32, #tpu.memory_space<vmem>> -> memref<128xi32, #tpu.memory_space<vmem>>
        %dma_wait3A_121 = arith.constant 0 : i32
        %dma_wait3A_122 = arith.constant 0 : i32
        %dma_wait3A_123 = tpu.memref_slice %arg11[%dma_wait3A_121, %dma_wait3A_122] : memref<10240x128xf32, #tpu.memory_space<vmem_shared>> -> memref<10240x128xf32, #tpu.memory_space<vmem_shared>>
        tpu.wait_indirect_dma semaphore(%run_scoped3A : memref<!tpu.dma_semaphore, #tpu.memory_space<semaphore_mem>>) src(%arg10 : memref<128x128xf32, #tpu.memory_space<vmem>>) dst(%dma_wait3A_123 : memref<10240x128xf32, #tpu.memory_space<vmem_shared>>)
        tpu.yield
      }) : () -> ()
      %add3A_105 = arith.constant 3 : i32
      %add3A_106 = arith.addi %add3A_86, %add3A_105 : i32
      %lt3A_107 = arith.constant 40 : i32
      %lt3A_108 = arith.cmpi slt, %add3A_106, %lt3A_107 : i32
      %convert_element_type3A_109 = arith.extui %lt3A_108 : i1 to i32
      %cond3A_110 = arith.constant 0 : i32
      %cond3A_111 = arith.cmpi ne, %convert_element_type3A_109, %cond3A_110 : i32
      scf.if %cond3A_111 {
        %add3A_112 = arith.constant 3 : i32
        %add3A_113 = arith.addi %add3A_86, %add3A_112 : i32
        %dma_start3A_114 = arith.constant 0 : i32
        %dma_start3A_115 = tpu.memref_slice %arg7[%add3A_113, %dma_start3A_114] : memref<40x128xi32, #tpu.memory_space<vmem>> -> memref<1x128xi32, #tpu.memory_space<vmem>>
        %dma_start3A_116 = tpu.memref_squeeze %dma_start3A_115 : memref<1x128xi32, #tpu.memory_space<vmem>> -> memref<128xi32, #tpu.memory_space<vmem>>
        %dma_start3A_117 = arith.constant 0 : i32
        %dma_start3A_118 = arith.constant 0 : i32
        %dma_start3A_119 = tpu.memref_slice %arg2[%dma_start3A_117, %dma_start3A_118] : memref<10128x128xf32, #tpu.memory_space<hbm>> -> memref<10128x128xf32, #tpu.memory_space<hbm>>
        tpu.enqueue_indirect_dma source(%dma_start3A_119 : memref<10128x128xf32, #tpu.memory_space<hbm>>) target(%arg10 : memref<128x128xf32, #tpu.memory_space<vmem>>) offsets(%dma_start3A_116 : memref<128xi32, #tpu.memory_space<vmem>>) semaphore(%arg13 : memref<!tpu.dma_semaphore, #tpu.memory_space<semaphore_mem>>)
      } else {
      }
    }
    %scan3A_54 = arith.constant 20 : i32
    "tpu.region"() ({
      %run_scoped3A = tpu.sem_alloc : memref<!tpu.dma_semaphore, #tpu.memory_space<semaphore_mem>>
      %dma_start3A_82 = arith.constant 40 : i32
      %dma_start3A_83 = arith.constant 0 : i32
      %dma_start3A_84 = tpu.memref_slice %arg3[%add3A, %dma_start3A_82, %dma_start3A_83] : memref<32x80x128xi32, #tpu.memory_space<hbm>> -> memref<1x40x128xi32, #tpu.memory_space<hbm>>
      %dma_start3A_85 = tpu.memref_squeeze %dma_start3A_84 : memref<1x40x128xi32, #tpu.memory_space<hbm>> -> memref<40x128xi32, #tpu.memory_space<hbm>>
      %dma_start3A_86 = arith.constant 40 : i32
      %dma_start3A_87 = arith.constant 0 : i32
      %dma_start3A_88 = tpu.memref_slice %arg3[%add3A, %dma_start3A_86, %dma_start3A_87] : memref<32x80x128xi32, #tpu.memory_space<hbm>> -> memref<1x40x128xi32, #tpu.memory_space<hbm>>
      %dma_start3A_89 = tpu.memref_squeeze %dma_start3A_88 : memref<1x40x128xi32, #tpu.memory_space<hbm>> -> memref<40x128xi32, #tpu.memory_space<hbm>>
      tpu.enqueue_dma source(%dma_start3A_89 : memref<40x128xi32, #tpu.memory_space<hbm>>) target(%arg7 : memref<40x128xi32, #tpu.memory_space<vmem>>) target_semaphore(%run_scoped3A : memref<!tpu.dma_semaphore, #tpu.memory_space<semaphore_mem>>)
      %dma_wait3A_90 = arith.constant 40 : i32
      %dma_wait3A_91 = arith.constant 0 : i32
      %dma_wait3A_92 = tpu.memref_slice %arg3[%add3A, %dma_wait3A_90, %dma_wait3A_91] : memref<32x80x128xi32, #tpu.memory_space<hbm>> -> memref<1x40x128xi32, #tpu.memory_space<hbm>>
      %dma_wait3A_93 = tpu.memref_squeeze %dma_wait3A_92 : memref<1x40x128xi32, #tpu.memory_space<hbm>> -> memref<40x128xi32, #tpu.memory_space<hbm>>
      %dma_wait3A_94 = arith.constant 40 : i32
      %dma_wait3A_95 = arith.constant 0 : i32
      %dma_wait3A_96 = tpu.memref_slice %arg3[%add3A, %dma_wait3A_94, %dma_wait3A_95] : memref<32x80x128xi32, #tpu.memory_space<hbm>> -> memref<1x40x128xi32, #tpu.memory_space<hbm>>
      %dma_wait3A_97 = tpu.memref_squeeze %dma_wait3A_96 : memref<1x40x128xi32, #tpu.memory_space<hbm>> -> memref<40x128xi32, #tpu.memory_space<hbm>>
      tpu.wait_dma2 semaphore(%run_scoped3A : memref<!tpu.dma_semaphore, #tpu.memory_space<semaphore_mem>>) src(%dma_wait3A_97 : memref<40x128xi32, #tpu.memory_space<hbm>>) dst(%arg7 : memref<40x128xi32, #tpu.memory_space<vmem>>)
      tpu.yield
    }) : () -> ()
    "tpu.region"() ({
      %run_scoped3A = tpu.sem_alloc : memref<!tpu.dma_semaphore, #tpu.memory_space<semaphore_mem>>
      %dma_start3A_82 = arith.constant 40 : i32
      %dma_start3A_83 = arith.constant 0 : i32
      %dma_start3A_84 = tpu.memref_slice %arg4[%add3A, %dma_start3A_82, %dma_start3A_83] : memref<32x80x128xi32, #tpu.memory_space<hbm>> -> memref<1x40x128xi32, #tpu.memory_space<hbm>>
      %dma_start3A_85 = tpu.memref_squeeze %dma_start3A_84 : memref<1x40x128xi32, #tpu.memory_space<hbm>> -> memref<40x128xi32, #tpu.memory_space<hbm>>
      %dma_start3A_86 = arith.constant 40 : i32
      %dma_start3A_87 = arith.constant 0 : i32
      %dma_start3A_88 = tpu.memref_slice %arg4[%add3A, %dma_start3A_86, %dma_start3A_87] : memref<32x80x128xi32, #tpu.memory_space<hbm>> -> memref<1x40x128xi32, #tpu.memory_space<hbm>>
      %dma_start3A_89 = tpu.memref_squeeze %dma_start3A_88 : memref<1x40x128xi32, #tpu.memory_space<hbm>> -> memref<40x128xi32, #tpu.memory_space<hbm>>
      tpu.enqueue_dma source(%dma_start3A_89 : memref<40x128xi32, #tpu.memory_space<hbm>>) target(%arg8 : memref<40x128xi32, #tpu.memory_space<vmem>>) target_semaphore(%run_scoped3A : memref<!tpu.dma_semaphore, #tpu.memory_space<semaphore_mem>>)
      %dma_wait3A_90 = arith.constant 40 : i32
      %dma_wait3A_91 = arith.constant 0 : i32
      %dma_wait3A_92 = tpu.memref_slice %arg4[%add3A, %dma_wait3A_90, %dma_wait3A_91] : memref<32x80x128xi32, #tpu.memory_space<hbm>> -> memref<1x40x128xi32, #tpu.memory_space<hbm>>
      %dma_wait3A_93 = tpu.memref_squeeze %dma_wait3A_92 : memref<1x40x128xi32, #tpu.memory_space<hbm>> -> memref<40x128xi32, #tpu.memory_space<hbm>>
      %dma_wait3A_94 = arith.constant 40 : i32
      %dma_wait3A_95 = arith.constant 0 : i32
      %dma_wait3A_96 = tpu.memref_slice %arg4[%add3A, %dma_wait3A_94, %dma_wait3A_95] : memref<32x80x128xi32, #tpu.memory_space<hbm>> -> memref<1x40x128xi32, #tpu.memory_space<hbm>>
      %dma_wait3A_97 = tpu.memref_squeeze %dma_wait3A_96 : memref<1x40x128xi32, #tpu.memory_space<hbm>> -> memref<40x128xi32, #tpu.memory_space<hbm>>
      tpu.wait_dma2 semaphore(%run_scoped3A : memref<!tpu.dma_semaphore, #tpu.memory_space<semaphore_mem>>) src(%dma_wait3A_97 : memref<40x128xi32, #tpu.memory_space<hbm>>) dst(%arg8 : memref<40x128xi32, #tpu.memory_space<vmem>>)
      tpu.yield
    }) : () -> ()
    %dma_start3A_55 = arith.constant 0 : i32
    %dma_start3A_56 = arith.constant 0 : i32
    %dma_start3A_57 = tpu.memref_slice %arg7[%dma_start3A_55, %dma_start3A_56] : memref<40x128xi32, #tpu.memory_space<vmem>> -> memref<1x128xi32, #tpu.memory_space<vmem>>
    %dma_start3A_58 = tpu.memref_squeeze %dma_start3A_57 : memref<1x128xi32, #tpu.memory_space<vmem>> -> memref<128xi32, #tpu.memory_space<vmem>>
    %dma_start3A_59 = arith.constant 0 : i32
    %dma_start3A_60 = arith.constant 0 : i32
    %dma_start3A_61 = tpu.memref_slice %arg2[%dma_start3A_59, %dma_start3A_60] : memref<10128x128xf32, #tpu.memory_space<hbm>> -> memref<10128x128xf32, #tpu.memory_space<hbm>>
    tpu.enqueue_indirect_dma source(%dma_start3A_61 : memref<10128x128xf32, #tpu.memory_space<hbm>>) target(%arg9 : memref<128x128xf32, #tpu.memory_space<vmem>>) offsets(%dma_start3A_58 : memref<128xi32, #tpu.memory_space<vmem>>) semaphore(%arg12 : memref<!tpu.dma_semaphore, #tpu.memory_space<semaphore_mem>>)
    %dma_start3A_62 = arith.constant 1 : i32
    %dma_start3A_63 = arith.constant 0 : i32
    %dma_start3A_64 = tpu.memref_slice %arg7[%dma_start3A_62, %dma_start3A_63] : memref<40x128xi32, #tpu.memory_space<vmem>> -> memref<1x128xi32, #tpu.memory_space<vmem>>
    %dma_start3A_65 = tpu.memref_squeeze %dma_start3A_64 : memref<1x128xi32, #tpu.memory_space<vmem>> -> memref<128xi32, #tpu.memory_space<vmem>>
    %dma_start3A_66 = arith.constant 0 : i32
    %dma_start3A_67 = arith.constant 0 : i32
    %dma_start3A_68 = tpu.memref_slice %arg2[%dma_start3A_66, %dma_start3A_67] : memref<10128x128xf32, #tpu.memory_space<hbm>> -> memref<10128x128xf32, #tpu.memory_space<hbm>>
    tpu.enqueue_indirect_dma source(%dma_start3A_68 : memref<10128x128xf32, #tpu.memory_space<hbm>>) target(%arg10 : memref<128x128xf32, #tpu.memory_space<vmem>>) offsets(%dma_start3A_65 : memref<128xi32, #tpu.memory_space<vmem>>) semaphore(%arg13 : memref<!tpu.dma_semaphore, #tpu.memory_space<semaphore_mem>>)
    %scan3A_69 = arith.constant 0 : i32
    %scan3A_70 = arith.constant 20 : i32
    %scan3A_71 = arith.addi %scan3A_69, %scan3A_70 : i32
    %scan3A_72 = arith.constant 1 : i32
    scf.for %scan3A_82 = %scan3A_69 to %scan3A_71 step %scan3A_72  : i32 {
      %mul3A_83 = arith.constant 2 : i32
      %mul3A_84 = arith.muli %scan3A_82, %mul3A_83 : i32
      %add3A_85 = arith.constant 0 : i32
      %add3A_86 = arith.addi %add3A_85, %mul3A_84 : i32
      %dma_wait3A_87 = arith.constant 0 : i32
      %dma_wait3A_88 = arith.constant 0 : i32
      %dma_wait3A_89 = tpu.memref_slice %arg5[%dma_wait3A_87, %dma_wait3A_88] : memref<640x128xf32, #tpu.memory_space<hbm>> -> memref<128x128xf32, #tpu.memory_space<hbm>>
      %dma_wait3A_90 = arith.constant 0 : i32
      %dma_wait3A_91 = arith.constant 0 : i32
      %dma_wait3A_92 = tpu.memref_slice %arg5[%dma_wait3A_90, %dma_wait3A_91] : memref<640x128xf32, #tpu.memory_space<hbm>> -> memref<128x128xf32, #tpu.memory_space<hbm>>
      tpu.wait_dma2 semaphore(%arg12 : memref<!tpu.dma_semaphore, #tpu.memory_space<semaphore_mem>>) src(%dma_wait3A_92 : memref<128x128xf32, #tpu.memory_space<hbm>>) dst(%arg9 : memref<128x128xf32, #tpu.memory_space<vmem>>)
      "tpu.region"() ({
        %run_scoped3A = tpu.sem_alloc : memref<!tpu.dma_semaphore, #tpu.memory_space<semaphore_mem>>
        %dma_start3A_112 = arith.constant 0 : i32
        %dma_start3A_113 = tpu.memref_slice %arg8[%add3A_86, %dma_start3A_112] : memref<40x128xi32, #tpu.memory_space<vmem>> -> memref<1x128xi32, #tpu.memory_space<vmem>>
        %dma_start3A_114 = tpu.memref_squeeze %dma_start3A_113 : memref<1x128xi32, #tpu.memory_space<vmem>> -> memref<128xi32, #tpu.memory_space<vmem>>
        %dma_start3A_115 = arith.constant 0 : i32
        %dma_start3A_116 = arith.constant 0 : i32
        %dma_start3A_117 = tpu.memref_slice %arg11[%dma_start3A_115, %dma_start3A_116] : memref<10240x128xf32, #tpu.memory_space<vmem_shared>> -> memref<10240x128xf32, #tpu.memory_space<vmem_shared>>
        tpu.enqueue_indirect_dma source(%arg9 : memref<128x128xf32, #tpu.memory_space<vmem>>) target(%dma_start3A_117 : memref<10240x128xf32, #tpu.memory_space<vmem_shared>>) offsets(%dma_start3A_114 : memref<128xi32, #tpu.memory_space<vmem>>) semaphore(%run_scoped3A : memref<!tpu.dma_semaphore, #tpu.memory_space<semaphore_mem>>) {add = true}
        %dma_wait3A_118 = arith.constant 0 : i32
        %dma_wait3A_119 = tpu.memref_slice %arg8[%add3A_86, %dma_wait3A_118] : memref<40x128xi32, #tpu.memory_space<vmem>> -> memref<1x128xi32, #tpu.memory_space<vmem>>
        %dma_wait3A_120 = tpu.memref_squeeze %dma_wait3A_119 : memref<1x128xi32, #tpu.memory_space<vmem>> -> memref<128xi32, #tpu.memory_space<vmem>>
        %dma_wait3A_121 = arith.constant 0 : i32
        %dma_wait3A_122 = arith.constant 0 : i32
        %dma_wait3A_123 = tpu.memref_slice %arg11[%dma_wait3A_121, %dma_wait3A_122] : memref<10240x128xf32, #tpu.memory_space<vmem_shared>> -> memref<10240x128xf32, #tpu.memory_space<vmem_shared>>
        tpu.wait_indirect_dma semaphore(%run_scoped3A : memref<!tpu.dma_semaphore, #tpu.memory_space<semaphore_mem>>) src(%arg9 : memref<128x128xf32, #tpu.memory_space<vmem>>) dst(%dma_wait3A_123 : memref<10240x128xf32, #tpu.memory_space<vmem_shared>>)
        tpu.yield
      }) : () -> ()
      %add3A_93 = arith.constant 2 : i32
      %add3A_94 = arith.addi %add3A_86, %add3A_93 : i32
      %lt3A = arith.constant 40 : i32
      %lt3A_95 = arith.cmpi slt, %add3A_94, %lt3A : i32
      %convert_element_type3A = arith.extui %lt3A_95 : i1 to i32
      %cond3A = arith.constant 0 : i32
      %cond3A_96 = arith.cmpi ne, %convert_element_type3A, %cond3A : i32
      scf.if %cond3A_96 {
        %add3A_112 = arith.constant 2 : i32
        %add3A_113 = arith.addi %add3A_86, %add3A_112 : i32
        %dma_start3A_114 = arith.constant 0 : i32
        %dma_start3A_115 = tpu.memref_slice %arg7[%add3A_113, %dma_start3A_114] : memref<40x128xi32, #tpu.memory_space<vmem>> -> memref<1x128xi32, #tpu.memory_space<vmem>>
        %dma_start3A_116 = tpu.memref_squeeze %dma_start3A_115 : memref<1x128xi32, #tpu.memory_space<vmem>> -> memref<128xi32, #tpu.memory_space<vmem>>
        %dma_start3A_117 = arith.constant 0 : i32
        %dma_start3A_118 = arith.constant 0 : i32
        %dma_start3A_119 = tpu.memref_slice %arg2[%dma_start3A_117, %dma_start3A_118] : memref<10128x128xf32, #tpu.memory_space<hbm>> -> memref<10128x128xf32, #tpu.memory_space<hbm>>
        tpu.enqueue_indirect_dma source(%dma_start3A_119 : memref<10128x128xf32, #tpu.memory_space<hbm>>) target(%arg9 : memref<128x128xf32, #tpu.memory_space<vmem>>) offsets(%dma_start3A_116 : memref<128xi32, #tpu.memory_space<vmem>>) semaphore(%arg12 : memref<!tpu.dma_semaphore, #tpu.memory_space<semaphore_mem>>)
      } else {
      }
      %dma_wait3A_97 = arith.constant 0 : i32
      %dma_wait3A_98 = arith.constant 0 : i32
      %dma_wait3A_99 = tpu.memref_slice %arg5[%dma_wait3A_97, %dma_wait3A_98] : memref<640x128xf32, #tpu.memory_space<hbm>> -> memref<128x128xf32, #tpu.memory_space<hbm>>
      %dma_wait3A_100 = arith.constant 0 : i32
      %dma_wait3A_101 = arith.constant 0 : i32
      %dma_wait3A_102 = tpu.memref_slice %arg5[%dma_wait3A_100, %dma_wait3A_101] : memref<640x128xf32, #tpu.memory_space<hbm>> -> memref<128x128xf32, #tpu.memory_space<hbm>>
      tpu.wait_dma2 semaphore(%arg13 : memref<!tpu.dma_semaphore, #tpu.memory_space<semaphore_mem>>) src(%dma_wait3A_102 : memref<128x128xf32, #tpu.memory_space<hbm>>) dst(%arg10 : memref<128x128xf32, #tpu.memory_space<vmem>>)
      %add3A_103 = arith.constant 1 : i32
      %add3A_104 = arith.addi %add3A_86, %add3A_103 : i32
      "tpu.region"() ({
        %run_scoped3A = tpu.sem_alloc : memref<!tpu.dma_semaphore, #tpu.memory_space<semaphore_mem>>
        %dma_start3A_112 = arith.constant 0 : i32
        %dma_start3A_113 = tpu.memref_slice %arg8[%add3A_104, %dma_start3A_112] : memref<40x128xi32, #tpu.memory_space<vmem>> -> memref<1x128xi32, #tpu.memory_space<vmem>>
        %dma_start3A_114 = tpu.memref_squeeze %dma_start3A_113 : memref<1x128xi32, #tpu.memory_space<vmem>> -> memref<128xi32, #tpu.memory_space<vmem>>
        %dma_start3A_115 = arith.constant 0 : i32
        %dma_start3A_116 = arith.constant 0 : i32
        %dma_start3A_117 = tpu.memref_slice %arg11[%dma_start3A_115, %dma_start3A_116] : memref<10240x128xf32, #tpu.memory_space<vmem_shared>> -> memref<10240x128xf32, #tpu.memory_space<vmem_shared>>
        tpu.enqueue_indirect_dma source(%arg10 : memref<128x128xf32, #tpu.memory_space<vmem>>) target(%dma_start3A_117 : memref<10240x128xf32, #tpu.memory_space<vmem_shared>>) offsets(%dma_start3A_114 : memref<128xi32, #tpu.memory_space<vmem>>) semaphore(%run_scoped3A : memref<!tpu.dma_semaphore, #tpu.memory_space<semaphore_mem>>) {add = true}
        %dma_wait3A_118 = arith.constant 0 : i32
        %dma_wait3A_119 = tpu.memref_slice %arg8[%add3A_104, %dma_wait3A_118] : memref<40x128xi32, #tpu.memory_space<vmem>> -> memref<1x128xi32, #tpu.memory_space<vmem>>
        %dma_wait3A_120 = tpu.memref_squeeze %dma_wait3A_119 : memref<1x128xi32, #tpu.memory_space<vmem>> -> memref<128xi32, #tpu.memory_space<vmem>>
        %dma_wait3A_121 = arith.constant 0 : i32
        %dma_wait3A_122 = arith.constant 0 : i32
        %dma_wait3A_123 = tpu.memref_slice %arg11[%dma_wait3A_121, %dma_wait3A_122] : memref<10240x128xf32, #tpu.memory_space<vmem_shared>> -> memref<10240x128xf32, #tpu.memory_space<vmem_shared>>
        tpu.wait_indirect_dma semaphore(%run_scoped3A : memref<!tpu.dma_semaphore, #tpu.memory_space<semaphore_mem>>) src(%arg10 : memref<128x128xf32, #tpu.memory_space<vmem>>) dst(%dma_wait3A_123 : memref<10240x128xf32, #tpu.memory_space<vmem_shared>>)
        tpu.yield
      }) : () -> ()
      %add3A_105 = arith.constant 3 : i32
      %add3A_106 = arith.addi %add3A_86, %add3A_105 : i32
      %lt3A_107 = arith.constant 40 : i32
      %lt3A_108 = arith.cmpi slt, %add3A_106, %lt3A_107 : i32
      %convert_element_type3A_109 = arith.extui %lt3A_108 : i1 to i32
      %cond3A_110 = arith.constant 0 : i32
      %cond3A_111 = arith.cmpi ne, %convert_element_type3A_109, %cond3A_110 : i32
      scf.if %cond3A_111 {
        %add3A_112 = arith.constant 3 : i32
        %add3A_113 = arith.addi %add3A_86, %add3A_112 : i32
        %dma_start3A_114 = arith.constant 0 : i32
        %dma_start3A_115 = tpu.memref_slice %arg7[%add3A_113, %dma_start3A_114] : memref<40x128xi32, #tpu.memory_space<vmem>> -> memref<1x128xi32, #tpu.memory_space<vmem>>
        %dma_start3A_116 = tpu.memref_squeeze %dma_start3A_115 : memref<1x128xi32, #tpu.memory_space<vmem>> -> memref<128xi32, #tpu.memory_space<vmem>>
        %dma_start3A_117 = arith.constant 0 : i32
        %dma_start3A_118 = arith.constant 0 : i32
        %dma_start3A_119 = tpu.memref_slice %arg2[%dma_start3A_117, %dma_start3A_118] : memref<10128x128xf32, #tpu.memory_space<hbm>> -> memref<10128x128xf32, #tpu.memory_space<hbm>>
        tpu.enqueue_indirect_dma source(%dma_start3A_119 : memref<10128x128xf32, #tpu.memory_space<hbm>>) target(%arg10 : memref<128x128xf32, #tpu.memory_space<vmem>>) offsets(%dma_start3A_116 : memref<128xi32, #tpu.memory_space<vmem>>) semaphore(%arg13 : memref<!tpu.dma_semaphore, #tpu.memory_space<semaphore_mem>>)
      } else {
      }
    }
    %scan3A_73 = arith.constant 20 : i32
    %barrier3A_74 = arith.constant 0 : index
    tpu.barrier barrier_id(%barrier3A_74)
    %mul3A_75 = arith.constant 640 : i32
    %mul3A_76 = arith.muli %arg1, %mul3A_75 : i32
    %mul3A_77 = arith.constant 10240 : i32
    %mul3A_78 = arith.muli %arg0, %mul3A_77 : i32
    %mul3A_79 = arith.constant 640 : i32
    %mul3A_80 = arith.muli %arg1, %mul3A_79 : i32
    %add3A_81 = arith.addi %mul3A_78, %mul3A_80 : i32
    "tpu.region"() ({
      %run_scoped3A = tpu.sem_alloc : memref<!tpu.dma_semaphore, #tpu.memory_space<semaphore_mem>>
      %dma_start3A_82 = arith.constant 0 : i32
      %dma_start3A_83 = tpu.memref_slice %arg6[%add3A_81, %dma_start3A_82] : memref<20480x128xf32, #tpu.memory_space<hbm>> -> memref<640x128xf32, #tpu.memory_space<hbm>>
      %dma_start3A_84 = arith.constant 0 : i32
      %dma_start3A_85 = tpu.memref_slice %arg11[%mul3A_76, %dma_start3A_84] : memref<10240x128xf32, #tpu.memory_space<vmem_shared>> -> memref<640x128xf32, #tpu.memory_space<vmem_shared>>
      tpu.enqueue_dma source(%dma_start3A_85 : memref<640x128xf32, #tpu.memory_space<vmem_shared>>) target(%dma_start3A_83 : memref<640x128xf32, #tpu.memory_space<hbm>>) target_semaphore(%run_scoped3A : memref<!tpu.dma_semaphore, #tpu.memory_space<semaphore_mem>>)
      %dma_wait3A_86 = arith.constant 0 : i32
      %dma_wait3A_87 = tpu.memref_slice %arg6[%add3A_81, %dma_wait3A_86] : memref<20480x128xf32, #tpu.memory_space<hbm>> -> memref<640x128xf32, #tpu.memory_space<hbm>>
      %dma_wait3A_88 = arith.constant 0 : i32
      %dma_wait3A_89 = tpu.memref_slice %arg11[%mul3A_76, %dma_wait3A_88] : memref<10240x128xf32, #tpu.memory_space<vmem_shared>> -> memref<640x128xf32, #tpu.memory_space<vmem_shared>>
      tpu.wait_dma2 semaphore(%run_scoped3A : memref<!tpu.dma_semaphore, #tpu.memory_space<semaphore_mem>>) src(%dma_wait3A_89 : memref<640x128xf32, #tpu.memory_space<vmem_shared>>) dst(%dma_wait3A_87 : memref<640x128xf32, #tpu.memory_space<hbm>>)
      tpu.yield
    }) : () -> ()
    return
  }
}

#map = affine_map<(d0, d1) -> (0, 0)>
#map1 = affine_map<(d0, d1) -> (0, 0, 0)>
module attributes {stable_mosaic.version = 14 : i64} {
  func.func @_msg_pass(%arg0: i32, %arg1: i32, %arg2: memref<10128x128xf32, #tpu.memory_space<hbm>>, %arg3: memref<32x80x128xi32, #tpu.memory_space<hbm>>, %arg4: memref<32x80x128xi32, #tpu.memory_space<hbm>>, %arg5: memref<640x128xf32, #tpu.memory_space<hbm>>, %arg6: memref<20480x128xf32, #tpu.memory_space<hbm>>, %arg7: memref<40x128xi32, #tpu.memory_space<vmem>>, %arg8: memref<40x128xi32, #tpu.memory_space<vmem>>, %arg9: memref<128x128xf32, #tpu.memory_space<vmem>>, %arg10: memref<128x128xf32, #tpu.memory_space<vmem>>, %arg11: memref<10240x128xf32, #tpu.memory_space<vmem_shared>>, %arg12: memref<!tpu.dma_semaphore, #tpu.memory_space<semaphore_mem>>, %arg13: memref<!tpu.dma_semaphore, #tpu.memory_space<semaphore_mem>>) attributes {dimension_semantics = [#tpu.dimension_semantics<core_parallel>, #tpu.dimension_semantics<subcore_parallel>], iteration_bounds = array<i64: 2, 16>, scalar_prefetch = 0 : i64, scratch_operands = 7 : i64, tpu.core_type = #tpu.core_type<sc_vector_subcore>, window_params = [{transform_indices = #map}, {transform_indices = #map1}, {transform_indices = #map1}, {transform_indices = #map}, {transform_indices = #map}]} {
    %mul3A = arith.constant 16 : i32
    %mul3A_0 = arith.muli %arg0, %mul3A : i32
    %add3A = arith.addi %mul3A_0, %arg1 : i32
    %mul3A_1 = arith.constant 640 : i32
    %mul3A_2 = arith.muli %arg1, %mul3A_1 : i32
    %dma_start3A = arith.constant 0 : i32
    %dma_start3A_3 = tpu.memref_slice %arg11[%mul3A_2, %dma_start3A] : memref<10240x128xf32, #tpu.memory_space<vmem_shared>> -> memref<640x128xf32, #tpu.memory_space<vmem_shared>>
    tpu.enqueue_dma source(%arg5 : memref<640x128xf32, #tpu.memory_space<hbm>>) target(%dma_start3A_3 : memref<640x128xf32, #tpu.memory_space<vmem_shared>>) target_semaphore(%arg12 : memref<!tpu.dma_semaphore, #tpu.memory_space<semaphore_mem>>)
    %dma_start3A_4 = arith.constant 0 : i32
    %dma_start3A_5 = arith.constant 0 : i32
    %dma_start3A_6 = tpu.memref_slice %arg3[%add3A, %dma_start3A_4, %dma_start3A_5] : memref<32x80x128xi32, #tpu.memory_space<hbm>> -> memref<1x40x128xi32, #tpu.memory_space<hbm>>
    %dma_start3A_7 = tpu.memref_squeeze %dma_start3A_6 : memref<1x40x128xi32, #tpu.memory_space<hbm>> -> memref<40x128xi32, #tpu.memory_space<hbm>>
    %dma_start3A_8 = arith.constant 0 : i32
    %dma_start3A_9 = arith.constant 0 : i32
    %dma_start3A_10 = tpu.memref_slice %arg3[%add3A, %dma_start3A_8, %dma_start3A_9] : memref<32x80x128xi32, #tpu.memory_space<hbm>> -> memref<1x40x128xi32, #tpu.memory_space<hbm>>
    %dma_start3A_11 = tpu.memref_squeeze %dma_start3A_10 : memref<1x40x128xi32, #tpu.memory_space<hbm>> -> memref<40x128xi32, #tpu.memory_space<hbm>>
    tpu.enqueue_dma source(%dma_start3A_11 : memref<40x128xi32, #tpu.memory_space<hbm>>) target(%arg7 : memref<40x128xi32, #tpu.memory_space<vmem>>) target_semaphore(%arg13 : memref<!tpu.dma_semaphore, #tpu.memory_space<semaphore_mem>>)
    %dma_start3A_12 = arith.constant 0 : i32
    %dma_start3A_13 = arith.constant 0 : i32
    %dma_start3A_14 = tpu.memref_slice %arg4[%add3A, %dma_start3A_12, %dma_start3A_13] : memref<32x80x128xi32, #tpu.memory_space<hbm>> -> memref<1x40x128xi32, #tpu.memory_space<hbm>>
    %dma_start3A_15 = tpu.memref_squeeze %dma_start3A_14 : memref<1x40x128xi32, #tpu.memory_space<hbm>> -> memref<40x128xi32, #tpu.memory_space<hbm>>
    %dma_start3A_16 = arith.constant 0 : i32
    %dma_start3A_17 = arith.constant 0 : i32
    %dma_start3A_18 = tpu.memref_slice %arg4[%add3A, %dma_start3A_16, %dma_start3A_17] : memref<32x80x128xi32, #tpu.memory_space<hbm>> -> memref<1x40x128xi32, #tpu.memory_space<hbm>>
    %dma_start3A_19 = tpu.memref_squeeze %dma_start3A_18 : memref<1x40x128xi32, #tpu.memory_space<hbm>> -> memref<40x128xi32, #tpu.memory_space<hbm>>
    tpu.enqueue_dma source(%dma_start3A_19 : memref<40x128xi32, #tpu.memory_space<hbm>>) target(%arg8 : memref<40x128xi32, #tpu.memory_space<vmem>>) target_semaphore(%arg13 : memref<!tpu.dma_semaphore, #tpu.memory_space<semaphore_mem>>)
    %dma_wait3A = arith.constant 0 : i32
    %dma_wait3A_20 = tpu.memref_slice %arg11[%mul3A_2, %dma_wait3A] : memref<10240x128xf32, #tpu.memory_space<vmem_shared>> -> memref<640x128xf32, #tpu.memory_space<vmem_shared>>
    tpu.wait_dma2 semaphore(%arg12 : memref<!tpu.dma_semaphore, #tpu.memory_space<semaphore_mem>>) src(%arg5 : memref<640x128xf32, #tpu.memory_space<hbm>>) dst(%dma_wait3A_20 : memref<640x128xf32, #tpu.memory_space<vmem_shared>>)
    %dma_wait3A_21 = arith.constant 0 : i32
    %dma_wait3A_22 = arith.constant 0 : i32
    %dma_wait3A_23 = tpu.memref_slice %arg3[%add3A, %dma_wait3A_21, %dma_wait3A_22] : memref<32x80x128xi32, #tpu.memory_space<hbm>> -> memref<1x40x128xi32, #tpu.memory_space<hbm>>
    %dma_wait3A_24 = tpu.memref_squeeze %dma_wait3A_23 : memref<1x40x128xi32, #tpu.memory_space<hbm>> -> memref<40x128xi32, #tpu.memory_space<hbm>>
    %dma_wait3A_25 = arith.constant 0 : i32
    %dma_wait3A_26 = arith.constant 0 : i32
    %dma_wait3A_27 = tpu.memref_slice %arg3[%add3A, %dma_wait3A_25, %dma_wait3A_26] : memref<32x80x128xi32, #tpu.memory_space<hbm>> -> memref<1x40x128xi32, #tpu.memory_space<hbm>>
    %dma_wait3A_28 = tpu.memref_squeeze %dma_wait3A_27 : memref<1x40x128xi32, #tpu.memory_space<hbm>> -> memref<40x128xi32, #tpu.memory_space<hbm>>
    tpu.wait_dma2 semaphore(%arg13 : memref<!tpu.dma_semaphore, #tpu.memory_space<semaphore_mem>>) src(%dma_wait3A_28 : memref<40x128xi32, #tpu.memory_space<hbm>>) dst(%arg7 : memref<40x128xi32, #tpu.memory_space<vmem>>)
    %dma_wait3A_29 = arith.constant 0 : i32
    %dma_wait3A_30 = arith.constant 0 : i32
    %dma_wait3A_31 = tpu.memref_slice %arg4[%add3A, %dma_wait3A_29, %dma_wait3A_30] : memref<32x80x128xi32, #tpu.memory_space<hbm>> -> memref<1x40x128xi32, #tpu.memory_space<hbm>>
    %dma_wait3A_32 = tpu.memref_squeeze %dma_wait3A_31 : memref<1x40x128xi32, #tpu.memory_space<hbm>> -> memref<40x128xi32, #tpu.memory_space<hbm>>
    %dma_wait3A_33 = arith.constant 0 : i32
    %dma_wait3A_34 = arith.constant 0 : i32
    %dma_wait3A_35 = tpu.memref_slice %arg4[%add3A, %dma_wait3A_33, %dma_wait3A_34] : memref<32x80x128xi32, #tpu.memory_space<hbm>> -> memref<1x40x128xi32, #tpu.memory_space<hbm>>
    %dma_wait3A_36 = tpu.memref_squeeze %dma_wait3A_35 : memref<1x40x128xi32, #tpu.memory_space<hbm>> -> memref<40x128xi32, #tpu.memory_space<hbm>>
    tpu.wait_dma2 semaphore(%arg13 : memref<!tpu.dma_semaphore, #tpu.memory_space<semaphore_mem>>) src(%dma_wait3A_36 : memref<40x128xi32, #tpu.memory_space<hbm>>) dst(%arg8 : memref<40x128xi32, #tpu.memory_space<vmem>>)
    %barrier3A = arith.constant 0 : index
    tpu.barrier barrier_id(%barrier3A)
    %dma_start3A_37 = arith.constant 0 : i32
    %dma_start3A_38 = arith.constant 0 : i32
    %dma_start3A_39 = tpu.memref_slice %arg7[%dma_start3A_37, %dma_start3A_38] : memref<40x128xi32, #tpu.memory_space<vmem>> -> memref<1x128xi32, #tpu.memory_space<vmem>>
    %dma_start3A_40 = tpu.memref_squeeze %dma_start3A_39 : memref<1x128xi32, #tpu.memory_space<vmem>> -> memref<128xi32, #tpu.memory_space<vmem>>
    %dma_start3A_41 = arith.constant 0 : i32
    %dma_start3A_42 = arith.constant 0 : i32
    %dma_start3A_43 = tpu.memref_slice %arg2[%dma_start3A_41, %dma_start3A_42] : memref<10128x128xf32, #tpu.memory_space<hbm>> -> memref<10128x128xf32, #tpu.memory_space<hbm>>
    tpu.enqueue_indirect_dma source(%dma_start3A_43 : memref<10128x128xf32, #tpu.memory_space<hbm>>) target(%arg9 : memref<128x128xf32, #tpu.memory_space<vmem>>) offsets(%dma_start3A_40 : memref<128xi32, #tpu.memory_space<vmem>>) semaphore(%arg12 : memref<!tpu.dma_semaphore, #tpu.memory_space<semaphore_mem>>)
    %dma_start3A_44 = arith.constant 1 : i32
    %dma_start3A_45 = arith.constant 0 : i32
    %dma_start3A_46 = tpu.memref_slice %arg7[%dma_start3A_44, %dma_start3A_45] : memref<40x128xi32, #tpu.memory_space<vmem>> -> memref<1x128xi32, #tpu.memory_space<vmem>>
    %dma_start3A_47 = tpu.memref_squeeze %dma_start3A_46 : memref<1x128xi32, #tpu.memory_space<vmem>> -> memref<128xi32, #tpu.memory_space<vmem>>
    %dma_start3A_48 = arith.constant 0 : i32
    %dma_start3A_49 = arith.constant 0 : i32
    %dma_start3A_50 = tpu.memref_slice %arg2[%dma_start3A_48, %dma_start3A_49] : memref<10128x128xf32, #tpu.memory_space<hbm>> -> memref<10128x128xf32, #tpu.memory_space<hbm>>
    tpu.enqueue_indirect_dma source(%dma_start3A_50 : memref<10128x128xf32, #tpu.memory_space<hbm>>) target(%arg10 : memref<128x128xf32, #tpu.memory_space<vmem>>) offsets(%dma_start3A_47 : memref<128xi32, #tpu.memory_space<vmem>>) semaphore(%arg13 : memref<!tpu.dma_semaphore, #tpu.memory_space<semaphore_mem>>)
    %scan3A = arith.constant 0 : i32
    %scan3A_51 = arith.constant 20 : i32
    %scan3A_52 = arith.addi %scan3A, %scan3A_51 : i32
    %scan3A_53 = arith.constant 1 : i32
    scf.for %scan3A_82 = %scan3A to %scan3A_52 step %scan3A_53  : i32 {
      %mul3A_83 = arith.constant 2 : i32
      %mul3A_84 = arith.muli %scan3A_82, %mul3A_83 : i32
      %add3A_85 = arith.constant 0 : i32
      %add3A_86 = arith.addi %add3A_85, %mul3A_84 : i32
      %dma_wait3A_87 = arith.constant 0 : i32
      %dma_wait3A_88 = arith.constant 0 : i32
      %dma_wait3A_89 = tpu.memref_slice %arg5[%dma_wait3A_87, %dma_wait3A_88] : memref<640x128xf32, #tpu.memory_space<hbm>> -> memref<128x128xf32, #tpu.memory_space<hbm>>
      %dma_wait3A_90 = arith.constant 0 : i32
      %dma_wait3A_91 = arith.constant 0 : i32
      %dma_wait3A_92 = tpu.memref_slice %arg5[%dma_wait3A_90, %dma_wait3A_91] : memref<640x128xf32, #tpu.memory_space<hbm>> -> memref<128x128xf32, #tpu.memory_space<hbm>>
      tpu.wait_dma2 semaphore(%arg12 : memref<!tpu.dma_semaphore, #tpu.memory_space<semaphore_mem>>) src(%dma_wait3A_92 : memref<128x128xf32, #tpu.memory_space<hbm>>) dst(%arg9 : memref<128x128xf32, #tpu.memory_space<vmem>>)
      "tpu.region"() ({
        %run_scoped3A = tpu.sem_alloc : memref<!tpu.dma_semaphore, #tpu.memory_space<semaphore_mem>>
        %dma_start3A_112 = arith.constant 0 : i32
        %dma_start3A_113 = tpu.memref_slice %arg8[%add3A_86, %dma_start3A_112] : memref<40x128xi32, #tpu.memory_space<vmem>> -> memref<1x128xi32, #tpu.memory_space<vmem>>
        %dma_start3A_114 = tpu.memref_squeeze %dma_start3A_113 : memref<1x128xi32, #tpu.memory_space<vmem>> -> memref<128xi32, #tpu.memory_space<vmem>>
        %dma_start3A_115 = arith.constant 0 : i32
        %dma_start3A_116 = arith.constant 0 : i32
        %dma_start3A_117 = tpu.memref_slice %arg11[%dma_start3A_115, %dma_start3A_116] : memref<10240x128xf32, #tpu.memory_space<vmem_shared>> -> memref<10240x128xf32, #tpu.memory_space<vmem_shared>>
        tpu.enqueue_indirect_dma source(%arg9 : memref<128x128xf32, #tpu.memory_space<vmem>>) target(%dma_start3A_117 : memref<10240x128xf32, #tpu.memory_space<vmem_shared>>) offsets(%dma_start3A_114 : memref<128xi32, #tpu.memory_space<vmem>>) semaphore(%run_scoped3A : memref<!tpu.dma_semaphore, #tpu.memory_space<semaphore_mem>>) {add = true}
        %dma_wait3A_118 = arith.constant 0 : i32
        %dma_wait3A_119 = tpu.memref_slice %arg8[%add3A_86, %dma_wait3A_118] : memref<40x128xi32, #tpu.memory_space<vmem>> -> memref<1x128xi32, #tpu.memory_space<vmem>>
        %dma_wait3A_120 = tpu.memref_squeeze %dma_wait3A_119 : memref<1x128xi32, #tpu.memory_space<vmem>> -> memref<128xi32, #tpu.memory_space<vmem>>
        %dma_wait3A_121 = arith.constant 0 : i32
        %dma_wait3A_122 = arith.constant 0 : i32
        %dma_wait3A_123 = tpu.memref_slice %arg11[%dma_wait3A_121, %dma_wait3A_122] : memref<10240x128xf32, #tpu.memory_space<vmem_shared>> -> memref<10240x128xf32, #tpu.memory_space<vmem_shared>>
        tpu.wait_indirect_dma semaphore(%run_scoped3A : memref<!tpu.dma_semaphore, #tpu.memory_space<semaphore_mem>>) src(%arg9 : memref<128x128xf32, #tpu.memory_space<vmem>>) dst(%dma_wait3A_123 : memref<10240x128xf32, #tpu.memory_space<vmem_shared>>)
        tpu.yield
      }) : () -> ()
      %add3A_93 = arith.constant 2 : i32
      %add3A_94 = arith.addi %add3A_86, %add3A_93 : i32
      %lt3A = arith.constant 40 : i32
      %lt3A_95 = arith.cmpi slt, %add3A_94, %lt3A : i32
      %convert_element_type3A = arith.extui %lt3A_95 : i1 to i32
      %cond3A = arith.constant 0 : i32
      %cond3A_96 = arith.cmpi ne, %convert_element_type3A, %cond3A : i32
      scf.if %cond3A_96 {
        %add3A_112 = arith.constant 2 : i32
        %add3A_113 = arith.addi %add3A_86, %add3A_112 : i32
        %dma_start3A_114 = arith.constant 0 : i32
        %dma_start3A_115 = tpu.memref_slice %arg7[%add3A_113, %dma_start3A_114] : memref<40x128xi32, #tpu.memory_space<vmem>> -> memref<1x128xi32, #tpu.memory_space<vmem>>
        %dma_start3A_116 = tpu.memref_squeeze %dma_start3A_115 : memref<1x128xi32, #tpu.memory_space<vmem>> -> memref<128xi32, #tpu.memory_space<vmem>>
        %dma_start3A_117 = arith.constant 0 : i32
        %dma_start3A_118 = arith.constant 0 : i32
        %dma_start3A_119 = tpu.memref_slice %arg2[%dma_start3A_117, %dma_start3A_118] : memref<10128x128xf32, #tpu.memory_space<hbm>> -> memref<10128x128xf32, #tpu.memory_space<hbm>>
        tpu.enqueue_indirect_dma source(%dma_start3A_119 : memref<10128x128xf32, #tpu.memory_space<hbm>>) target(%arg9 : memref<128x128xf32, #tpu.memory_space<vmem>>) offsets(%dma_start3A_116 : memref<128xi32, #tpu.memory_space<vmem>>) semaphore(%arg12 : memref<!tpu.dma_semaphore, #tpu.memory_space<semaphore_mem>>)
      } else {
      }
      %dma_wait3A_97 = arith.constant 0 : i32
      %dma_wait3A_98 = arith.constant 0 : i32
      %dma_wait3A_99 = tpu.memref_slice %arg5[%dma_wait3A_97, %dma_wait3A_98] : memref<640x128xf32, #tpu.memory_space<hbm>> -> memref<128x128xf32, #tpu.memory_space<hbm>>
      %dma_wait3A_100 = arith.constant 0 : i32
      %dma_wait3A_101 = arith.constant 0 : i32
      %dma_wait3A_102 = tpu.memref_slice %arg5[%dma_wait3A_100, %dma_wait3A_101] : memref<640x128xf32, #tpu.memory_space<hbm>> -> memref<128x128xf32, #tpu.memory_space<hbm>>
      tpu.wait_dma2 semaphore(%arg13 : memref<!tpu.dma_semaphore, #tpu.memory_space<semaphore_mem>>) src(%dma_wait3A_102 : memref<128x128xf32, #tpu.memory_space<hbm>>) dst(%arg10 : memref<128x128xf32, #tpu.memory_space<vmem>>)
      %add3A_103 = arith.constant 1 : i32
      %add3A_104 = arith.addi %add3A_86, %add3A_103 : i32
      "tpu.region"() ({
        %run_scoped3A = tpu.sem_alloc : memref<!tpu.dma_semaphore, #tpu.memory_space<semaphore_mem>>
        %dma_start3A_112 = arith.constant 0 : i32
        %dma_start3A_113 = tpu.memref_slice %arg8[%add3A_104, %dma_start3A_112] : memref<40x128xi32, #tpu.memory_space<vmem>> -> memref<1x128xi32, #tpu.memory_space<vmem>>
        %dma_start3A_114 = tpu.memref_squeeze %dma_start3A_113 : memref<1x128xi32, #tpu.memory_space<vmem>> -> memref<128xi32, #tpu.memory_space<vmem>>
        %dma_start3A_115 = arith.constant 0 : i32
        %dma_start3A_116 = arith.constant 0 : i32
        %dma_start3A_117 = tpu.memref_slice %arg11[%dma_start3A_115, %dma_start3A_116] : memref<10240x128xf32, #tpu.memory_space<vmem_shared>> -> memref<10240x128xf32, #tpu.memory_space<vmem_shared>>
        tpu.enqueue_indirect_dma source(%arg10 : memref<128x128xf32, #tpu.memory_space<vmem>>) target(%dma_start3A_117 : memref<10240x128xf32, #tpu.memory_space<vmem_shared>>) offsets(%dma_start3A_114 : memref<128xi32, #tpu.memory_space<vmem>>) semaphore(%run_scoped3A : memref<!tpu.dma_semaphore, #tpu.memory_space<semaphore_mem>>) {add = true}
        %dma_wait3A_118 = arith.constant 0 : i32
        %dma_wait3A_119 = tpu.memref_slice %arg8[%add3A_104, %dma_wait3A_118] : memref<40x128xi32, #tpu.memory_space<vmem>> -> memref<1x128xi32, #tpu.memory_space<vmem>>
        %dma_wait3A_120 = tpu.memref_squeeze %dma_wait3A_119 : memref<1x128xi32, #tpu.memory_space<vmem>> -> memref<128xi32, #tpu.memory_space<vmem>>
        %dma_wait3A_121 = arith.constant 0 : i32
        %dma_wait3A_122 = arith.constant 0 : i32
        %dma_wait3A_123 = tpu.memref_slice %arg11[%dma_wait3A_121, %dma_wait3A_122] : memref<10240x128xf32, #tpu.memory_space<vmem_shared>> -> memref<10240x128xf32, #tpu.memory_space<vmem_shared>>
        tpu.wait_indirect_dma semaphore(%run_scoped3A : memref<!tpu.dma_semaphore, #tpu.memory_space<semaphore_mem>>) src(%arg10 : memref<128x128xf32, #tpu.memory_space<vmem>>) dst(%dma_wait3A_123 : memref<10240x128xf32, #tpu.memory_space<vmem_shared>>)
        tpu.yield
      }) : () -> ()
      %add3A_105 = arith.constant 3 : i32
      %add3A_106 = arith.addi %add3A_86, %add3A_105 : i32
      %lt3A_107 = arith.constant 40 : i32
      %lt3A_108 = arith.cmpi slt, %add3A_106, %lt3A_107 : i32
      %convert_element_type3A_109 = arith.extui %lt3A_108 : i1 to i32
      %cond3A_110 = arith.constant 0 : i32
      %cond3A_111 = arith.cmpi ne, %convert_element_type3A_109, %cond3A_110 : i32
      scf.if %cond3A_111 {
        %add3A_112 = arith.constant 3 : i32
        %add3A_113 = arith.addi %add3A_86, %add3A_112 : i32
        %dma_start3A_114 = arith.constant 0 : i32
        %dma_start3A_115 = tpu.memref_slice %arg7[%add3A_113, %dma_start3A_114] : memref<40x128xi32, #tpu.memory_space<vmem>> -> memref<1x128xi32, #tpu.memory_space<vmem>>
        %dma_start3A_116 = tpu.memref_squeeze %dma_start3A_115 : memref<1x128xi32, #tpu.memory_space<vmem>> -> memref<128xi32, #tpu.memory_space<vmem>>
        %dma_start3A_117 = arith.constant 0 : i32
        %dma_start3A_118 = arith.constant 0 : i32
        %dma_start3A_119 = tpu.memref_slice %arg2[%dma_start3A_117, %dma_start3A_118] : memref<10128x128xf32, #tpu.memory_space<hbm>> -> memref<10128x128xf32, #tpu.memory_space<hbm>>
        tpu.enqueue_indirect_dma source(%dma_start3A_119 : memref<10128x128xf32, #tpu.memory_space<hbm>>) target(%arg10 : memref<128x128xf32, #tpu.memory_space<vmem>>) offsets(%dma_start3A_116 : memref<128xi32, #tpu.memory_space<vmem>>) semaphore(%arg13 : memref<!tpu.dma_semaphore, #tpu.memory_space<semaphore_mem>>)
      } else {
      }
    }
    %scan3A_54 = arith.constant 20 : i32
    "tpu.region"() ({
      %run_scoped3A = tpu.sem_alloc : memref<!tpu.dma_semaphore, #tpu.memory_space<semaphore_mem>>
      %dma_start3A_82 = arith.constant 40 : i32
      %dma_start3A_83 = arith.constant 0 : i32
      %dma_start3A_84 = tpu.memref_slice %arg3[%add3A, %dma_start3A_82, %dma_start3A_83] : memref<32x80x128xi32, #tpu.memory_space<hbm>> -> memref<1x40x128xi32, #tpu.memory_space<hbm>>
      %dma_start3A_85 = tpu.memref_squeeze %dma_start3A_84 : memref<1x40x128xi32, #tpu.memory_space<hbm>> -> memref<40x128xi32, #tpu.memory_space<hbm>>
      %dma_start3A_86 = arith.constant 40 : i32
      %dma_start3A_87 = arith.constant 0 : i32
      %dma_start3A_88 = tpu.memref_slice %arg3[%add3A, %dma_start3A_86, %dma_start3A_87] : memref<32x80x128xi32, #tpu.memory_space<hbm>> -> memref<1x40x128xi32, #tpu.memory_space<hbm>>
      %dma_start3A_89 = tpu.memref_squeeze %dma_start3A_88 : memref<1x40x128xi32, #tpu.memory_space<hbm>> -> memref<40x128xi32, #tpu.memory_space<hbm>>
      tpu.enqueue_dma source(%dma_start3A_89 : memref<40x128xi32, #tpu.memory_space<hbm>>) target(%arg7 : memref<40x128xi32, #tpu.memory_space<vmem>>) target_semaphore(%run_scoped3A : memref<!tpu.dma_semaphore, #tpu.memory_space<semaphore_mem>>)
      %dma_wait3A_90 = arith.constant 40 : i32
      %dma_wait3A_91 = arith.constant 0 : i32
      %dma_wait3A_92 = tpu.memref_slice %arg3[%add3A, %dma_wait3A_90, %dma_wait3A_91] : memref<32x80x128xi32, #tpu.memory_space<hbm>> -> memref<1x40x128xi32, #tpu.memory_space<hbm>>
      %dma_wait3A_93 = tpu.memref_squeeze %dma_wait3A_92 : memref<1x40x128xi32, #tpu.memory_space<hbm>> -> memref<40x128xi32, #tpu.memory_space<hbm>>
      %dma_wait3A_94 = arith.constant 40 : i32
      %dma_wait3A_95 = arith.constant 0 : i32
      %dma_wait3A_96 = tpu.memref_slice %arg3[%add3A, %dma_wait3A_94, %dma_wait3A_95] : memref<32x80x128xi32, #tpu.memory_space<hbm>> -> memref<1x40x128xi32, #tpu.memory_space<hbm>>
      %dma_wait3A_97 = tpu.memref_squeeze %dma_wait3A_96 : memref<1x40x128xi32, #tpu.memory_space<hbm>> -> memref<40x128xi32, #tpu.memory_space<hbm>>
      tpu.wait_dma2 semaphore(%run_scoped3A : memref<!tpu.dma_semaphore, #tpu.memory_space<semaphore_mem>>) src(%dma_wait3A_97 : memref<40x128xi32, #tpu.memory_space<hbm>>) dst(%arg7 : memref<40x128xi32, #tpu.memory_space<vmem>>)
      tpu.yield
    }) : () -> ()
    "tpu.region"() ({
      %run_scoped3A = tpu.sem_alloc : memref<!tpu.dma_semaphore, #tpu.memory_space<semaphore_mem>>
      %dma_start3A_82 = arith.constant 40 : i32
      %dma_start3A_83 = arith.constant 0 : i32
      %dma_start3A_84 = tpu.memref_slice %arg4[%add3A, %dma_start3A_82, %dma_start3A_83] : memref<32x80x128xi32, #tpu.memory_space<hbm>> -> memref<1x40x128xi32, #tpu.memory_space<hbm>>
      %dma_start3A_85 = tpu.memref_squeeze %dma_start3A_84 : memref<1x40x128xi32, #tpu.memory_space<hbm>> -> memref<40x128xi32, #tpu.memory_space<hbm>>
      %dma_start3A_86 = arith.constant 40 : i32
      %dma_start3A_87 = arith.constant 0 : i32
      %dma_start3A_88 = tpu.memref_slice %arg4[%add3A, %dma_start3A_86, %dma_start3A_87] : memref<32x80x128xi32, #tpu.memory_space<hbm>> -> memref<1x40x128xi32, #tpu.memory_space<hbm>>
      %dma_start3A_89 = tpu.memref_squeeze %dma_start3A_88 : memref<1x40x128xi32, #tpu.memory_space<hbm>> -> memref<40x128xi32, #tpu.memory_space<hbm>>
      tpu.enqueue_dma source(%dma_start3A_89 : memref<40x128xi32, #tpu.memory_space<hbm>>) target(%arg8 : memref<40x128xi32, #tpu.memory_space<vmem>>) target_semaphore(%run_scoped3A : memref<!tpu.dma_semaphore, #tpu.memory_space<semaphore_mem>>)
      %dma_wait3A_90 = arith.constant 40 : i32
      %dma_wait3A_91 = arith.constant 0 : i32
      %dma_wait3A_92 = tpu.memref_slice %arg4[%add3A, %dma_wait3A_90, %dma_wait3A_91] : memref<32x80x128xi32, #tpu.memory_space<hbm>> -> memref<1x40x128xi32, #tpu.memory_space<hbm>>
      %dma_wait3A_93 = tpu.memref_squeeze %dma_wait3A_92 : memref<1x40x128xi32, #tpu.memory_space<hbm>> -> memref<40x128xi32, #tpu.memory_space<hbm>>
      %dma_wait3A_94 = arith.constant 40 : i32
      %dma_wait3A_95 = arith.constant 0 : i32
      %dma_wait3A_96 = tpu.memref_slice %arg4[%add3A, %dma_wait3A_94, %dma_wait3A_95] : memref<32x80x128xi32, #tpu.memory_space<hbm>> -> memref<1x40x128xi32, #tpu.memory_space<hbm>>
      %dma_wait3A_97 = tpu.memref_squeeze %dma_wait3A_96 : memref<1x40x128xi32, #tpu.memory_space<hbm>> -> memref<40x128xi32, #tpu.memory_space<hbm>>
      tpu.wait_dma2 semaphore(%run_scoped3A : memref<!tpu.dma_semaphore, #tpu.memory_space<semaphore_mem>>) src(%dma_wait3A_97 : memref<40x128xi32, #tpu.memory_space<hbm>>) dst(%arg8 : memref<40x128xi32, #tpu.memory_space<vmem>>)
      tpu.yield
    }) : () -> ()
    %dma_start3A_55 = arith.constant 0 : i32
    %dma_start3A_56 = arith.constant 0 : i32
    %dma_start3A_57 = tpu.memref_slice %arg7[%dma_start3A_55, %dma_start3A_56] : memref<40x128xi32, #tpu.memory_space<vmem>> -> memref<1x128xi32, #tpu.memory_space<vmem>>
    %dma_start3A_58 = tpu.memref_squeeze %dma_start3A_57 : memref<1x128xi32, #tpu.memory_space<vmem>> -> memref<128xi32, #tpu.memory_space<vmem>>
    %dma_start3A_59 = arith.constant 0 : i32
    %dma_start3A_60 = arith.constant 0 : i32
    %dma_start3A_61 = tpu.memref_slice %arg2[%dma_start3A_59, %dma_start3A_60] : memref<10128x128xf32, #tpu.memory_space<hbm>> -> memref<10128x128xf32, #tpu.memory_space<hbm>>
    tpu.enqueue_indirect_dma source(%dma_start3A_61 : memref<10128x128xf32, #tpu.memory_space<hbm>>) target(%arg9 : memref<128x128xf32, #tpu.memory_space<vmem>>) offsets(%dma_start3A_58 : memref<128xi32, #tpu.memory_space<vmem>>) semaphore(%arg12 : memref<!tpu.dma_semaphore, #tpu.memory_space<semaphore_mem>>)
    %dma_start3A_62 = arith.constant 1 : i32
    %dma_start3A_63 = arith.constant 0 : i32
    %dma_start3A_64 = tpu.memref_slice %arg7[%dma_start3A_62, %dma_start3A_63] : memref<40x128xi32, #tpu.memory_space<vmem>> -> memref<1x128xi32, #tpu.memory_space<vmem>>
    %dma_start3A_65 = tpu.memref_squeeze %dma_start3A_64 : memref<1x128xi32, #tpu.memory_space<vmem>> -> memref<128xi32, #tpu.memory_space<vmem>>
    %dma_start3A_66 = arith.constant 0 : i32
    %dma_start3A_67 = arith.constant 0 : i32
    %dma_start3A_68 = tpu.memref_slice %arg2[%dma_start3A_66, %dma_start3A_67] : memref<10128x128xf32, #tpu.memory_space<hbm>> -> memref<10128x128xf32, #tpu.memory_space<hbm>>
    tpu.enqueue_indirect_dma source(%dma_start3A_68 : memref<10128x128xf32, #tpu.memory_space<hbm>>) target(%arg10 : memref<128x128xf32, #tpu.memory_space<vmem>>) offsets(%dma_start3A_65 : memref<128xi32, #tpu.memory_space<vmem>>) semaphore(%arg13 : memref<!tpu.dma_semaphore, #tpu.memory_space<semaphore_mem>>)
    %scan3A_69 = arith.constant 0 : i32
    %scan3A_70 = arith.constant 20 : i32
    %scan3A_71 = arith.addi %scan3A_69, %scan3A_70 : i32
    %scan3A_72 = arith.constant 1 : i32
    scf.for %scan3A_82 = %scan3A_69 to %scan3A_71 step %scan3A_72  : i32 {
      %mul3A_83 = arith.constant 2 : i32
      %mul3A_84 = arith.muli %scan3A_82, %mul3A_83 : i32
      %add3A_85 = arith.constant 0 : i32
      %add3A_86 = arith.addi %add3A_85, %mul3A_84 : i32
      %dma_wait3A_87 = arith.constant 0 : i32
      %dma_wait3A_88 = arith.constant 0 : i32
      %dma_wait3A_89 = tpu.memref_slice %arg5[%dma_wait3A_87, %dma_wait3A_88] : memref<640x128xf32, #tpu.memory_space<hbm>> -> memref<128x128xf32, #tpu.memory_space<hbm>>
      %dma_wait3A_90 = arith.constant 0 : i32
      %dma_wait3A_91 = arith.constant 0 : i32
      %dma_wait3A_92 = tpu.memref_slice %arg5[%dma_wait3A_90, %dma_wait3A_91] : memref<640x128xf32, #tpu.memory_space<hbm>> -> memref<128x128xf32, #tpu.memory_space<hbm>>
      tpu.wait_dma2 semaphore(%arg12 : memref<!tpu.dma_semaphore, #tpu.memory_space<semaphore_mem>>) src(%dma_wait3A_92 : memref<128x128xf32, #tpu.memory_space<hbm>>) dst(%arg9 : memref<128x128xf32, #tpu.memory_space<vmem>>)
      "tpu.region"() ({
        %run_scoped3A = tpu.sem_alloc : memref<!tpu.dma_semaphore, #tpu.memory_space<semaphore_mem>>
        %dma_start3A_112 = arith.constant 0 : i32
        %dma_start3A_113 = tpu.memref_slice %arg8[%add3A_86, %dma_start3A_112] : memref<40x128xi32, #tpu.memory_space<vmem>> -> memref<1x128xi32, #tpu.memory_space<vmem>>
        %dma_start3A_114 = tpu.memref_squeeze %dma_start3A_113 : memref<1x128xi32, #tpu.memory_space<vmem>> -> memref<128xi32, #tpu.memory_space<vmem>>
        %dma_start3A_115 = arith.constant 0 : i32
        %dma_start3A_116 = arith.constant 0 : i32
        %dma_start3A_117 = tpu.memref_slice %arg11[%dma_start3A_115, %dma_start3A_116] : memref<10240x128xf32, #tpu.memory_space<vmem_shared>> -> memref<10240x128xf32, #tpu.memory_space<vmem_shared>>
        tpu.enqueue_indirect_dma source(%arg9 : memref<128x128xf32, #tpu.memory_space<vmem>>) target(%dma_start3A_117 : memref<10240x128xf32, #tpu.memory_space<vmem_shared>>) offsets(%dma_start3A_114 : memref<128xi32, #tpu.memory_space<vmem>>) semaphore(%run_scoped3A : memref<!tpu.dma_semaphore, #tpu.memory_space<semaphore_mem>>) {add = true}
        %dma_wait3A_118 = arith.constant 0 : i32
        %dma_wait3A_119 = tpu.memref_slice %arg8[%add3A_86, %dma_wait3A_118] : memref<40x128xi32, #tpu.memory_space<vmem>> -> memref<1x128xi32, #tpu.memory_space<vmem>>
        %dma_wait3A_120 = tpu.memref_squeeze %dma_wait3A_119 : memref<1x128xi32, #tpu.memory_space<vmem>> -> memref<128xi32, #tpu.memory_space<vmem>>
        %dma_wait3A_121 = arith.constant 0 : i32
        %dma_wait3A_122 = arith.constant 0 : i32
        %dma_wait3A_123 = tpu.memref_slice %arg11[%dma_wait3A_121, %dma_wait3A_122] : memref<10240x128xf32, #tpu.memory_space<vmem_shared>> -> memref<10240x128xf32, #tpu.memory_space<vmem_shared>>
        tpu.wait_indirect_dma semaphore(%run_scoped3A : memref<!tpu.dma_semaphore, #tpu.memory_space<semaphore_mem>>) src(%arg9 : memref<128x128xf32, #tpu.memory_space<vmem>>) dst(%dma_wait3A_123 : memref<10240x128xf32, #tpu.memory_space<vmem_shared>>)
        tpu.yield
      }) : () -> ()
      %add3A_93 = arith.constant 2 : i32
      %add3A_94 = arith.addi %add3A_86, %add3A_93 : i32
      %lt3A = arith.constant 40 : i32
      %lt3A_95 = arith.cmpi slt, %add3A_94, %lt3A : i32
      %convert_element_type3A = arith.extui %lt3A_95 : i1 to i32
      %cond3A = arith.constant 0 : i32
      %cond3A_96 = arith.cmpi ne, %convert_element_type3A, %cond3A : i32
      scf.if %cond3A_96 {
        %add3A_112 = arith.constant 2 : i32
        %add3A_113 = arith.addi %add3A_86, %add3A_112 : i32
        %dma_start3A_114 = arith.constant 0 : i32
        %dma_start3A_115 = tpu.memref_slice %arg7[%add3A_113, %dma_start3A_114] : memref<40x128xi32, #tpu.memory_space<vmem>> -> memref<1x128xi32, #tpu.memory_space<vmem>>
        %dma_start3A_116 = tpu.memref_squeeze %dma_start3A_115 : memref<1x128xi32, #tpu.memory_space<vmem>> -> memref<128xi32, #tpu.memory_space<vmem>>
        %dma_start3A_117 = arith.constant 0 : i32
        %dma_start3A_118 = arith.constant 0 : i32
        %dma_start3A_119 = tpu.memref_slice %arg2[%dma_start3A_117, %dma_start3A_118] : memref<10128x128xf32, #tpu.memory_space<hbm>> -> memref<10128x128xf32, #tpu.memory_space<hbm>>
        tpu.enqueue_indirect_dma source(%dma_start3A_119 : memref<10128x128xf32, #tpu.memory_space<hbm>>) target(%arg9 : memref<128x128xf32, #tpu.memory_space<vmem>>) offsets(%dma_start3A_116 : memref<128xi32, #tpu.memory_space<vmem>>) semaphore(%arg12 : memref<!tpu.dma_semaphore, #tpu.memory_space<semaphore_mem>>)
      } else {
      }
      %dma_wait3A_97 = arith.constant 0 : i32
      %dma_wait3A_98 = arith.constant 0 : i32
      %dma_wait3A_99 = tpu.memref_slice %arg5[%dma_wait3A_97, %dma_wait3A_98] : memref<640x128xf32, #tpu.memory_space<hbm>> -> memref<128x128xf32, #tpu.memory_space<hbm>>
      %dma_wait3A_100 = arith.constant 0 : i32
      %dma_wait3A_101 = arith.constant 0 : i32
      %dma_wait3A_102 = tpu.memref_slice %arg5[%dma_wait3A_100, %dma_wait3A_101] : memref<640x128xf32, #tpu.memory_space<hbm>> -> memref<128x128xf32, #tpu.memory_space<hbm>>
      tpu.wait_dma2 semaphore(%arg13 : memref<!tpu.dma_semaphore, #tpu.memory_space<semaphore_mem>>) src(%dma_wait3A_102 : memref<128x128xf32, #tpu.memory_space<hbm>>) dst(%arg10 : memref<128x128xf32, #tpu.memory_space<vmem>>)
      %add3A_103 = arith.constant 1 : i32
      %add3A_104 = arith.addi %add3A_86, %add3A_103 : i32
      "tpu.region"() ({
        %run_scoped3A = tpu.sem_alloc : memref<!tpu.dma_semaphore, #tpu.memory_space<semaphore_mem>>
        %dma_start3A_112 = arith.constant 0 : i32
        %dma_start3A_113 = tpu.memref_slice %arg8[%add3A_104, %dma_start3A_112] : memref<40x128xi32, #tpu.memory_space<vmem>> -> memref<1x128xi32, #tpu.memory_space<vmem>>
        %dma_start3A_114 = tpu.memref_squeeze %dma_start3A_113 : memref<1x128xi32, #tpu.memory_space<vmem>> -> memref<128xi32, #tpu.memory_space<vmem>>
        %dma_start3A_115 = arith.constant 0 : i32
        %dma_start3A_116 = arith.constant 0 : i32
        %dma_start3A_117 = tpu.memref_slice %arg11[%dma_start3A_115, %dma_start3A_116] : memref<10240x128xf32, #tpu.memory_space<vmem_shared>> -> memref<10240x128xf32, #tpu.memory_space<vmem_shared>>
        tpu.enqueue_indirect_dma source(%arg10 : memref<128x128xf32, #tpu.memory_space<vmem>>) target(%dma_start3A_117 : memref<10240x128xf32, #tpu.memory_space<vmem_shared>>) offsets(%dma_start3A_114 : memref<128xi32, #tpu.memory_space<vmem>>) semaphore(%run_scoped3A : memref<!tpu.dma_semaphore, #tpu.memory_space<semaphore_mem>>) {add = true}
        %dma_wait3A_118 = arith.constant 0 : i32
        %dma_wait3A_119 = tpu.memref_slice %arg8[%add3A_104, %dma_wait3A_118] : memref<40x128xi32, #tpu.memory_space<vmem>> -> memref<1x128xi32, #tpu.memory_space<vmem>>
        %dma_wait3A_120 = tpu.memref_squeeze %dma_wait3A_119 : memref<1x128xi32, #tpu.memory_space<vmem>> -> memref<128xi32, #tpu.memory_space<vmem>>
        %dma_wait3A_121 = arith.constant 0 : i32
        %dma_wait3A_122 = arith.constant 0 : i32
        %dma_wait3A_123 = tpu.memref_slice %arg11[%dma_wait3A_121, %dma_wait3A_122] : memref<10240x128xf32, #tpu.memory_space<vmem_shared>> -> memref<10240x128xf32, #tpu.memory_space<vmem_shared>>
        tpu.wait_indirect_dma semaphore(%run_scoped3A : memref<!tpu.dma_semaphore, #tpu.memory_space<semaphore_mem>>) src(%arg10 : memref<128x128xf32, #tpu.memory_space<vmem>>) dst(%dma_wait3A_123 : memref<10240x128xf32, #tpu.memory_space<vmem_shared>>)
        tpu.yield
      }) : () -> ()
      %add3A_105 = arith.constant 3 : i32
      %add3A_106 = arith.addi %add3A_86, %add3A_105 : i32
      %lt3A_107 = arith.constant 40 : i32
      %lt3A_108 = arith.cmpi slt, %add3A_106, %lt3A_107 : i32
      %convert_element_type3A_109 = arith.extui %lt3A_108 : i1 to i32
      %cond3A_110 = arith.constant 0 : i32
      %cond3A_111 = arith.cmpi ne, %convert_element_type3A_109, %cond3A_110 : i32
      scf.if %cond3A_111 {
        %add3A_112 = arith.constant 3 : i32
        %add3A_113 = arith.addi %add3A_86, %add3A_112 : i32
        %dma_start3A_114 = arith.constant 0 : i32
        %dma_start3A_115 = tpu.memref_slice %arg7[%add3A_113, %dma_start3A_114] : memref<40x128xi32, #tpu.memory_space<vmem>> -> memref<1x128xi32, #tpu.memory_space<vmem>>
        %dma_start3A_116 = tpu.memref_squeeze %dma_start3A_115 : memref<1x128xi32, #tpu.memory_space<vmem>> -> memref<128xi32, #tpu.memory_space<vmem>>
        %dma_start3A_117 = arith.constant 0 : i32
        %dma_start3A_118 = arith.constant 0 : i32
        %dma_start3A_119 = tpu.memref_slice %arg2[%dma_start3A_117, %dma_start3A_118] : memref<10128x128xf32, #tpu.memory_space<hbm>> -> memref<10128x128xf32, #tpu.memory_space<hbm>>
        tpu.enqueue_indirect_dma source(%dma_start3A_119 : memref<10128x128xf32, #tpu.memory_space<hbm>>) target(%arg10 : memref<128x128xf32, #tpu.memory_space<vmem>>) offsets(%dma_start3A_116 : memref<128xi32, #tpu.memory_space<vmem>>) semaphore(%arg13 : memref<!tpu.dma_semaphore, #tpu.memory_space<semaphore_mem>>)
      } else {
      }
    }
    %scan3A_73 = arith.constant 20 : i32
    %barrier3A_74 = arith.constant 0 : index
    tpu.barrier barrier_id(%barrier3A_74)
    %mul3A_75 = arith.constant 640 : i32
    %mul3A_76 = arith.muli %arg1, %mul3A_75 : i32
    %mul3A_77 = arith.constant 10240 : i32
    %mul3A_78 = arith.muli %arg0, %mul3A_77 : i32
    %mul3A_79 = arith.constant 640 : i32
    %mul3A_80 = arith.muli %arg1, %mul3A_79 : i32
    %add3A_81 = arith.addi %mul3A_78, %mul3A_80 : i32
    "tpu.region"() ({
      %run_scoped3A = tpu.sem_alloc : memref<!tpu.dma_semaphore, #tpu.memory_space<semaphore_mem>>
      %dma_start3A_82 = arith.constant 0 : i32
      %dma_start3A_83 = tpu.memref_slice %arg6[%add3A_81, %dma_start3A_82] : memref<20480x128xf32, #tpu.memory_space<hbm>> -> memref<640x128xf32, #tpu.memory_space<hbm>>
      %dma_start3A_84 = arith.constant 0 : i32
      %dma_start3A_85 = tpu.memref_slice %arg11[%mul3A_76, %dma_start3A_84] : memref<10240x128xf32, #tpu.memory_space<vmem_shared>> -> memref<640x128xf32, #tpu.memory_space<vmem_shared>>
      tpu.enqueue_dma source(%dma_start3A_85 : memref<640x128xf32, #tpu.memory_space<vmem_shared>>) target(%dma_start3A_83 : memref<640x128xf32, #tpu.memory_space<hbm>>) target_semaphore(%run_scoped3A : memref<!tpu.dma_semaphore, #tpu.memory_space<semaphore_mem>>)
      %dma_wait3A_86 = arith.constant 0 : i32
      %dma_wait3A_87 = tpu.memref_slice %arg6[%add3A_81, %dma_wait3A_86] : memref<20480x128xf32, #tpu.memory_space<hbm>> -> memref<640x128xf32, #tpu.memory_space<hbm>>
      %dma_wait3A_88 = arith.constant 0 : i32
      %dma_wait3A_89 = tpu.memref_slice %arg11[%mul3A_76, %dma_wait3A_88] : memref<10240x128xf32, #tpu.memory_space<vmem_shared>> -> memref<640x128xf32, #tpu.memory_space<vmem_shared>>
      tpu.wait_dma2 semaphore(%run_scoped3A : memref<!tpu.dma_semaphore, #tpu.memory_space<semaphore_mem>>) src(%dma_wait3A_89 : memref<640x128xf32, #tpu.memory_space<vmem_shared>>) dst(%dma_wait3A_87 : memref<640x128xf32, #tpu.memory_space<hbm>>)
      tpu.yield
    }) : () -> ()
    return
  }
}

#map = affine_map<(d0, d1) -> (0, 0)>
#map1 = affine_map<(d0, d1) -> (0, 0, 0)>
module attributes {stable_mosaic.version = 14 : i64} {
  func.func @_msg_pass(%arg0: i32, %arg1: i32, %arg2: memref<10128x128xf32, #tpu.memory_space<hbm>>, %arg3: memref<32x80x128xi32, #tpu.memory_space<hbm>>, %arg4: memref<32x80x128xi32, #tpu.memory_space<hbm>>, %arg5: memref<640x128xf32, #tpu.memory_space<hbm>>, %arg6: memref<20480x128xf32, #tpu.memory_space<hbm>>, %arg7: memref<40x128xi32, #tpu.memory_space<vmem>>, %arg8: memref<40x128xi32, #tpu.memory_space<vmem>>, %arg9: memref<128x128xf32, #tpu.memory_space<vmem>>, %arg10: memref<128x128xf32, #tpu.memory_space<vmem>>, %arg11: memref<10240x128xf32, #tpu.memory_space<vmem_shared>>, %arg12: memref<!tpu.dma_semaphore, #tpu.memory_space<semaphore_mem>>, %arg13: memref<!tpu.dma_semaphore, #tpu.memory_space<semaphore_mem>>) attributes {dimension_semantics = [#tpu.dimension_semantics<core_parallel>, #tpu.dimension_semantics<subcore_parallel>], iteration_bounds = array<i64: 2, 16>, scalar_prefetch = 0 : i64, scratch_operands = 7 : i64, tpu.core_type = #tpu.core_type<sc_vector_subcore>, window_params = [{transform_indices = #map}, {transform_indices = #map1}, {transform_indices = #map1}, {transform_indices = #map}, {transform_indices = #map}]} {
    %mul3A = arith.constant 16 : i32
    %mul3A_0 = arith.muli %arg0, %mul3A : i32
    %add3A = arith.addi %mul3A_0, %arg1 : i32
    %mul3A_1 = arith.constant 640 : i32
    %mul3A_2 = arith.muli %arg1, %mul3A_1 : i32
    %dma_start3A = arith.constant 0 : i32
    %dma_start3A_3 = tpu.memref_slice %arg11[%mul3A_2, %dma_start3A] : memref<10240x128xf32, #tpu.memory_space<vmem_shared>> -> memref<640x128xf32, #tpu.memory_space<vmem_shared>>
    tpu.enqueue_dma source(%arg5 : memref<640x128xf32, #tpu.memory_space<hbm>>) target(%dma_start3A_3 : memref<640x128xf32, #tpu.memory_space<vmem_shared>>) target_semaphore(%arg12 : memref<!tpu.dma_semaphore, #tpu.memory_space<semaphore_mem>>)
    %dma_start3A_4 = arith.constant 0 : i32
    %dma_start3A_5 = arith.constant 0 : i32
    %dma_start3A_6 = tpu.memref_slice %arg3[%add3A, %dma_start3A_4, %dma_start3A_5] : memref<32x80x128xi32, #tpu.memory_space<hbm>> -> memref<1x40x128xi32, #tpu.memory_space<hbm>>
    %dma_start3A_7 = tpu.memref_squeeze %dma_start3A_6 : memref<1x40x128xi32, #tpu.memory_space<hbm>> -> memref<40x128xi32, #tpu.memory_space<hbm>>
    %dma_start3A_8 = arith.constant 0 : i32
    %dma_start3A_9 = arith.constant 0 : i32
    %dma_start3A_10 = tpu.memref_slice %arg3[%add3A, %dma_start3A_8, %dma_start3A_9] : memref<32x80x128xi32, #tpu.memory_space<hbm>> -> memref<1x40x128xi32, #tpu.memory_space<hbm>>
    %dma_start3A_11 = tpu.memref_squeeze %dma_start3A_10 : memref<1x40x128xi32, #tpu.memory_space<hbm>> -> memref<40x128xi32, #tpu.memory_space<hbm>>
    tpu.enqueue_dma source(%dma_start3A_11 : memref<40x128xi32, #tpu.memory_space<hbm>>) target(%arg7 : memref<40x128xi32, #tpu.memory_space<vmem>>) target_semaphore(%arg13 : memref<!tpu.dma_semaphore, #tpu.memory_space<semaphore_mem>>)
    %dma_start3A_12 = arith.constant 0 : i32
    %dma_start3A_13 = arith.constant 0 : i32
    %dma_start3A_14 = tpu.memref_slice %arg4[%add3A, %dma_start3A_12, %dma_start3A_13] : memref<32x80x128xi32, #tpu.memory_space<hbm>> -> memref<1x40x128xi32, #tpu.memory_space<hbm>>
    %dma_start3A_15 = tpu.memref_squeeze %dma_start3A_14 : memref<1x40x128xi32, #tpu.memory_space<hbm>> -> memref<40x128xi32, #tpu.memory_space<hbm>>
    %dma_start3A_16 = arith.constant 0 : i32
    %dma_start3A_17 = arith.constant 0 : i32
    %dma_start3A_18 = tpu.memref_slice %arg4[%add3A, %dma_start3A_16, %dma_start3A_17] : memref<32x80x128xi32, #tpu.memory_space<hbm>> -> memref<1x40x128xi32, #tpu.memory_space<hbm>>
    %dma_start3A_19 = tpu.memref_squeeze %dma_start3A_18 : memref<1x40x128xi32, #tpu.memory_space<hbm>> -> memref<40x128xi32, #tpu.memory_space<hbm>>
    tpu.enqueue_dma source(%dma_start3A_19 : memref<40x128xi32, #tpu.memory_space<hbm>>) target(%arg8 : memref<40x128xi32, #tpu.memory_space<vmem>>) target_semaphore(%arg13 : memref<!tpu.dma_semaphore, #tpu.memory_space<semaphore_mem>>)
    %dma_wait3A = arith.constant 0 : i32
    %dma_wait3A_20 = tpu.memref_slice %arg11[%mul3A_2, %dma_wait3A] : memref<10240x128xf32, #tpu.memory_space<vmem_shared>> -> memref<640x128xf32, #tpu.memory_space<vmem_shared>>
    tpu.wait_dma2 semaphore(%arg12 : memref<!tpu.dma_semaphore, #tpu.memory_space<semaphore_mem>>) src(%arg5 : memref<640x128xf32, #tpu.memory_space<hbm>>) dst(%dma_wait3A_20 : memref<640x128xf32, #tpu.memory_space<vmem_shared>>)
    %dma_wait3A_21 = arith.constant 0 : i32
    %dma_wait3A_22 = arith.constant 0 : i32
    %dma_wait3A_23 = tpu.memref_slice %arg3[%add3A, %dma_wait3A_21, %dma_wait3A_22] : memref<32x80x128xi32, #tpu.memory_space<hbm>> -> memref<1x40x128xi32, #tpu.memory_space<hbm>>
    %dma_wait3A_24 = tpu.memref_squeeze %dma_wait3A_23 : memref<1x40x128xi32, #tpu.memory_space<hbm>> -> memref<40x128xi32, #tpu.memory_space<hbm>>
    %dma_wait3A_25 = arith.constant 0 : i32
    %dma_wait3A_26 = arith.constant 0 : i32
    %dma_wait3A_27 = tpu.memref_slice %arg3[%add3A, %dma_wait3A_25, %dma_wait3A_26] : memref<32x80x128xi32, #tpu.memory_space<hbm>> -> memref<1x40x128xi32, #tpu.memory_space<hbm>>
    %dma_wait3A_28 = tpu.memref_squeeze %dma_wait3A_27 : memref<1x40x128xi32, #tpu.memory_space<hbm>> -> memref<40x128xi32, #tpu.memory_space<hbm>>
    tpu.wait_dma2 semaphore(%arg13 : memref<!tpu.dma_semaphore, #tpu.memory_space<semaphore_mem>>) src(%dma_wait3A_28 : memref<40x128xi32, #tpu.memory_space<hbm>>) dst(%arg7 : memref<40x128xi32, #tpu.memory_space<vmem>>)
    %dma_wait3A_29 = arith.constant 0 : i32
    %dma_wait3A_30 = arith.constant 0 : i32
    %dma_wait3A_31 = tpu.memref_slice %arg4[%add3A, %dma_wait3A_29, %dma_wait3A_30] : memref<32x80x128xi32, #tpu.memory_space<hbm>> -> memref<1x40x128xi32, #tpu.memory_space<hbm>>
    %dma_wait3A_32 = tpu.memref_squeeze %dma_wait3A_31 : memref<1x40x128xi32, #tpu.memory_space<hbm>> -> memref<40x128xi32, #tpu.memory_space<hbm>>
    %dma_wait3A_33 = arith.constant 0 : i32
    %dma_wait3A_34 = arith.constant 0 : i32
    %dma_wait3A_35 = tpu.memref_slice %arg4[%add3A, %dma_wait3A_33, %dma_wait3A_34] : memref<32x80x128xi32, #tpu.memory_space<hbm>> -> memref<1x40x128xi32, #tpu.memory_space<hbm>>
    %dma_wait3A_36 = tpu.memref_squeeze %dma_wait3A_35 : memref<1x40x128xi32, #tpu.memory_space<hbm>> -> memref<40x128xi32, #tpu.memory_space<hbm>>
    tpu.wait_dma2 semaphore(%arg13 : memref<!tpu.dma_semaphore, #tpu.memory_space<semaphore_mem>>) src(%dma_wait3A_36 : memref<40x128xi32, #tpu.memory_space<hbm>>) dst(%arg8 : memref<40x128xi32, #tpu.memory_space<vmem>>)
    %barrier3A = arith.constant 0 : index
    tpu.barrier barrier_id(%barrier3A)
    %dma_start3A_37 = arith.constant 0 : i32
    %dma_start3A_38 = arith.constant 0 : i32
    %dma_start3A_39 = tpu.memref_slice %arg7[%dma_start3A_37, %dma_start3A_38] : memref<40x128xi32, #tpu.memory_space<vmem>> -> memref<1x128xi32, #tpu.memory_space<vmem>>
    %dma_start3A_40 = tpu.memref_squeeze %dma_start3A_39 : memref<1x128xi32, #tpu.memory_space<vmem>> -> memref<128xi32, #tpu.memory_space<vmem>>
    %dma_start3A_41 = arith.constant 0 : i32
    %dma_start3A_42 = arith.constant 0 : i32
    %dma_start3A_43 = tpu.memref_slice %arg2[%dma_start3A_41, %dma_start3A_42] : memref<10128x128xf32, #tpu.memory_space<hbm>> -> memref<10128x128xf32, #tpu.memory_space<hbm>>
    tpu.enqueue_indirect_dma source(%dma_start3A_43 : memref<10128x128xf32, #tpu.memory_space<hbm>>) target(%arg9 : memref<128x128xf32, #tpu.memory_space<vmem>>) offsets(%dma_start3A_40 : memref<128xi32, #tpu.memory_space<vmem>>) semaphore(%arg12 : memref<!tpu.dma_semaphore, #tpu.memory_space<semaphore_mem>>)
    %dma_start3A_44 = arith.constant 1 : i32
    %dma_start3A_45 = arith.constant 0 : i32
    %dma_start3A_46 = tpu.memref_slice %arg7[%dma_start3A_44, %dma_start3A_45] : memref<40x128xi32, #tpu.memory_space<vmem>> -> memref<1x128xi32, #tpu.memory_space<vmem>>
    %dma_start3A_47 = tpu.memref_squeeze %dma_start3A_46 : memref<1x128xi32, #tpu.memory_space<vmem>> -> memref<128xi32, #tpu.memory_space<vmem>>
    %dma_start3A_48 = arith.constant 0 : i32
    %dma_start3A_49 = arith.constant 0 : i32
    %dma_start3A_50 = tpu.memref_slice %arg2[%dma_start3A_48, %dma_start3A_49] : memref<10128x128xf32, #tpu.memory_space<hbm>> -> memref<10128x128xf32, #tpu.memory_space<hbm>>
    tpu.enqueue_indirect_dma source(%dma_start3A_50 : memref<10128x128xf32, #tpu.memory_space<hbm>>) target(%arg10 : memref<128x128xf32, #tpu.memory_space<vmem>>) offsets(%dma_start3A_47 : memref<128xi32, #tpu.memory_space<vmem>>) semaphore(%arg13 : memref<!tpu.dma_semaphore, #tpu.memory_space<semaphore_mem>>)
    %scan3A = arith.constant 0 : i32
    %scan3A_51 = arith.constant 20 : i32
    %scan3A_52 = arith.addi %scan3A, %scan3A_51 : i32
    %scan3A_53 = arith.constant 1 : i32
    scf.for %scan3A_82 = %scan3A to %scan3A_52 step %scan3A_53  : i32 {
      %mul3A_83 = arith.constant 2 : i32
      %mul3A_84 = arith.muli %scan3A_82, %mul3A_83 : i32
      %add3A_85 = arith.constant 0 : i32
      %add3A_86 = arith.addi %add3A_85, %mul3A_84 : i32
      %dma_wait3A_87 = arith.constant 0 : i32
      %dma_wait3A_88 = arith.constant 0 : i32
      %dma_wait3A_89 = tpu.memref_slice %arg5[%dma_wait3A_87, %dma_wait3A_88] : memref<640x128xf32, #tpu.memory_space<hbm>> -> memref<128x128xf32, #tpu.memory_space<hbm>>
      %dma_wait3A_90 = arith.constant 0 : i32
      %dma_wait3A_91 = arith.constant 0 : i32
      %dma_wait3A_92 = tpu.memref_slice %arg5[%dma_wait3A_90, %dma_wait3A_91] : memref<640x128xf32, #tpu.memory_space<hbm>> -> memref<128x128xf32, #tpu.memory_space<hbm>>
      tpu.wait_dma2 semaphore(%arg12 : memref<!tpu.dma_semaphore, #tpu.memory_space<semaphore_mem>>) src(%dma_wait3A_92 : memref<128x128xf32, #tpu.memory_space<hbm>>) dst(%arg9 : memref<128x128xf32, #tpu.memory_space<vmem>>)
      "tpu.region"() ({
        %run_scoped3A = tpu.sem_alloc : memref<!tpu.dma_semaphore, #tpu.memory_space<semaphore_mem>>
        %dma_start3A_112 = arith.constant 0 : i32
        %dma_start3A_113 = tpu.memref_slice %arg8[%add3A_86, %dma_start3A_112] : memref<40x128xi32, #tpu.memory_space<vmem>> -> memref<1x128xi32, #tpu.memory_space<vmem>>
        %dma_start3A_114 = tpu.memref_squeeze %dma_start3A_113 : memref<1x128xi32, #tpu.memory_space<vmem>> -> memref<128xi32, #tpu.memory_space<vmem>>
        %dma_start3A_115 = arith.constant 0 : i32
        %dma_start3A_116 = arith.constant 0 : i32
        %dma_start3A_117 = tpu.memref_slice %arg11[%dma_start3A_115, %dma_start3A_116] : memref<10240x128xf32, #tpu.memory_space<vmem_shared>> -> memref<10240x128xf32, #tpu.memory_space<vmem_shared>>
        tpu.enqueue_indirect_dma source(%arg9 : memref<128x128xf32, #tpu.memory_space<vmem>>) target(%dma_start3A_117 : memref<10240x128xf32, #tpu.memory_space<vmem_shared>>) offsets(%dma_start3A_114 : memref<128xi32, #tpu.memory_space<vmem>>) semaphore(%run_scoped3A : memref<!tpu.dma_semaphore, #tpu.memory_space<semaphore_mem>>) {add = true}
        %dma_wait3A_118 = arith.constant 0 : i32
        %dma_wait3A_119 = tpu.memref_slice %arg8[%add3A_86, %dma_wait3A_118] : memref<40x128xi32, #tpu.memory_space<vmem>> -> memref<1x128xi32, #tpu.memory_space<vmem>>
        %dma_wait3A_120 = tpu.memref_squeeze %dma_wait3A_119 : memref<1x128xi32, #tpu.memory_space<vmem>> -> memref<128xi32, #tpu.memory_space<vmem>>
        %dma_wait3A_121 = arith.constant 0 : i32
        %dma_wait3A_122 = arith.constant 0 : i32
        %dma_wait3A_123 = tpu.memref_slice %arg11[%dma_wait3A_121, %dma_wait3A_122] : memref<10240x128xf32, #tpu.memory_space<vmem_shared>> -> memref<10240x128xf32, #tpu.memory_space<vmem_shared>>
        tpu.wait_indirect_dma semaphore(%run_scoped3A : memref<!tpu.dma_semaphore, #tpu.memory_space<semaphore_mem>>) src(%arg9 : memref<128x128xf32, #tpu.memory_space<vmem>>) dst(%dma_wait3A_123 : memref<10240x128xf32, #tpu.memory_space<vmem_shared>>)
        tpu.yield
      }) : () -> ()
      %add3A_93 = arith.constant 2 : i32
      %add3A_94 = arith.addi %add3A_86, %add3A_93 : i32
      %lt3A = arith.constant 40 : i32
      %lt3A_95 = arith.cmpi slt, %add3A_94, %lt3A : i32
      %convert_element_type3A = arith.extui %lt3A_95 : i1 to i32
      %cond3A = arith.constant 0 : i32
      %cond3A_96 = arith.cmpi ne, %convert_element_type3A, %cond3A : i32
      scf.if %cond3A_96 {
        %add3A_112 = arith.constant 2 : i32
        %add3A_113 = arith.addi %add3A_86, %add3A_112 : i32
        %dma_start3A_114 = arith.constant 0 : i32
        %dma_start3A_115 = tpu.memref_slice %arg7[%add3A_113, %dma_start3A_114] : memref<40x128xi32, #tpu.memory_space<vmem>> -> memref<1x128xi32, #tpu.memory_space<vmem>>
        %dma_start3A_116 = tpu.memref_squeeze %dma_start3A_115 : memref<1x128xi32, #tpu.memory_space<vmem>> -> memref<128xi32, #tpu.memory_space<vmem>>
        %dma_start3A_117 = arith.constant 0 : i32
        %dma_start3A_118 = arith.constant 0 : i32
        %dma_start3A_119 = tpu.memref_slice %arg2[%dma_start3A_117, %dma_start3A_118] : memref<10128x128xf32, #tpu.memory_space<hbm>> -> memref<10128x128xf32, #tpu.memory_space<hbm>>
        tpu.enqueue_indirect_dma source(%dma_start3A_119 : memref<10128x128xf32, #tpu.memory_space<hbm>>) target(%arg9 : memref<128x128xf32, #tpu.memory_space<vmem>>) offsets(%dma_start3A_116 : memref<128xi32, #tpu.memory_space<vmem>>) semaphore(%arg12 : memref<!tpu.dma_semaphore, #tpu.memory_space<semaphore_mem>>)
      } else {
      }
      %dma_wait3A_97 = arith.constant 0 : i32
      %dma_wait3A_98 = arith.constant 0 : i32
      %dma_wait3A_99 = tpu.memref_slice %arg5[%dma_wait3A_97, %dma_wait3A_98] : memref<640x128xf32, #tpu.memory_space<hbm>> -> memref<128x128xf32, #tpu.memory_space<hbm>>
      %dma_wait3A_100 = arith.constant 0 : i32
      %dma_wait3A_101 = arith.constant 0 : i32
      %dma_wait3A_102 = tpu.memref_slice %arg5[%dma_wait3A_100, %dma_wait3A_101] : memref<640x128xf32, #tpu.memory_space<hbm>> -> memref<128x128xf32, #tpu.memory_space<hbm>>
      tpu.wait_dma2 semaphore(%arg13 : memref<!tpu.dma_semaphore, #tpu.memory_space<semaphore_mem>>) src(%dma_wait3A_102 : memref<128x128xf32, #tpu.memory_space<hbm>>) dst(%arg10 : memref<128x128xf32, #tpu.memory_space<vmem>>)
      %add3A_103 = arith.constant 1 : i32
      %add3A_104 = arith.addi %add3A_86, %add3A_103 : i32
      "tpu.region"() ({
        %run_scoped3A = tpu.sem_alloc : memref<!tpu.dma_semaphore, #tpu.memory_space<semaphore_mem>>
        %dma_start3A_112 = arith.constant 0 : i32
        %dma_start3A_113 = tpu.memref_slice %arg8[%add3A_104, %dma_start3A_112] : memref<40x128xi32, #tpu.memory_space<vmem>> -> memref<1x128xi32, #tpu.memory_space<vmem>>
        %dma_start3A_114 = tpu.memref_squeeze %dma_start3A_113 : memref<1x128xi32, #tpu.memory_space<vmem>> -> memref<128xi32, #tpu.memory_space<vmem>>
        %dma_start3A_115 = arith.constant 0 : i32
        %dma_start3A_116 = arith.constant 0 : i32
        %dma_start3A_117 = tpu.memref_slice %arg11[%dma_start3A_115, %dma_start3A_116] : memref<10240x128xf32, #tpu.memory_space<vmem_shared>> -> memref<10240x128xf32, #tpu.memory_space<vmem_shared>>
        tpu.enqueue_indirect_dma source(%arg10 : memref<128x128xf32, #tpu.memory_space<vmem>>) target(%dma_start3A_117 : memref<10240x128xf32, #tpu.memory_space<vmem_shared>>) offsets(%dma_start3A_114 : memref<128xi32, #tpu.memory_space<vmem>>) semaphore(%run_scoped3A : memref<!tpu.dma_semaphore, #tpu.memory_space<semaphore_mem>>) {add = true}
        %dma_wait3A_118 = arith.constant 0 : i32
        %dma_wait3A_119 = tpu.memref_slice %arg8[%add3A_104, %dma_wait3A_118] : memref<40x128xi32, #tpu.memory_space<vmem>> -> memref<1x128xi32, #tpu.memory_space<vmem>>
        %dma_wait3A_120 = tpu.memref_squeeze %dma_wait3A_119 : memref<1x128xi32, #tpu.memory_space<vmem>> -> memref<128xi32, #tpu.memory_space<vmem>>
        %dma_wait3A_121 = arith.constant 0 : i32
        %dma_wait3A_122 = arith.constant 0 : i32
        %dma_wait3A_123 = tpu.memref_slice %arg11[%dma_wait3A_121, %dma_wait3A_122] : memref<10240x128xf32, #tpu.memory_space<vmem_shared>> -> memref<10240x128xf32, #tpu.memory_space<vmem_shared>>
        tpu.wait_indirect_dma semaphore(%run_scoped3A : memref<!tpu.dma_semaphore, #tpu.memory_space<semaphore_mem>>) src(%arg10 : memref<128x128xf32, #tpu.memory_space<vmem>>) dst(%dma_wait3A_123 : memref<10240x128xf32, #tpu.memory_space<vmem_shared>>)
        tpu.yield
      }) : () -> ()
      %add3A_105 = arith.constant 3 : i32
      %add3A_106 = arith.addi %add3A_86, %add3A_105 : i32
      %lt3A_107 = arith.constant 40 : i32
      %lt3A_108 = arith.cmpi slt, %add3A_106, %lt3A_107 : i32
      %convert_element_type3A_109 = arith.extui %lt3A_108 : i1 to i32
      %cond3A_110 = arith.constant 0 : i32
      %cond3A_111 = arith.cmpi ne, %convert_element_type3A_109, %cond3A_110 : i32
      scf.if %cond3A_111 {
        %add3A_112 = arith.constant 3 : i32
        %add3A_113 = arith.addi %add3A_86, %add3A_112 : i32
        %dma_start3A_114 = arith.constant 0 : i32
        %dma_start3A_115 = tpu.memref_slice %arg7[%add3A_113, %dma_start3A_114] : memref<40x128xi32, #tpu.memory_space<vmem>> -> memref<1x128xi32, #tpu.memory_space<vmem>>
        %dma_start3A_116 = tpu.memref_squeeze %dma_start3A_115 : memref<1x128xi32, #tpu.memory_space<vmem>> -> memref<128xi32, #tpu.memory_space<vmem>>
        %dma_start3A_117 = arith.constant 0 : i32
        %dma_start3A_118 = arith.constant 0 : i32
        %dma_start3A_119 = tpu.memref_slice %arg2[%dma_start3A_117, %dma_start3A_118] : memref<10128x128xf32, #tpu.memory_space<hbm>> -> memref<10128x128xf32, #tpu.memory_space<hbm>>
        tpu.enqueue_indirect_dma source(%dma_start3A_119 : memref<10128x128xf32, #tpu.memory_space<hbm>>) target(%arg10 : memref<128x128xf32, #tpu.memory_space<vmem>>) offsets(%dma_start3A_116 : memref<128xi32, #tpu.memory_space<vmem>>) semaphore(%arg13 : memref<!tpu.dma_semaphore, #tpu.memory_space<semaphore_mem>>)
      } else {
      }
    }
    %scan3A_54 = arith.constant 20 : i32
    "tpu.region"() ({
      %run_scoped3A = tpu.sem_alloc : memref<!tpu.dma_semaphore, #tpu.memory_space<semaphore_mem>>
      %dma_start3A_82 = arith.constant 40 : i32
      %dma_start3A_83 = arith.constant 0 : i32
      %dma_start3A_84 = tpu.memref_slice %arg3[%add3A, %dma_start3A_82, %dma_start3A_83] : memref<32x80x128xi32, #tpu.memory_space<hbm>> -> memref<1x40x128xi32, #tpu.memory_space<hbm>>
      %dma_start3A_85 = tpu.memref_squeeze %dma_start3A_84 : memref<1x40x128xi32, #tpu.memory_space<hbm>> -> memref<40x128xi32, #tpu.memory_space<hbm>>
      %dma_start3A_86 = arith.constant 40 : i32
      %dma_start3A_87 = arith.constant 0 : i32
      %dma_start3A_88 = tpu.memref_slice %arg3[%add3A, %dma_start3A_86, %dma_start3A_87] : memref<32x80x128xi32, #tpu.memory_space<hbm>> -> memref<1x40x128xi32, #tpu.memory_space<hbm>>
      %dma_start3A_89 = tpu.memref_squeeze %dma_start3A_88 : memref<1x40x128xi32, #tpu.memory_space<hbm>> -> memref<40x128xi32, #tpu.memory_space<hbm>>
      tpu.enqueue_dma source(%dma_start3A_89 : memref<40x128xi32, #tpu.memory_space<hbm>>) target(%arg7 : memref<40x128xi32, #tpu.memory_space<vmem>>) target_semaphore(%run_scoped3A : memref<!tpu.dma_semaphore, #tpu.memory_space<semaphore_mem>>)
      %dma_wait3A_90 = arith.constant 40 : i32
      %dma_wait3A_91 = arith.constant 0 : i32
      %dma_wait3A_92 = tpu.memref_slice %arg3[%add3A, %dma_wait3A_90, %dma_wait3A_91] : memref<32x80x128xi32, #tpu.memory_space<hbm>> -> memref<1x40x128xi32, #tpu.memory_space<hbm>>
      %dma_wait3A_93 = tpu.memref_squeeze %dma_wait3A_92 : memref<1x40x128xi32, #tpu.memory_space<hbm>> -> memref<40x128xi32, #tpu.memory_space<hbm>>
      %dma_wait3A_94 = arith.constant 40 : i32
      %dma_wait3A_95 = arith.constant 0 : i32
      %dma_wait3A_96 = tpu.memref_slice %arg3[%add3A, %dma_wait3A_94, %dma_wait3A_95] : memref<32x80x128xi32, #tpu.memory_space<hbm>> -> memref<1x40x128xi32, #tpu.memory_space<hbm>>
      %dma_wait3A_97 = tpu.memref_squeeze %dma_wait3A_96 : memref<1x40x128xi32, #tpu.memory_space<hbm>> -> memref<40x128xi32, #tpu.memory_space<hbm>>
      tpu.wait_dma2 semaphore(%run_scoped3A : memref<!tpu.dma_semaphore, #tpu.memory_space<semaphore_mem>>) src(%dma_wait3A_97 : memref<40x128xi32, #tpu.memory_space<hbm>>) dst(%arg7 : memref<40x128xi32, #tpu.memory_space<vmem>>)
      tpu.yield
    }) : () -> ()
    "tpu.region"() ({
      %run_scoped3A = tpu.sem_alloc : memref<!tpu.dma_semaphore, #tpu.memory_space<semaphore_mem>>
      %dma_start3A_82 = arith.constant 40 : i32
      %dma_start3A_83 = arith.constant 0 : i32
      %dma_start3A_84 = tpu.memref_slice %arg4[%add3A, %dma_start3A_82, %dma_start3A_83] : memref<32x80x128xi32, #tpu.memory_space<hbm>> -> memref<1x40x128xi32, #tpu.memory_space<hbm>>
      %dma_start3A_85 = tpu.memref_squeeze %dma_start3A_84 : memref<1x40x128xi32, #tpu.memory_space<hbm>> -> memref<40x128xi32, #tpu.memory_space<hbm>>
      %dma_start3A_86 = arith.constant 40 : i32
      %dma_start3A_87 = arith.constant 0 : i32
      %dma_start3A_88 = tpu.memref_slice %arg4[%add3A, %dma_start3A_86, %dma_start3A_87] : memref<32x80x128xi32, #tpu.memory_space<hbm>> -> memref<1x40x128xi32, #tpu.memory_space<hbm>>
      %dma_start3A_89 = tpu.memref_squeeze %dma_start3A_88 : memref<1x40x128xi32, #tpu.memory_space<hbm>> -> memref<40x128xi32, #tpu.memory_space<hbm>>
      tpu.enqueue_dma source(%dma_start3A_89 : memref<40x128xi32, #tpu.memory_space<hbm>>) target(%arg8 : memref<40x128xi32, #tpu.memory_space<vmem>>) target_semaphore(%run_scoped3A : memref<!tpu.dma_semaphore, #tpu.memory_space<semaphore_mem>>)
      %dma_wait3A_90 = arith.constant 40 : i32
      %dma_wait3A_91 = arith.constant 0 : i32
      %dma_wait3A_92 = tpu.memref_slice %arg4[%add3A, %dma_wait3A_90, %dma_wait3A_91] : memref<32x80x128xi32, #tpu.memory_space<hbm>> -> memref<1x40x128xi32, #tpu.memory_space<hbm>>
      %dma_wait3A_93 = tpu.memref_squeeze %dma_wait3A_92 : memref<1x40x128xi32, #tpu.memory_space<hbm>> -> memref<40x128xi32, #tpu.memory_space<hbm>>
      %dma_wait3A_94 = arith.constant 40 : i32
      %dma_wait3A_95 = arith.constant 0 : i32
      %dma_wait3A_96 = tpu.memref_slice %arg4[%add3A, %dma_wait3A_94, %dma_wait3A_95] : memref<32x80x128xi32, #tpu.memory_space<hbm>> -> memref<1x40x128xi32, #tpu.memory_space<hbm>>
      %dma_wait3A_97 = tpu.memref_squeeze %dma_wait3A_96 : memref<1x40x128xi32, #tpu.memory_space<hbm>> -> memref<40x128xi32, #tpu.memory_space<hbm>>
      tpu.wait_dma2 semaphore(%run_scoped3A : memref<!tpu.dma_semaphore, #tpu.memory_space<semaphore_mem>>) src(%dma_wait3A_97 : memref<40x128xi32, #tpu.memory_space<hbm>>) dst(%arg8 : memref<40x128xi32, #tpu.memory_space<vmem>>)
      tpu.yield
    }) : () -> ()
    %dma_start3A_55 = arith.constant 0 : i32
    %dma_start3A_56 = arith.constant 0 : i32
    %dma_start3A_57 = tpu.memref_slice %arg7[%dma_start3A_55, %dma_start3A_56] : memref<40x128xi32, #tpu.memory_space<vmem>> -> memref<1x128xi32, #tpu.memory_space<vmem>>
    %dma_start3A_58 = tpu.memref_squeeze %dma_start3A_57 : memref<1x128xi32, #tpu.memory_space<vmem>> -> memref<128xi32, #tpu.memory_space<vmem>>
    %dma_start3A_59 = arith.constant 0 : i32
    %dma_start3A_60 = arith.constant 0 : i32
    %dma_start3A_61 = tpu.memref_slice %arg2[%dma_start3A_59, %dma_start3A_60] : memref<10128x128xf32, #tpu.memory_space<hbm>> -> memref<10128x128xf32, #tpu.memory_space<hbm>>
    tpu.enqueue_indirect_dma source(%dma_start3A_61 : memref<10128x128xf32, #tpu.memory_space<hbm>>) target(%arg9 : memref<128x128xf32, #tpu.memory_space<vmem>>) offsets(%dma_start3A_58 : memref<128xi32, #tpu.memory_space<vmem>>) semaphore(%arg12 : memref<!tpu.dma_semaphore, #tpu.memory_space<semaphore_mem>>)
    %dma_start3A_62 = arith.constant 1 : i32
    %dma_start3A_63 = arith.constant 0 : i32
    %dma_start3A_64 = tpu.memref_slice %arg7[%dma_start3A_62, %dma_start3A_63] : memref<40x128xi32, #tpu.memory_space<vmem>> -> memref<1x128xi32, #tpu.memory_space<vmem>>
    %dma_start3A_65 = tpu.memref_squeeze %dma_start3A_64 : memref<1x128xi32, #tpu.memory_space<vmem>> -> memref<128xi32, #tpu.memory_space<vmem>>
    %dma_start3A_66 = arith.constant 0 : i32
    %dma_start3A_67 = arith.constant 0 : i32
    %dma_start3A_68 = tpu.memref_slice %arg2[%dma_start3A_66, %dma_start3A_67] : memref<10128x128xf32, #tpu.memory_space<hbm>> -> memref<10128x128xf32, #tpu.memory_space<hbm>>
    tpu.enqueue_indirect_dma source(%dma_start3A_68 : memref<10128x128xf32, #tpu.memory_space<hbm>>) target(%arg10 : memref<128x128xf32, #tpu.memory_space<vmem>>) offsets(%dma_start3A_65 : memref<128xi32, #tpu.memory_space<vmem>>) semaphore(%arg13 : memref<!tpu.dma_semaphore, #tpu.memory_space<semaphore_mem>>)
    %scan3A_69 = arith.constant 0 : i32
    %scan3A_70 = arith.constant 20 : i32
    %scan3A_71 = arith.addi %scan3A_69, %scan3A_70 : i32
    %scan3A_72 = arith.constant 1 : i32
    scf.for %scan3A_82 = %scan3A_69 to %scan3A_71 step %scan3A_72  : i32 {
      %mul3A_83 = arith.constant 2 : i32
      %mul3A_84 = arith.muli %scan3A_82, %mul3A_83 : i32
      %add3A_85 = arith.constant 0 : i32
      %add3A_86 = arith.addi %add3A_85, %mul3A_84 : i32
      %dma_wait3A_87 = arith.constant 0 : i32
      %dma_wait3A_88 = arith.constant 0 : i32
      %dma_wait3A_89 = tpu.memref_slice %arg5[%dma_wait3A_87, %dma_wait3A_88] : memref<640x128xf32, #tpu.memory_space<hbm>> -> memref<128x128xf32, #tpu.memory_space<hbm>>
      %dma_wait3A_90 = arith.constant 0 : i32
      %dma_wait3A_91 = arith.constant 0 : i32
      %dma_wait3A_92 = tpu.memref_slice %arg5[%dma_wait3A_90, %dma_wait3A_91] : memref<640x128xf32, #tpu.memory_space<hbm>> -> memref<128x128xf32, #tpu.memory_space<hbm>>
      tpu.wait_dma2 semaphore(%arg12 : memref<!tpu.dma_semaphore, #tpu.memory_space<semaphore_mem>>) src(%dma_wait3A_92 : memref<128x128xf32, #tpu.memory_space<hbm>>) dst(%arg9 : memref<128x128xf32, #tpu.memory_space<vmem>>)
      "tpu.region"() ({
        %run_scoped3A = tpu.sem_alloc : memref<!tpu.dma_semaphore, #tpu.memory_space<semaphore_mem>>
        %dma_start3A_112 = arith.constant 0 : i32
        %dma_start3A_113 = tpu.memref_slice %arg8[%add3A_86, %dma_start3A_112] : memref<40x128xi32, #tpu.memory_space<vmem>> -> memref<1x128xi32, #tpu.memory_space<vmem>>
        %dma_start3A_114 = tpu.memref_squeeze %dma_start3A_113 : memref<1x128xi32, #tpu.memory_space<vmem>> -> memref<128xi32, #tpu.memory_space<vmem>>
        %dma_start3A_115 = arith.constant 0 : i32
        %dma_start3A_116 = arith.constant 0 : i32
        %dma_start3A_117 = tpu.memref_slice %arg11[%dma_start3A_115, %dma_start3A_116] : memref<10240x128xf32, #tpu.memory_space<vmem_shared>> -> memref<10240x128xf32, #tpu.memory_space<vmem_shared>>
        tpu.enqueue_indirect_dma source(%arg9 : memref<128x128xf32, #tpu.memory_space<vmem>>) target(%dma_start3A_117 : memref<10240x128xf32, #tpu.memory_space<vmem_shared>>) offsets(%dma_start3A_114 : memref<128xi32, #tpu.memory_space<vmem>>) semaphore(%run_scoped3A : memref<!tpu.dma_semaphore, #tpu.memory_space<semaphore_mem>>) {add = true}
        %dma_wait3A_118 = arith.constant 0 : i32
        %dma_wait3A_119 = tpu.memref_slice %arg8[%add3A_86, %dma_wait3A_118] : memref<40x128xi32, #tpu.memory_space<vmem>> -> memref<1x128xi32, #tpu.memory_space<vmem>>
        %dma_wait3A_120 = tpu.memref_squeeze %dma_wait3A_119 : memref<1x128xi32, #tpu.memory_space<vmem>> -> memref<128xi32, #tpu.memory_space<vmem>>
        %dma_wait3A_121 = arith.constant 0 : i32
        %dma_wait3A_122 = arith.constant 0 : i32
        %dma_wait3A_123 = tpu.memref_slice %arg11[%dma_wait3A_121, %dma_wait3A_122] : memref<10240x128xf32, #tpu.memory_space<vmem_shared>> -> memref<10240x128xf32, #tpu.memory_space<vmem_shared>>
        tpu.wait_indirect_dma semaphore(%run_scoped3A : memref<!tpu.dma_semaphore, #tpu.memory_space<semaphore_mem>>) src(%arg9 : memref<128x128xf32, #tpu.memory_space<vmem>>) dst(%dma_wait3A_123 : memref<10240x128xf32, #tpu.memory_space<vmem_shared>>)
        tpu.yield
      }) : () -> ()
      %add3A_93 = arith.constant 2 : i32
      %add3A_94 = arith.addi %add3A_86, %add3A_93 : i32
      %lt3A = arith.constant 40 : i32
      %lt3A_95 = arith.cmpi slt, %add3A_94, %lt3A : i32
      %convert_element_type3A = arith.extui %lt3A_95 : i1 to i32
      %cond3A = arith.constant 0 : i32
      %cond3A_96 = arith.cmpi ne, %convert_element_type3A, %cond3A : i32
      scf.if %cond3A_96 {
        %add3A_112 = arith.constant 2 : i32
        %add3A_113 = arith.addi %add3A_86, %add3A_112 : i32
        %dma_start3A_114 = arith.constant 0 : i32
        %dma_start3A_115 = tpu.memref_slice %arg7[%add3A_113, %dma_start3A_114] : memref<40x128xi32, #tpu.memory_space<vmem>> -> memref<1x128xi32, #tpu.memory_space<vmem>>
        %dma_start3A_116 = tpu.memref_squeeze %dma_start3A_115 : memref<1x128xi32, #tpu.memory_space<vmem>> -> memref<128xi32, #tpu.memory_space<vmem>>
        %dma_start3A_117 = arith.constant 0 : i32
        %dma_start3A_118 = arith.constant 0 : i32
        %dma_start3A_119 = tpu.memref_slice %arg2[%dma_start3A_117, %dma_start3A_118] : memref<10128x128xf32, #tpu.memory_space<hbm>> -> memref<10128x128xf32, #tpu.memory_space<hbm>>
        tpu.enqueue_indirect_dma source(%dma_start3A_119 : memref<10128x128xf32, #tpu.memory_space<hbm>>) target(%arg9 : memref<128x128xf32, #tpu.memory_space<vmem>>) offsets(%dma_start3A_116 : memref<128xi32, #tpu.memory_space<vmem>>) semaphore(%arg12 : memref<!tpu.dma_semaphore, #tpu.memory_space<semaphore_mem>>)
      } else {
      }
      %dma_wait3A_97 = arith.constant 0 : i32
      %dma_wait3A_98 = arith.constant 0 : i32
      %dma_wait3A_99 = tpu.memref_slice %arg5[%dma_wait3A_97, %dma_wait3A_98] : memref<640x128xf32, #tpu.memory_space<hbm>> -> memref<128x128xf32, #tpu.memory_space<hbm>>
      %dma_wait3A_100 = arith.constant 0 : i32
      %dma_wait3A_101 = arith.constant 0 : i32
      %dma_wait3A_102 = tpu.memref_slice %arg5[%dma_wait3A_100, %dma_wait3A_101] : memref<640x128xf32, #tpu.memory_space<hbm>> -> memref<128x128xf32, #tpu.memory_space<hbm>>
      tpu.wait_dma2 semaphore(%arg13 : memref<!tpu.dma_semaphore, #tpu.memory_space<semaphore_mem>>) src(%dma_wait3A_102 : memref<128x128xf32, #tpu.memory_space<hbm>>) dst(%arg10 : memref<128x128xf32, #tpu.memory_space<vmem>>)
      %add3A_103 = arith.constant 1 : i32
      %add3A_104 = arith.addi %add3A_86, %add3A_103 : i32
      "tpu.region"() ({
        %run_scoped3A = tpu.sem_alloc : memref<!tpu.dma_semaphore, #tpu.memory_space<semaphore_mem>>
        %dma_start3A_112 = arith.constant 0 : i32
        %dma_start3A_113 = tpu.memref_slice %arg8[%add3A_104, %dma_start3A_112] : memref<40x128xi32, #tpu.memory_space<vmem>> -> memref<1x128xi32, #tpu.memory_space<vmem>>
        %dma_start3A_114 = tpu.memref_squeeze %dma_start3A_113 : memref<1x128xi32, #tpu.memory_space<vmem>> -> memref<128xi32, #tpu.memory_space<vmem>>
        %dma_start3A_115 = arith.constant 0 : i32
        %dma_start3A_116 = arith.constant 0 : i32
        %dma_start3A_117 = tpu.memref_slice %arg11[%dma_start3A_115, %dma_start3A_116] : memref<10240x128xf32, #tpu.memory_space<vmem_shared>> -> memref<10240x128xf32, #tpu.memory_space<vmem_shared>>
        tpu.enqueue_indirect_dma source(%arg10 : memref<128x128xf32, #tpu.memory_space<vmem>>) target(%dma_start3A_117 : memref<10240x128xf32, #tpu.memory_space<vmem_shared>>) offsets(%dma_start3A_114 : memref<128xi32, #tpu.memory_space<vmem>>) semaphore(%run_scoped3A : memref<!tpu.dma_semaphore, #tpu.memory_space<semaphore_mem>>) {add = true}
        %dma_wait3A_118 = arith.constant 0 : i32
        %dma_wait3A_119 = tpu.memref_slice %arg8[%add3A_104, %dma_wait3A_118] : memref<40x128xi32, #tpu.memory_space<vmem>> -> memref<1x128xi32, #tpu.memory_space<vmem>>
        %dma_wait3A_120 = tpu.memref_squeeze %dma_wait3A_119 : memref<1x128xi32, #tpu.memory_space<vmem>> -> memref<128xi32, #tpu.memory_space<vmem>>
        %dma_wait3A_121 = arith.constant 0 : i32
        %dma_wait3A_122 = arith.constant 0 : i32
        %dma_wait3A_123 = tpu.memref_slice %arg11[%dma_wait3A_121, %dma_wait3A_122] : memref<10240x128xf32, #tpu.memory_space<vmem_shared>> -> memref<10240x128xf32, #tpu.memory_space<vmem_shared>>
        tpu.wait_indirect_dma semaphore(%run_scoped3A : memref<!tpu.dma_semaphore, #tpu.memory_space<semaphore_mem>>) src(%arg10 : memref<128x128xf32, #tpu.memory_space<vmem>>) dst(%dma_wait3A_123 : memref<10240x128xf32, #tpu.memory_space<vmem_shared>>)
        tpu.yield
      }) : () -> ()
      %add3A_105 = arith.constant 3 : i32
      %add3A_106 = arith.addi %add3A_86, %add3A_105 : i32
      %lt3A_107 = arith.constant 40 : i32
      %lt3A_108 = arith.cmpi slt, %add3A_106, %lt3A_107 : i32
      %convert_element_type3A_109 = arith.extui %lt3A_108 : i1 to i32
      %cond3A_110 = arith.constant 0 : i32
      %cond3A_111 = arith.cmpi ne, %convert_element_type3A_109, %cond3A_110 : i32
      scf.if %cond3A_111 {
        %add3A_112 = arith.constant 3 : i32
        %add3A_113 = arith.addi %add3A_86, %add3A_112 : i32
        %dma_start3A_114 = arith.constant 0 : i32
        %dma_start3A_115 = tpu.memref_slice %arg7[%add3A_113, %dma_start3A_114] : memref<40x128xi32, #tpu.memory_space<vmem>> -> memref<1x128xi32, #tpu.memory_space<vmem>>
        %dma_start3A_116 = tpu.memref_squeeze %dma_start3A_115 : memref<1x128xi32, #tpu.memory_space<vmem>> -> memref<128xi32, #tpu.memory_space<vmem>>
        %dma_start3A_117 = arith.constant 0 : i32
        %dma_start3A_118 = arith.constant 0 : i32
        %dma_start3A_119 = tpu.memref_slice %arg2[%dma_start3A_117, %dma_start3A_118] : memref<10128x128xf32, #tpu.memory_space<hbm>> -> memref<10128x128xf32, #tpu.memory_space<hbm>>
        tpu.enqueue_indirect_dma source(%dma_start3A_119 : memref<10128x128xf32, #tpu.memory_space<hbm>>) target(%arg10 : memref<128x128xf32, #tpu.memory_space<vmem>>) offsets(%dma_start3A_116 : memref<128xi32, #tpu.memory_space<vmem>>) semaphore(%arg13 : memref<!tpu.dma_semaphore, #tpu.memory_space<semaphore_mem>>)
      } else {
      }
    }
    %scan3A_73 = arith.constant 20 : i32
    %barrier3A_74 = arith.constant 0 : index
    tpu.barrier barrier_id(%barrier3A_74)
    %mul3A_75 = arith.constant 640 : i32
    %mul3A_76 = arith.muli %arg1, %mul3A_75 : i32
    %mul3A_77 = arith.constant 10240 : i32
    %mul3A_78 = arith.muli %arg0, %mul3A_77 : i32
    %mul3A_79 = arith.constant 640 : i32
    %mul3A_80 = arith.muli %arg1, %mul3A_79 : i32
    %add3A_81 = arith.addi %mul3A_78, %mul3A_80 : i32
    "tpu.region"() ({
      %run_scoped3A = tpu.sem_alloc : memref<!tpu.dma_semaphore, #tpu.memory_space<semaphore_mem>>
      %dma_start3A_82 = arith.constant 0 : i32
      %dma_start3A_83 = tpu.memref_slice %arg6[%add3A_81, %dma_start3A_82] : memref<20480x128xf32, #tpu.memory_space<hbm>> -> memref<640x128xf32, #tpu.memory_space<hbm>>
      %dma_start3A_84 = arith.constant 0 : i32
      %dma_start3A_85 = tpu.memref_slice %arg11[%mul3A_76, %dma_start3A_84] : memref<10240x128xf32, #tpu.memory_space<vmem_shared>> -> memref<640x128xf32, #tpu.memory_space<vmem_shared>>
      tpu.enqueue_dma source(%dma_start3A_85 : memref<640x128xf32, #tpu.memory_space<vmem_shared>>) target(%dma_start3A_83 : memref<640x128xf32, #tpu.memory_space<hbm>>) target_semaphore(%run_scoped3A : memref<!tpu.dma_semaphore, #tpu.memory_space<semaphore_mem>>)
      %dma_wait3A_86 = arith.constant 0 : i32
      %dma_wait3A_87 = tpu.memref_slice %arg6[%add3A_81, %dma_wait3A_86] : memref<20480x128xf32, #tpu.memory_space<hbm>> -> memref<640x128xf32, #tpu.memory_space<hbm>>
      %dma_wait3A_88 = arith.constant 0 : i32
      %dma_wait3A_89 = tpu.memref_slice %arg11[%mul3A_76, %dma_wait3A_88] : memref<10240x128xf32, #tpu.memory_space<vmem_shared>> -> memref<640x128xf32, #tpu.memory_space<vmem_shared>>
      tpu.wait_dma2 semaphore(%run_scoped3A : memref<!tpu.dma_semaphore, #tpu.memory_space<semaphore_mem>>) src(%dma_wait3A_89 : memref<640x128xf32, #tpu.memory_space<vmem_shared>>) dst(%dma_wait3A_87 : memref<640x128xf32, #tpu.memory_space<hbm>>)
      tpu.yield
    }) : () -> ()
    return
  }
}

module attributes {stable_mosaic.version = 14 : i64} {
  func.func @_scale_pad_body(%arg0: memref<10000x128xf32, #tpu.memory_space<vmem>>, %arg1: memref<10000x1xf32, #tpu.memory_space<vmem>>, %arg2: memref<10128x128xf32, #tpu.memory_space<vmem>>) attributes {dimension_semantics = [], scalar_prefetch = 0 : i64, scratch_operands = 0 : i64, tpu.core_type = #tpu.core_type<tc>} {
    %get3A = arith.constant 0 : index
    %get3A_0 = arith.constant 0 : index
    %get3A_1 = vector.load %arg0[%get3A, %get3A_0] : memref<10000x128xf32, #tpu.memory_space<vmem>>, vector<10000x128xf32>
    %get3A_2 = arith.constant 0 : index
    %get3A_3 = arith.constant 0 : index
    %get3A_4 = vector.load %arg1[%get3A_2, %get3A_3] : memref<10000x1xf32, #tpu.memory_space<vmem>>, vector<10000x1xf32>
    %mul3A = vector.broadcast %get3A_4 : vector<10000x1xf32> to vector<10000x128xf32>
    %mul3A_5 = arith.mulf %get3A_1, %mul3A : vector<10000x128xf32>
    %swap3A = arith.constant 0 : index
    %swap3A_6 = arith.constant 0 : index
    %swap3A_7 = vector.load %arg2[%swap3A, %swap3A_6] : memref<10128x128xf32, #tpu.memory_space<vmem>>, vector<10000x128xf32>
    tpu.vector_store %arg2[%swap3A, %swap3A_6], %mul3A_5 {strides = array<i32>} : memref<10128x128xf32, #tpu.memory_space<vmem>>, vector<10000x128xf32>,
    %broadcast_in_dim3A = arith.constant 0.000000e+00 : f32
    %broadcast_in_dim3A_8 = vector.broadcast %broadcast_in_dim3A : f32 to vector<128x128xf32>
    %swap3A_9 = arith.constant 10000 : index
    %swap3A_10 = arith.constant 0 : index
    %swap3A_11 = vector.load %arg2[%swap3A_9, %swap3A_10] : memref<10128x128xf32, #tpu.memory_space<vmem>>, vector<128x128xf32>
    tpu.vector_store %arg2[%swap3A_9, %swap3A_10], %broadcast_in_dim3A_8 {strides = array<i32>} : memref<10128x128xf32, #tpu.memory_space<vmem>>, vector<128x128xf32>,
    return
  }
}

module attributes {stable_mosaic.version = 14 : i64} {
  func.func @_mid_body(%arg0: memref<20480x128xf32, #tpu.memory_space<vmem>>, %arg1: memref<128x128xf32, #tpu.memory_space<vmem>>, %arg2: memref<1x128xf32, #tpu.memory_space<vmem>>, %arg3: memref<10000x1xf32, #tpu.memory_space<vmem>>, %arg4: memref<10000x1xf32, #tpu.memory_space<vmem>>, %arg5: memref<1x128xf32, #tpu.memory_space<vmem>>, %arg6: memref<1x128xf32, #tpu.memory_space<vmem>>, %arg7: memref<10128x128xf32, #tpu.memory_space<vmem>>) attributes {dimension_semantics = [], scalar_prefetch = 0 : i64, scratch_operands = 0 : i64, tpu.core_type = #tpu.core_type<tc>} {
    %get3A = arith.constant 0 : index
    %get3A_0 = arith.constant 0 : index
    %get3A_1 = vector.load %arg0[%get3A, %get3A_0] : memref<20480x128xf32, #tpu.memory_space<vmem>>, vector<10000x128xf32>
    %get3A_2 = arith.constant 10240 : index
    %get3A_3 = arith.constant 0 : index
    %get3A_4 = vector.load %arg0[%get3A_2, %get3A_3] : memref<20480x128xf32, #tpu.memory_space<vmem>>, vector<10000x128xf32>
    %add3A = arith.addf %get3A_1, %get3A_4 : vector<10000x128xf32>
    %get3A_5 = arith.constant 0 : index
    %get3A_6 = arith.constant 0 : index
    %get3A_7 = vector.load %arg1[%get3A_5, %get3A_6] : memref<128x128xf32, #tpu.memory_space<vmem>>, vector<128x128xf32>
    %dot_general3A = arith.constant dense<0.000000e+00> : vector<10000x128xf32>
    %dot_general3A_8 = tpu.matmul %add3A, %get3A_7, %dot_general3A {dimension_numbers = #tpu.dot_dimension_numbers<[1], [0], [0], [1], [0, 0, 1, 1], [], []>, transpose_lhs_hint = false} : vector<10000x128xf32>, vector<128x128xf32>, vector<10000x128xf32> -> vector<10000x128xf32>
    %get3A_9 = arith.constant 0 : index
    %get3A_10 = arith.constant 0 : index
    %get3A_11 = vector.load %arg3[%get3A_9, %get3A_10] : memref<10000x1xf32, #tpu.memory_space<vmem>>, vector<10000x1xf32>
    %mul3A = vector.broadcast %get3A_11 : vector<10000x1xf32> to vector<10000x128xf32>
    %mul3A_12 = arith.mulf %dot_general3A_8, %mul3A : vector<10000x128xf32>
    %get3A_13 = arith.constant 0 : index
    %get3A_14 = arith.constant 0 : index
    %get3A_15 = vector.load %arg2[%get3A_13, %get3A_14] : memref<1x128xf32, #tpu.memory_space<vmem>>, vector<1x128xf32>
    %add3A_16 = vector.broadcast %get3A_15 : vector<1x128xf32> to vector<10000x128xf32>
    %add3A_17 = arith.addf %mul3A_12, %add3A_16 : vector<10000x128xf32>
    %max3A = arith.constant 0.000000e+00 : f32
    %max3A_18 = vector.broadcast %max3A : f32 to vector<10000x128xf32>
    %max3A_19 = arith.maximumf %add3A_17, %max3A_18 : vector<10000x128xf32>
    %get3A_20 = arith.constant 0 : index
    %get3A_21 = arith.constant 0 : index
    %get3A_22 = vector.load %arg4[%get3A_20, %get3A_21] : memref<10000x1xf32, #tpu.memory_space<vmem>>, vector<10000x1xf32>
    %mul3A_23 = vector.broadcast %get3A_22 : vector<10000x1xf32> to vector<10000x128xf32>
    %mul3A_24 = arith.mulf %max3A_19, %mul3A_23 : vector<10000x128xf32>
    %swap3A = arith.constant 0 : index
    %swap3A_25 = arith.constant 0 : index
    %swap3A_26 = vector.load %arg7[%swap3A, %swap3A_25] : memref<10128x128xf32, #tpu.memory_space<vmem>>, vector<10000x128xf32>
    tpu.vector_store %arg7[%swap3A, %swap3A_25], %mul3A_24 {strides = array<i32>} : memref<10128x128xf32, #tpu.memory_space<vmem>>, vector<10000x128xf32>,
    %broadcast_in_dim3A = arith.constant 0.000000e+00 : f32
    %broadcast_in_dim3A_27 = vector.broadcast %broadcast_in_dim3A : f32 to vector<128x128xf32>
    %swap3A_28 = arith.constant 10000 : index
    %swap3A_29 = arith.constant 0 : index
    %swap3A_30 = vector.load %arg7[%swap3A_28, %swap3A_29] : memref<10128x128xf32, #tpu.memory_space<vmem>>, vector<128x128xf32>
    tpu.vector_store %arg7[%swap3A_28, %swap3A_29], %broadcast_in_dim3A_27 {strides = array<i32>} : memref<10128x128xf32, #tpu.memory_space<vmem>>, vector<128x128xf32>,
    return
  }
}

module attributes {stable_mosaic.version = 14 : i64} {
  func.func @_mid_body(%arg0: memref<20480x128xf32, #tpu.memory_space<vmem>>, %arg1: memref<128x128xf32, #tpu.memory_space<vmem>>, %arg2: memref<1x128xf32, #tpu.memory_space<vmem>>, %arg3: memref<10000x1xf32, #tpu.memory_space<vmem>>, %arg4: memref<10000x1xf32, #tpu.memory_space<vmem>>, %arg5: memref<1x128xf32, #tpu.memory_space<vmem>>, %arg6: memref<1x128xf32, #tpu.memory_space<vmem>>, %arg7: memref<10128x128xf32, #tpu.memory_space<vmem>>) attributes {dimension_semantics = [], scalar_prefetch = 0 : i64, scratch_operands = 0 : i64, tpu.core_type = #tpu.core_type<tc>} {
    %get3A = arith.constant 0 : index
    %get3A_0 = arith.constant 0 : index
    %get3A_1 = vector.load %arg0[%get3A, %get3A_0] : memref<20480x128xf32, #tpu.memory_space<vmem>>, vector<10000x128xf32>
    %get3A_2 = arith.constant 10240 : index
    %get3A_3 = arith.constant 0 : index
    %get3A_4 = vector.load %arg0[%get3A_2, %get3A_3] : memref<20480x128xf32, #tpu.memory_space<vmem>>, vector<10000x128xf32>
    %add3A = arith.addf %get3A_1, %get3A_4 : vector<10000x128xf32>
    %get3A_5 = arith.constant 0 : index
    %get3A_6 = arith.constant 0 : index
    %get3A_7 = vector.load %arg1[%get3A_5, %get3A_6] : memref<128x128xf32, #tpu.memory_space<vmem>>, vector<128x128xf32>
    %dot_general3A = arith.constant dense<0.000000e+00> : vector<10000x128xf32>
    %dot_general3A_8 = tpu.matmul %add3A, %get3A_7, %dot_general3A {dimension_numbers = #tpu.dot_dimension_numbers<[1], [0], [0], [1], [0, 0, 1, 1], [], []>, transpose_lhs_hint = false} : vector<10000x128xf32>, vector<128x128xf32>, vector<10000x128xf32> -> vector<10000x128xf32>
    %get3A_9 = arith.constant 0 : index
    %get3A_10 = arith.constant 0 : index
    %get3A_11 = vector.load %arg3[%get3A_9, %get3A_10] : memref<10000x1xf32, #tpu.memory_space<vmem>>, vector<10000x1xf32>
    %mul3A = vector.broadcast %get3A_11 : vector<10000x1xf32> to vector<10000x128xf32>
    %mul3A_12 = arith.mulf %dot_general3A_8, %mul3A : vector<10000x128xf32>
    %get3A_13 = arith.constant 0 : index
    %get3A_14 = arith.constant 0 : index
    %get3A_15 = vector.load %arg2[%get3A_13, %get3A_14] : memref<1x128xf32, #tpu.memory_space<vmem>>, vector<1x128xf32>
    %add3A_16 = vector.broadcast %get3A_15 : vector<1x128xf32> to vector<10000x128xf32>
    %add3A_17 = arith.addf %mul3A_12, %add3A_16 : vector<10000x128xf32>
    %max3A = arith.constant 0.000000e+00 : f32
    %max3A_18 = vector.broadcast %max3A : f32 to vector<10000x128xf32>
    %max3A_19 = arith.maximumf %add3A_17, %max3A_18 : vector<10000x128xf32>
    %reduce_sum3A = arith.constant dense<0.000000e+00> : vector<128xf32>
    %reduce_sum3A_20 = vector.multi_reduction <add>, %max3A_19, %reduce_sum3A [0] : vector<10000x128xf32> to vector<128xf32>
    %broadcast_in_dim3A = vector.shape_cast %reduce_sum3A_20 : vector<128xf32> to vector<1x128xf32>
    %div3A = arith.constant 1.000000e+04 : f32
    %div3A_21 = vector.broadcast %div3A : f32 to vector<1x128xf32>
    %div3A_22 = arith.divf %broadcast_in_dim3A, %div3A_21 : vector<1x128xf32>
    %sub3A = vector.broadcast %div3A_22 : vector<1x128xf32> to vector<10000x128xf32>
    %sub3A_23 = arith.subf %max3A_19, %sub3A : vector<10000x128xf32>
    %integer_pow3A = arith.mulf %sub3A_23, %sub3A_23 : vector<10000x128xf32>
    %reduce_sum3A_24 = arith.constant dense<0.000000e+00> : vector<128xf32>
    %reduce_sum3A_25 = vector.multi_reduction <add>, %integer_pow3A, %reduce_sum3A_24 [0] : vector<10000x128xf32> to vector<128xf32>
    %broadcast_in_dim3A_26 = vector.shape_cast %reduce_sum3A_25 : vector<128xf32> to vector<1x128xf32>
    %div3A_27 = arith.constant 1.000000e+04 : f32
    %div3A_28 = vector.broadcast %div3A_27 : f32 to vector<1x128xf32>
    %div3A_29 = arith.divf %broadcast_in_dim3A_26, %div3A_28 : vector<1x128xf32>
    %sub3A_30 = vector.broadcast %div3A_22 : vector<1x128xf32> to vector<10000x128xf32>
    %sub3A_31 = arith.subf %max3A_19, %sub3A_30 : vector<10000x128xf32>
    %add3A_32 = arith.constant 9.99999974E-6 : f32
    %add3A_33 = vector.broadcast %add3A_32 : f32 to vector<1x128xf32>
    %add3A_34 = arith.addf %div3A_29, %add3A_33 : vector<1x128xf32>
    %sqrt3A = math.sqrt %add3A_34 : vector<1x128xf32>
    %div3A_35 = vector.broadcast %sqrt3A : vector<1x128xf32> to vector<10000x128xf32>
    %div3A_36 = arith.divf %sub3A_31, %div3A_35 : vector<10000x128xf32>
    %get3A_37 = arith.constant 0 : index
    %get3A_38 = arith.constant 0 : index
    %get3A_39 = vector.load %arg5[%get3A_37, %get3A_38] : memref<1x128xf32, #tpu.memory_space<vmem>>, vector<1x128xf32>
    %mul3A_40 = vector.broadcast %get3A_39 : vector<1x128xf32> to vector<10000x128xf32>
    %mul3A_41 = arith.mulf %div3A_36, %mul3A_40 : vector<10000x128xf32>
    %get3A_42 = arith.constant 0 : index
    %get3A_43 = arith.constant 0 : index
    %get3A_44 = vector.load %arg6[%get3A_42, %get3A_43] : memref<1x128xf32, #tpu.memory_space<vmem>>, vector<1x128xf32>
    %add3A_45 = vector.broadcast %get3A_44 : vector<1x128xf32> to vector<10000x128xf32>
    %add3A_46 = arith.addf %mul3A_41, %add3A_45 : vector<10000x128xf32>
    %get3A_47 = arith.constant 0 : index
    %get3A_48 = arith.constant 0 : index
    %get3A_49 = vector.load %arg4[%get3A_47, %get3A_48] : memref<10000x1xf32, #tpu.memory_space<vmem>>, vector<10000x1xf32>
    %mul3A_50 = vector.broadcast %get3A_49 : vector<10000x1xf32> to vector<10000x128xf32>
    %mul3A_51 = arith.mulf %add3A_46, %mul3A_50 : vector<10000x128xf32>
    %swap3A = arith.constant 0 : index
    %swap3A_52 = arith.constant 0 : index
    %swap3A_53 = vector.load %arg7[%swap3A, %swap3A_52] : memref<10128x128xf32, #tpu.memory_space<vmem>>, vector<10000x128xf32>
    tpu.vector_store %arg7[%swap3A, %swap3A_52], %mul3A_51 {strides = array<i32>} : memref<10128x128xf32, #tpu.memory_space<vmem>>, vector<10000x128xf32>,
    %broadcast_in_dim3A_54 = arith.constant 0.000000e+00 : f32
    %broadcast_in_dim3A_55 = vector.broadcast %broadcast_in_dim3A_54 : f32 to vector<128x128xf32>
    %swap3A_56 = arith.constant 10000 : index
    %swap3A_57 = arith.constant 0 : index
    %swap3A_58 = vector.load %arg7[%swap3A_56, %swap3A_57] : memref<10128x128xf32, #tpu.memory_space<vmem>>, vector<128x128xf32>
    tpu.vector_store %arg7[%swap3A_56, %swap3A_57], %broadcast_in_dim3A_55 {strides = array<i32>} : memref<10128x128xf32, #tpu.memory_space<vmem>>, vector<128x128xf32>,
    return
  }
}

module attributes {stable_mosaic.version = 14 : i64} {
  func.func @_final_body(%arg0: memref<20480x128xf32, #tpu.memory_space<vmem>>, %arg1: memref<128x128xf32, #tpu.memory_space<vmem>>, %arg2: memref<1x128xf32, #tpu.memory_space<vmem>>, %arg3: memref<10000x1xf32, #tpu.memory_space<vmem>>, %arg4: memref<1x128xf32, #tpu.memory_space<vmem>>, %arg5: memref<1x128xf32, #tpu.memory_space<vmem>>, %arg6: memref<10000x128xf32, #tpu.memory_space<vmem>>) attributes {dimension_semantics = [], scalar_prefetch = 0 : i64, scratch_operands = 0 : i64, tpu.core_type = #tpu.core_type<tc>} {
    %get3A = arith.constant 0 : index
    %get3A_0 = arith.constant 0 : index
    %get3A_1 = vector.load %arg0[%get3A, %get3A_0] : memref<20480x128xf32, #tpu.memory_space<vmem>>, vector<10000x128xf32>
    %get3A_2 = arith.constant 10240 : index
    %get3A_3 = arith.constant 0 : index
    %get3A_4 = vector.load %arg0[%get3A_2, %get3A_3] : memref<20480x128xf32, #tpu.memory_space<vmem>>, vector<10000x128xf32>
    %add3A = arith.addf %get3A_1, %get3A_4 : vector<10000x128xf32>
    %get3A_5 = arith.constant 0 : index
    %get3A_6 = arith.constant 0 : index
    %get3A_7 = vector.load %arg1[%get3A_5, %get3A_6] : memref<128x128xf32, #tpu.memory_space<vmem>>, vector<128x128xf32>
    %dot_general3A = arith.constant dense<0.000000e+00> : vector<10000x128xf32>
    %dot_general3A_8 = tpu.matmul %add3A, %get3A_7, %dot_general3A {dimension_numbers = #tpu.dot_dimension_numbers<[1], [0], [0], [1], [0, 0, 1, 1], [], []>, transpose_lhs_hint = false} : vector<10000x128xf32>, vector<128x128xf32>, vector<10000x128xf32> -> vector<10000x128xf32>
    %get3A_9 = arith.constant 0 : index
    %get3A_10 = arith.constant 0 : index
    %get3A_11 = vector.load %arg3[%get3A_9, %get3A_10] : memref<10000x1xf32, #tpu.memory_space<vmem>>, vector<10000x1xf32>
    %mul3A = vector.broadcast %get3A_11 : vector<10000x1xf32> to vector<10000x128xf32>
    %mul3A_12 = arith.mulf %dot_general3A_8, %mul3A : vector<10000x128xf32>
    %get3A_13 = arith.constant 0 : index
    %get3A_14 = arith.constant 0 : index
    %get3A_15 = vector.load %arg2[%get3A_13, %get3A_14] : memref<1x128xf32, #tpu.memory_space<vmem>>, vector<1x128xf32>
    %add3A_16 = vector.broadcast %get3A_15 : vector<1x128xf32> to vector<10000x128xf32>
    %add3A_17 = arith.addf %mul3A_12, %add3A_16 : vector<10000x128xf32>
    %max3A = arith.constant 0.000000e+00 : f32
    %max3A_18 = vector.broadcast %max3A : f32 to vector<10000x128xf32>
    %max3A_19 = arith.maximumf %add3A_17, %max3A_18 : vector<10000x128xf32>
    %reduce_sum3A = arith.constant dense<0.000000e+00> : vector<128xf32>
    %reduce_sum3A_20 = vector.multi_reduction <add>, %max3A_19, %reduce_sum3A [0] : vector<10000x128xf32> to vector<128xf32>
    %broadcast_in_dim3A = vector.shape_cast %reduce_sum3A_20 : vector<128xf32> to vector<1x128xf32>
    %div3A = arith.constant 1.000000e+04 : f32
    %div3A_21 = vector.broadcast %div3A : f32 to vector<1x128xf32>
    %div3A_22 = arith.divf %broadcast_in_dim3A, %div3A_21 : vector<1x128xf32>
    %sub3A = vector.broadcast %div3A_22 : vector<1x128xf32> to vector<10000x128xf32>
    %sub3A_23 = arith.subf %max3A_19, %sub3A : vector<10000x128xf32>
    %integer_pow3A = arith.mulf %sub3A_23, %sub3A_23 : vector<10000x128xf32>
    %reduce_sum3A_24 = arith.constant dense<0.000000e+00> : vector<128xf32>
    %reduce_sum3A_25 = vector.multi_reduction <add>, %integer_pow3A, %reduce_sum3A_24 [0] : vector<10000x128xf32> to vector<128xf32>
    %broadcast_in_dim3A_26 = vector.shape_cast %reduce_sum3A_25 : vector<128xf32> to vector<1x128xf32>
    %div3A_27 = arith.constant 1.000000e+04 : f32
    %div3A_28 = vector.broadcast %div3A_27 : f32 to vector<1x128xf32>
    %div3A_29 = arith.divf %broadcast_in_dim3A_26, %div3A_28 : vector<1x128xf32>
    %sub3A_30 = vector.broadcast %div3A_22 : vector<1x128xf32> to vector<10000x128xf32>
    %sub3A_31 = arith.subf %max3A_19, %sub3A_30 : vector<10000x128xf32>
    %add3A_32 = arith.constant 9.99999974E-6 : f32
    %add3A_33 = vector.broadcast %add3A_32 : f32 to vector<1x128xf32>
    %add3A_34 = arith.addf %div3A_29, %add3A_33 : vector<1x128xf32>
    %sqrt3A = math.sqrt %add3A_34 : vector<1x128xf32>
    %div3A_35 = vector.broadcast %sqrt3A : vector<1x128xf32> to vector<10000x128xf32>
    %div3A_36 = arith.divf %sub3A_31, %div3A_35 : vector<10000x128xf32>
    %get3A_37 = arith.constant 0 : index
    %get3A_38 = arith.constant 0 : index
    %get3A_39 = vector.load %arg4[%get3A_37, %get3A_38] : memref<1x128xf32, #tpu.memory_space<vmem>>, vector<1x128xf32>
    %mul3A_40 = vector.broadcast %get3A_39 : vector<1x128xf32> to vector<10000x128xf32>
    %mul3A_41 = arith.mulf %div3A_36, %mul3A_40 : vector<10000x128xf32>
    %get3A_42 = arith.constant 0 : index
    %get3A_43 = arith.constant 0 : index
    %get3A_44 = vector.load %arg5[%get3A_42, %get3A_43] : memref<1x128xf32, #tpu.memory_space<vmem>>, vector<1x128xf32>
    %add3A_45 = vector.broadcast %get3A_44 : vector<1x128xf32> to vector<10000x128xf32>
    %add3A_46 = arith.addf %mul3A_41, %add3A_45 : vector<10000x128xf32>
    %swap3A = arith.constant 0 : index
    %swap3A_47 = arith.constant 0 : index
    %swap3A_48 = vector.load %arg6[%swap3A, %swap3A_47] : memref<10000x128xf32, #tpu.memory_space<vmem>>, vector<10000x128xf32>
    tpu.vector_store %arg6[%swap3A, %swap3A_47], %add3A_46 {strides = array<i32>} : memref<10000x128xf32, #tpu.memory_space<vmem>>, vector<10000x128xf32>,
    return
  }
}

</mosaic_0001>

<sc_bundles>
// kernel: kernel.10.cloned.1.call-start
scs
__scs_entry_jumppad:
0x0: {  	(pc) =	sbr.rel $0x88, $3  }
0x1: {  	(tag) =	ssettag $0x0;
	lr =	simm.s32 $0x1  }
0x2: {  	[smem:$0x3F95] =	sst lr;
	_ =	strace $0xD0000000  }
0x3: {  	_ = 	snop  }
0x4: {  	_ = 	snop  }
0x5: {  	_ = 	snop  }
0x6: {  	_ = 	snop  }
0x7: {  	_ = 	snop  }
__scs_overlays_trampoline_lowered:
0x8: {  	[smem:$0x3FA4] =	sst s0  }
0x9: {  	[smem:$0x3FA5] =	sst s1  }
0xa: {  	[smem:$0x3FA6] =	sst s2  }
0xb: {  	[smem:$0x3FA7] =	sst s3  }
0xc: {  	[smem:$0x3FA8] =	sst s4  }
0xd: {  	[smem:$0x3FA9] =	sst s5  }
0xe: {  	[smem:$0x3FAA] =	sst s6  }
0xf: {  	[smem:$0x3FAB] =	sst s7  }
0x10: {  	[smem:$0x3FAC] =	sst s8  }
0x11: {  	[smem:$0x3FAD] =	sst s9;
	s0 =	simm.s32 @!p0 $0x0  }
0x12: {  	s1 =	sld [smem:$0x3F93];
	s0 =	simm.s32 @p0 $0x1  }
0x13: {  	[smem:$0x3FAE] =	sst s0;
	s0 =	simm.s32 @!p1 $0x0  }
0x14: {  	s2 =	sld [smem:$0x3F92];
	s0 =	simm.s32 @p1 $0x1  }
0x15: {  	[smem:$0x3FAF] =	sst s0;
	s0 =	simm.s32 @!p2 $0x0  }
0x16: {  	s3 =	sld [smem:$0x3FDB];
	s0 =	simm.s32 @p2 $0x1  }
0x17: {  	s4 =	simm.s32 $0x1BF5;
	[smem:$0x3FB1] =	sst s0  }
0x18: {  	s0 =	sld [smem:$0x3F94];
	_ =	swait.ge [sflag:s4], $0x0  }
0x19: {  	s7 =	sld [smem:$0x3F95]  }
0x1a: {  	s8 =	sadd.s32 $0xFFFFE003, lr  }
0x1b: {  	s9 =	sadd.s32 $0xFFFFFEF7, lr;
	s5 =	simm.s32 $0xFFFFFFFF;
	p2 =	slt.u32 s8, $0xFFFFF086  }
0x1c: {  	p1 =	slt.u32 s9, $0xF7A;
	s5 =	simm.s32 @!p2 $0x0  }
0x1d: {  	s5 =	simm.s32 @p1 $0x1;
	p0 =	seq.s32 s7, s2  }
0x1e: {  	s7 =	smul.u32 @!p0 $0xF7A, s2;
	p2 =	seq.s32 @!p0 s5, $0x0  }
0x1f: {  	s9 =	smul.u32 $0xF7A, s1;
	s8 =	simm.s32 @!p0 $0x1BF5;
	p2 =	por !p2, p0  }
0x20: {  	[sflag:s8] =	ssyncset.s32 @!p0 $0xFFFFF086;
	s6 =	sadd.s32 @!p0 s3, s7;
	s7 =	simm.s32 @!p0 $0x108  }
0x21: {  	s3 =	sadd.s32 s3, s9;
	s6 =	sadd.s32 @!p0 $0x88, s6;
	s7 =	simm.s32 @p2 $0x1082  }
0x22: {  	[simem:s7], [sflag:s8] =	dma.local @!p0 [hbm:s6], $0xF7A  }
0x23: {  	s9 =	sor.u32 $0xD0000000, s2;
	s6 =	simm.s32 $0x108;
	_ =	swait.ge @!p0 [sflag:s8], $0x0  }
0x24: {  	s3 =	sadd.s32 $0x88, s3;
	s6 =	simm.s32 @!p1 $0x1082;
	[sflag:s4] =	ssyncset.s32 $0xFFFFF086  }
0x25: {  	[simem:s6], [sflag:s4] =	dma.local [hbm:s3], $0xF7A  }
0x26: {  	[smem:$0x3F95] =	sst s1;
	(tag) =	ssettag s2;
	_ =	strace s9  }
0x27: {  	s1 =	sld [smem:$0x3FA5]  }
0x28: {  	s2 =	sld [smem:$0x3FA6]  }
0x29: {  	s4 =	sld [smem:$0x3FA8]  }
0x2a: {  	p0 =	seq.s32 s5, $0x0;
	s5 =	sld [smem:$0x3FA9]  }
0x2b: {  	s6 =	sld [smem:$0x3FAA]  }
0x2c: {  	s7 =	sld [smem:$0x3FAB]  }
0x2d: {  	s3 =	simm.s32 $0x108;
	s8 =	sld [smem:$0x3FAC]  }
0x2e: {  	s3 =	simm.s32 @!p0 $0x1082;
	s9 =	sld [smem:$0x3FAD]  }
0x2f: {  	lr =	sadd.s32 s0, s3;
	s0 =	sld [smem:$0x3FA4]  }
0x30: {  	s3 =	sld [smem:$0x3FA7]  }
0x31: {  	[smem:$0x3FB0] =	sst s10  }
0x32: {  	s10 =	sld [smem:$0x3FAE];
	_ =	sdelay $0x3  }
0x33: {  	p0 =	seq.s32 s10, $0x1;
	s10 =	sld [smem:$0x3FB0];
	_ =	sdelay $0x3  }
0x34: {  	[smem:$0x3FB0] =	sst s10  }
0x35: {  	s10 =	sld [smem:$0x3FAF];
	_ =	sdelay $0x3  }
0x36: {  	p1 =	seq.s32 s10, $0x1;
	s10 =	sld [smem:$0x3FB0];
	_ =	sdelay $0x3  }
0x37: {  	[smem:$0x3FB0] =	sst s10  }
0x38: {  	s10 =	sld [smem:$0x3FB1]  }
0x39: {  	_ = 	snop;
	(pc) =	sbr.ind lr, $3  }
0x3a: {  	_ = 	snop  }
0x3b: {  	_ = 	snop  }
0x3c: {  	p2 =	seq.s32 s10, $0x1;
	s10 =	sld [smem:$0x3FB0]  }
0x3d: {  	_ =	shalt  }
0x3e: {  	_ =	shalt  }
0x3f: {  	_ =	shalt  }
0x40: {  	_ =	shalt  }
0x41: {  	_ =	shalt  }
0x42: {  	_ =	shalt  }
0x43: {  	_ =	shalt  }
0x44: {  	_ =	shalt  }
0x45: {  	_ =	shalt  }
0x46: {  	_ =	shalt  }
0x47: {  	_ =	shalt  }
0x48: {  	_ =	shalt  }
0x49: {  	_ =	shalt  }
0x4a: {  	_ =	shalt  }
0x4b: {  	_ =	shalt  }
0x4c: {  	_ =	shalt  }
0x4d: {  	_ =	shalt  }
0x4e: {  	_ =	shalt  }
0x4f: {  	_ =	shalt  }
0x50: {  	_ =	shalt  }
0x51: {  	_ =	shalt  }
0x52: {  	_ =	shalt  }
0x53: {  	_ =	shalt  }
0x54: {  	_ =	shalt  }
0x55: {  	_ =	shalt  }
0x56: {  	_ =	shalt  }
0x57: {  	_ =	shalt  }
0x58: {  	_ =	shalt  }
0x59: {  	_ =	shalt  }
0x5a: {  	_ =	shalt  }
0x5b: {  	_ =	shalt  }
0x5c: {  	_ =	shalt  }
0x5d: {  	_ =	shalt  }
0x5e: {  	_ =	shalt  }
0x5f: {  	_ =	shalt  }
0x60: {  	_ =	shalt  }
0x61: {  	_ =	shalt  }
0x62: {  	_ =	shalt  }
0x63: {  	_ =	shalt  }
0x64: {  	_ =	shalt  }
0x65: {  	_ =	shalt  }
0x66: {  	_ =	shalt  }
0x67: {  	_ =	shalt  }
0x68: {  	_ =	shalt  }
0x69: {  	_ =	shalt  }
0x6a: {  	_ =	shalt  }
0x6b: {  	_ =	shalt  }
0x6c: {  	_ =	shalt  }
0x6d: {  	_ =	shalt  }
0x6e: {  	_ =	shalt  }
0x6f: {  	_ =	shalt  }
0x70: {  	_ =	shalt  }
0x71: {  	_ =	shalt  }
0x72: {  	_ =	shalt  }
0x73: {  	_ =	shalt  }
0x74: {  	_ =	shalt  }
0x75: {  	_ =	shalt  }
0x76: {  	_ =	shalt  }
0x77: {  	_ =	shalt  }
0x78: {  	_ =	shalt  }
0x79: {  	_ =	shalt  }
0x7a: {  	_ =	shalt  }
0x7b: {  	_ =	shalt  }
0x7c: {  	_ =	shalt  }
0x7d: {  	_ =	shalt  }
0x7e: {  	_ =	shalt  }
0x7f: {  	_ =	shalt  }
0x80: {  	_ =	shalt  }
0x81: {  	_ =	shalt  }
0x82: {  	_ =	shalt  }
0x83: {  	_ =	shalt  }
0x84: {  	_ =	shalt  }
0x85: {  	_ =	shalt  }
0x86: {  	_ =	shalt  }
0x87: {  	_ =	shalt  }
.Lfunc_end0:
.L_simem_size_0:
called_computation_lowered:
.L_overlay_start_0:
0x88: {  	s2 =	sld [smem:$0x3FD9]  }
0x89: {  	s3 =	sld [smem:$0x3FFE];
	_ =	sdelay $0x1  }
0x8a: {  	s1 =	srdreg.scid  }
0x8b: {  	s0 =	sand.u32 $0x1, s1  }
0x8c: {  	s17 =	sshll.u32 s0, $0xA;
	s2 =	sadd.s32 s3, s2  }
0x8d: {  	s2 =	sadd.s32 s2, s17  }
0x8e: {  	[smem:$0x3FBC] =	sst s2  }
0x8f: {  	_ = 	snop  }
0x90: {  	s2 =	sld [smem:$0x3FD0];
	(tm) =	ssettm $0x1  }
0x91: {  	s18 =	sld [smem:$0x3FFB];
	_ =	sdelay $0x3  }
0x92: {  	_ =	strace s18  }
0x93: {  	s3 =	sld [smem:$0x3FFC];
	_ =	sdelay $0x3  }
0x94: {  	_ =	strace s3  }
0x95: {  	s3 =	sld [smem:$0x3FFD];
	_ =	sdelay $0x3  }
0x96: {  	_ =	strace s3  }
0x97: {  	_ =	strace $0x8FFFFFFF  }
0x98: {  	s19 =	sld [smem:$0x3FDB];
	_ =	sdelay $0x1  }
0x99: {  	s4 =	simm.s32 $_scs_section_size  }
0x9a: {  	s5 =	simm.s32 $_size__tile_overlayer_lowered;
	s6 =	simm.s32 $_tile_overlayer_lowered  }
0x9b: {  	s22 =	simm.s32 $0x1BFF;
	s21 =	sshll.u32 s6, $0x1;
	s3 =	sadd.s32 s4, s19  }
0x9c: {  	s7 =	simm.s32 $0x0;
	s20 =	sshll.u32 s5, $0x1;
	s5 =	sadd.s32 s21, s3  }
0x9d: {  	[timem:s7], [sflag:s22] =	dma.local [hbm:s5], s20  }
0x9e: {  	_ =	swait.ge [sflag:s22], s20  }
0x9f: {  	s4 =	ssub.s32 $0x0, s20;
	[sflag:s22] =	ssyncset.done $0x0  }
0xa0: {  	[sflag:s22] =	ssyncadd.s32 s4;
	_ =	sdelay $0x1  }
0xa1: {  	s23 =	simm.s32 $0x1B8B  }
0xa2: {  	_ =	swait.ge [sflag:s23], $0x1  }
0xa3: {  	[sflag:s23] =	ssyncset.done $0x0  }
0xa4: {  	s25 =	simm.s32 $0x1B8E;
	s24 =	sld [smem:$0x3FFE];
	[sflag:s23] =	ssyncadd.s32 $0xFFFFFFFF  }
0xa5: {  	s26 =	simm.s32 $execute0_lowered;
	[smem:$0x3FD2] =	sst s25  }
0xa6: {  	s5 =	sshll.u32 s26, $0x1;
	_ =	strace $0x80000046;
	[dreg:$0x1] =	wrdreg $0xFFFFFFFF  }
0xa7: {  	s28 =	simm.s32 $_size_execute0_lowered;
	s3 =	sadd.s32 s3, s5;
	[dreg:$0x0] =	wrdreg $0x0  }
0xa8: {  	s5 =	sshll.u32 s28, $0x1;
	[dreg:$0x2] =	wrdreg s3  }
0xa9: {  	[dreg:$0x3] =	wrdreg s5  }
0xaa: {  	[dreg:$0x4] =	wrdreg $0xC0  }
0xab: {  	_ =	task [dreg:s7], $0x5FFFF  }
0xac: {  	[dreg:$0x1] =	wrdreg $0xFFFFFFFF  }
0xad: {  	[dreg:$0x0] =	wrdreg $0x60  }
0xae: {  	[dreg:$0x2] =	wrdreg s24  }
0xaf: {  	[dreg:$0x3] =	wrdreg s2  }
0xb0: {  	[dreg:$0x4] =	wrdreg $0x9  }
0xb1: {  	_ =	task.clear_ibuf [dreg:s7], $0x5FFFF;
	_ =	strace $0x90000046  }
0xb2: {  	s29 =	simm.s32 $0x9;
	_ =	strace $0x80000048  }
0xb3: {  	_ =	swait.ge [sflag:s29], $0x1  }
0xb4: {  	[sflag:s29] =	ssyncadd.s32 $0xFFFFFFFF  }
0xb5: {  	_ =	strace $0x90000048  }
0xb6: {  	_ =	sfence  }
0xb7: {  	s30 =	sld [smem:$0x0];
	_ =	sdelay $0x2  }
0xb8: {  	s31 =	sshll.u32 s1, $0xD;
	s1 =	sshrl.u32 s1, $0x2  }
0xb9: {  	s3 =	sand.u32 $0x4000, s31;
	s1 =	sadd.s32 s1, s30  }
0xba: {  	s0 =	sor.u32 s3, s0;
	s1 =	sshll.u32 s1, $0x11  }
0xbb: {  	s0 =	sor.u32 s1, s0  }
0xbc: {  	s0 =	sadd.s32 $0x8F2B, s0  }
0xbd: {  	[sflag:s0] =	ssyncadd.remote.s32 $0x1  }
0xbe: {  	_ =	sfence.sel $0xFFFF  }
0xbf: {  	[dreg:$0x0] =	wrdreg $0xFFFFFFFF;
	(pc) =	sbr.abs _section_cstart, $3  }
0xc0: {  	[dreg:$0x1] =	wrdreg $0xFFFFFFFF  }
0xc1: {  	_ =	task.clear_ibuf [dreg:s7], $0x2FFFF;
	_ =	strace $0x9FFFFFFF  }
0xc2: {  	(tm) =	ssettm $0x7FFFFFFF  }
0xc3: {  	_ =	shalt  }
tec
execute0_lowered:
.L_overlay_start_1:
0x0: {  	(tag) =	ssettag $0x1  }
0x1: {  	s0 =	srdreg.scid;
	s4 =	rddreg [dreg:$0x0]  }
0x2: {  	s5 =	rddreg [dreg:$0x1];
	s2 =	simm.s32 $0x0;
	s3 =	sand.u32 $0x1, s0  }
0x3: {  	s9 =	simm.s32 $0x2800;
	s0 =	stileid.u32;
	s1 =	sshll.u32 s3, $0x4  }
0x4: {  	s10 =	simm.s32 $0x5000;
	s11 =	simm.s32 $0x7800;
	s6 =	sor.u32 s0, s1  }
0x5: {  	s12 =	simm.s32 $0x0;
	[smem:$0x7FF] =	sst s2;
	s7 =	smul.u32 $0x500, s6  }
0x6: {  	s3 =	ssub.s32 $0x2, s3;
	s1 =	rddreg [dreg:$0x2];
	s6 =	smul.u32 $0x2800, s6  }
0x7: {  	_ =	strace $0x80000047;
	s8 =	sshrl.u32 s3, $0x1;
	s4 =	sadd.s32 s7, s4  }
0x8: {  	s8 =	ssub.s32 s3, s8;
	s6 =	sshrl.u32 s6, $0x3;
	s3 =	sadd.s32 $0xC400, s4  }
0x9: {  	s6 =	sadd.s32 s5, s6;
	s4 =	sadd.s32 $0x2400, s4;
	s5 =	sadd.s32 s5, s7  }
0xa: {  	v0 =	vimm.f32 $0.0e+00;
	v1 =	vimm.f32 $1.000000000e+00;
	s7 =	smax.u32 s8, $0x1;
	s8 =	simm.s32 $0x1;
	s6 =	sadd.s32 $0xA000, s6  }
.LBB2_1:
0xb: {  	[tilespmem:s2], [sflag:$0x1] =	stream.linear.gather [hbm4b:s3+s2], $0x2800, $0x38;
	[tilespmem:$0xA000] =	vst v63  }
0xc: {  	_ =	swait.ge [sflag:s8], $0x2800  }
0xd: {  	[sflag:s8] =	ssyncset.done $0x0  }
0xe: {  	[sflag:s8] =	ssyncadd.s32 $0xFFFFD800  }
0xf: {  	[tilespmem:s9], [sflag:$0x1] =	stream.linear.gather [hbm4b:s4+s2], $0x2800, $0x38;
	[tilespmem:$0xA000] =	vst v63  }
0x10: {  	_ =	swait.ge [sflag:s8], $0x2800  }
0x11: {  	[sflag:s8] =	ssyncset.done $0x0  }
0x12: {  	s13 =	simm.s32 $0x0;
	s14 =	simm.s32 $0x200;
	[sflag:s8] =	ssyncadd.s32 $0xFFFFD800  }
.LBB2_2:
0x13: {  	p0 =	sne.s32 s14, $0x9C00;
	[tilespmem:s13+$0x7870] =	vst v0  }
0x14: {  	[tilespmem:s13+$0x5000] =	vst v0  }
0x15: {  	[tilespmem:s13+$0x7800] =	vst v0  }
0x16: {  	[tilespmem:s13+$0x5010] =	vst v0  }
0x17: {  	[tilespmem:s13+$0x7810] =	vst v0  }
0x18: {  	[tilespmem:s13+$0x5020] =	vst v0  }
0x19: {  	[tilespmem:s13+$0x7820] =	vst v0  }
0x1a: {  	[tilespmem:s13+$0x5030] =	vst v0  }
0x1b: {  	[tilespmem:s13+$0x7830] =	vst v0  }
0x1c: {  	[tilespmem:s13+$0x5040] =	vst v0  }
0x1d: {  	[tilespmem:s13+$0x7840] =	vst v0  }
.Ltmp0:
0x1e: {  	[tilespmem:s13+$0x5050] =	vst v0;
	(pc) =	sbr.rel @p0 .LBB2_2-.Ltmp0, $4  }
0x1f: {  	[tilespmem:s13+$0x7850] =	vst v0  }
0x20: {  	[tilespmem:s13+$0x5060] =	vst v0  }
0x21: {  	[tilespmem:s13+$0x7860] =	vst v0  }
0x22: {  	[tilespmem:s13+$0x5070] =	vst v0;
	s13 =	sshra.s32 s14, $0x2;
	s14 =	sadd.s32 $0x200, s14  }
0x23: {  	[tilespmem:s13+$0x7870] =	vst v0  }
0x24: {  	[tilespmem:s13+$0x5000] =	vst v0  }
0x25: {  	[tilespmem:s13+$0x7800] =	vst v0  }
0x26: {  	[tilespmem:s13+$0x5010] =	vst v0  }
0x27: {  	[tilespmem:s13+$0x7810] =	vst v0  }
0x28: {  	[tilespmem:s13+$0x5020] =	vst v0  }
0x29: {  	[tilespmem:s13+$0x7820] =	vst v0  }
0x2a: {  	[tilespmem:s13+$0x5030] =	vst v0  }
0x2b: {  	[tilespmem:s13+$0x7830] =	vst v0  }
0x2c: {  	[tilespmem:s13+$0x5040] =	vst v0  }
0x2d: {  	[tilespmem:s13+$0x7840] =	vst v0  }
0x2e: {  	[tilespmem:s13+$0x5050] =	vst v0  }
0x2f: {  	[tilespmem:s13+$0x7850] =	vst v0  }
0x30: {  	[tilespmem:s13+$0x5060] =	vst v0  }
0x31: {  	[tilespmem:s13+$0x7860] =	vst v0  }
0x32: {  	[tilespmem:s13+$0x5070] =	vst v0;
	s13 =	simm.s32 $0x0  }
.LBB2_4:
0x33: {  	s14 =	sshra.s32 s13, $0x2  }
0x34: {  	v2 =	vld [tilespmem:s14+$0x0];
	_ =	sdelay $0x7  }
0x35: {  	[tilespmem:v2+s10+$0x0] =	vst.idx.add.f32.msk $0xffff, v1  }
0x36: {  	v2 =	vld [tilespmem:s14+$0x2800];
	_ =	sdelay $0x7  }
0x37: {  	[tilespmem:v2+s11+$0x0] =	vst.idx.add.f32.msk $0xffff, v1  }
0x38: {  	v2 =	vld [tilespmem:s14+$0x10];
	_ =	sdelay $0x7  }
0x39: {  	[tilespmem:v2+s10+$0x0] =	vst.idx.add.f32.msk $0xffff, v1  }
0x3a: {  	v2 =	vld [tilespmem:s14+$0x2810];
	_ =	sdelay $0x7  }
0x3b: {  	[tilespmem:v2+s11+$0x0] =	vst.idx.add.f32.msk $0xffff, v1  }
0x3c: {  	v2 =	vld [tilespmem:s14+$0x20];
	_ =	sdelay $0x7  }
0x3d: {  	[tilespmem:v2+s10+$0x0] =	vst.idx.add.f32.msk $0xffff, v1  }
0x3e: {  	v2 =	vld [tilespmem:s14+$0x2820];
	_ =	sdelay $0x7  }
0x3f: {  	[tilespmem:v2+s11+$0x0] =	vst.idx.add.f32.msk $0xffff, v1  }
0x40: {  	v2 =	vld [tilespmem:s14+$0x30];
	_ =	sdelay $0x7  }
0x41: {  	[tilespmem:v2+s10+$0x0] =	vst.idx.add.f32.msk $0xffff, v1  }
0x42: {  	v2 =	vld [tilespmem:s14+$0x2830];
	_ =	sdelay $0x7  }
0x43: {  	[tilespmem:v2+s11+$0x0] =	vst.idx.add.f32.msk $0xffff, v1  }
0x44: {  	v2 =	vld [tilespmem:s14+$0x40];
	_ =	sdelay $0x7  }
0x45: {  	[tilespmem:v2+s10+$0x0] =	vst.idx.add.f32.msk $0xffff, v1  }
0x46: {  	v2 =	vld [tilespmem:s14+$0x2840];
	_ =	sdelay $0x7  }
0x47: {  	[tilespmem:v2+s11+$0x0] =	vst.idx.add.f32.msk $0xffff, v1  }
0x48: {  	v2 =	vld [tilespmem:s14+$0x50];
	_ =	sdelay $0x7  }
0x49: {  	[tilespmem:v2+s10+$0x0] =	vst.idx.add.f32.msk $0xffff, v1  }
0x4a: {  	v2 =	vld [tilespmem:s14+$0x2850];
	_ =	sdelay $0x7  }
0x4b: {  	[tilespmem:v2+s11+$0x0] =	vst.idx.add.f32.msk $0xffff, v1  }
0x4c: {  	v2 =	vld [tilespmem:s14+$0x60];
	_ =	sdelay $0x7  }
0x4d: {  	[tilespmem:v2+s10+$0x0] =	vst.idx.add.f32.msk $0xffff, v1  }
0x4e: {  	v2 =	vld [tilespmem:s14+$0x2860];
	_ =	sdelay $0x7  }
0x4f: {  	[tilespmem:v2+s11+$0x0] =	vst.idx.add.f32.msk $0xffff, v1  }
0x50: {  	v2 =	vld [tilespmem:s14+$0x70];
	_ =	sdelay $0x7  }
0x51: {  	[tilespmem:v2+s10+$0x0] =	vst.idx.add.f32.msk $0xffff, v1  }
0x52: {  	v2 =	vld [tilespmem:s14+$0x2870];
	_ =	sdelay $0x2  }
0x53: {  	p0 =	sne.s32 s13, $0x9E00  }
.Ltmp1:
0x54: {  	_ = 	snop;
	(pc) =	sbr.rel @p0 .LBB2_4-.Ltmp1, $2  }
0x55: {  	_ =	sdelay $0x2  }
0x56: {  	s13 =	sadd.s32 $0x200, s13;
	[tilespmem:v2+s11+$0x0] =	vst.idx.add.f32.msk $0xffff, v1  }
0x57: {  	[hbm4b:s5+s2] =	stream.linear.scatter [tilespmem:s10], [sflag:$0x1], $0x2780, $0x38;
	[tilespmem:$0xA000] =	vst v63  }
0x58: {  	s12 =	sadd.s32 $0x1, s12;
	_ =	swait.ge [sflag:s8], $0x2780  }
0x59: {  	p0 =	sne.s32 s12, s7;
	[sflag:s8] =	ssyncset.done $0x0  }
.Ltmp2:
0x5a: {  	[sflag:s8] =	ssyncadd.s32 $0xFFFFD880;
	(pc) =	sbr.rel @p0 .LBB2_1-.Ltmp2, $4  }
0x5b: {  	[hbm4b:s6+s2] =	stream.linear.scatter [tilespmem:s11], [sflag:$0x1], $0x2780, $0x38;
	[tilespmem:$0xA000] =	vst v63  }
0x5c: {  	_ =	swait.ge [sflag:s8], $0x2780  }
0x5d: {  	[sflag:s8] =	ssyncset.done $0x0  }
0x5e: {  	[sflag:s8] =	ssyncadd.s32 $0xFFFFD880  }
0x5f: {  	_ =	sfence.sel $0x180000  }
0x60: {  	[bflag:$0x0] =	sbarrier.arrive $0xFFFF  }
0x61: {  	p0 =	sne.s32 s0, $0x0;
	_ =	strace $0x90000047  }
0x62: {  	s0 =	sadd.s32 @!p0 $0x100000, s1;
	[bflag:$0x2] =	sbarrier.arrive $0xFFFF  }
0x63: {  	[sflag:s0] =	ssyncadd.tile.s32 @!p0 $0x1;
	_ =	shalt  }
.Lfunc_end2:
_tile_overlayer_lowered:
.L_overlay_start_2:
0x64: {  	(tag) =	ssettag $0x2  }
0x65: {  	s0 =	rddreg [dreg:$0x0];
	s2 =	stileid.u32  }
0x66: {  	s1 =	rddreg [dreg:$0x1];
	p0 =	sne.s32 s2, $0x0  }
0x67: {  	s3 =	rddreg [dreg:$0x2];
	[bflag:$0x3] =	sbarrier.arrive $0xFFFF;
	s2 =	simm.s32 @!p0 $0x1C01  }
0x68: {  	[timem:s3], [sflag:s2] =	dma.local @!p0 [hbm:s0], s1  }
0x69: {  	s0 =	simm.s32 @!p0 $0x1  }
0x6a: {  	_ =	swait.ge @!p0 [sflag:s0], s1  }
0x6b: {  	s1 =	ssub.s32 @!p0 $0x0, s1;
	[sflag:s0] =	ssyncset.done @!p0 $0x0  }
0x6c: {  	[sflag:s0] =	ssyncadd.s32 @!p0 s1  }
0x6d: {  	[bflag:$0x3] =	sbarrier.arrive $0xFFFF  }
0x6e: {  	_ =	shalt  }

// kernel: kernel.13.cloned.1.call-start
scs
__scs_entry_jumppad:
0x0: {  	(pc) =	sbr.rel $0x88, $3  }
0x1: {  	(tag) =	ssettag $0x0;
	lr =	simm.s32 $0x1  }
0x2: {  	[smem:$0x3F95] =	sst lr;
	_ =	strace $0xD0000000  }
0x3: {  	_ = 	snop  }
0x4: {  	_ = 	snop  }
0x5: {  	_ = 	snop  }
0x6: {  	_ = 	snop  }
0x7: {  	_ = 	snop  }
__scs_overlays_trampoline_lowered:
0x8: {  	[smem:$0x3FA4] =	sst s0  }
0x9: {  	[smem:$0x3FA5] =	sst s1  }
0xa: {  	[smem:$0x3FA6] =	sst s2  }
0xb: {  	[smem:$0x3FA7] =	sst s3  }
0xc: {  	[smem:$0x3FA8] =	sst s4  }
0xd: {  	[smem:$0x3FA9] =	sst s5  }
0xe: {  	[smem:$0x3FAA] =	sst s6  }
0xf: {  	[smem:$0x3FAB] =	sst s7  }
0x10: {  	[smem:$0x3FAC] =	sst s8  }
0x11: {  	[smem:$0x3FAD] =	sst s9;
	s0 =	simm.s32 @!p0 $0x0  }
0x12: {  	s1 =	sld [smem:$0x3F93];
	s0 =	simm.s32 @p0 $0x1  }
0x13: {  	[smem:$0x3FAE] =	sst s0;
	s0 =	simm.s32 @!p1 $0x0  }
0x14: {  	s2 =	sld [smem:$0x3F92];
	s0 =	simm.s32 @p1 $0x1  }
0x15: {  	[smem:$0x3FAF] =	sst s0;
	s0 =	simm.s32 @!p2 $0x0  }
0x16: {  	s3 =	sld [smem:$0x3FDB];
	s0 =	simm.s32 @p2 $0x1  }
0x17: {  	s4 =	simm.s32 $0x1BF5;
	[smem:$0x3FB1] =	sst s0  }
0x18: {  	s0 =	sld [smem:$0x3F94];
	_ =	swait.ge [sflag:s4], $0x0  }
0x19: {  	s7 =	sld [smem:$0x3F95]  }
0x1a: {  	s8 =	sadd.s32 $0xFFFFE003, lr  }
0x1b: {  	s9 =	sadd.s32 $0xFFFFFEF7, lr;
	s5 =	simm.s32 $0xFFFFFFFF;
	p2 =	slt.u32 s8, $0xFFFFF086  }
0x1c: {  	p1 =	slt.u32 s9, $0xF7A;
	s5 =	simm.s32 @!p2 $0x0  }
0x1d: {  	s5 =	simm.s32 @p1 $0x1;
	p0 =	seq.s32 s7, s2  }
0x1e: {  	s7 =	smul.u32 @!p0 $0xF7A, s2;
	p2 =	seq.s32 @!p0 s5, $0x0  }
0x1f: {  	s9 =	smul.u32 $0xF7A, s1;
	s8 =	simm.s32 @!p0 $0x1BF5;
	p2 =	por !p2, p0  }
0x20: {  	[sflag:s8] =	ssyncset.s32 @!p0 $0xFFFFF086;
	s6 =	sadd.s32 @!p0 s3, s7;
	s7 =	simm.s32 @!p0 $0x108  }
0x21: {  	s3 =	sadd.s32 s3, s9;
	s6 =	sadd.s32 @!p0 $0x88, s6;
	s7 =	simm.s32 @p2 $0x1082  }
0x22: {  	[simem:s7], [sflag:s8] =	dma.local @!p0 [hbm:s6], $0xF7A  }
0x23: {  	s9 =	sor.u32 $0xD0000000, s2;
	s6 =	simm.s32 $0x108;
	_ =	swait.ge @!p0 [sflag:s8], $0x0  }
0x24: {  	s3 =	sadd.s32 $0x88, s3;
	s6 =	simm.s32 @!p1 $0x1082;
	[sflag:s4] =	ssyncset.s32 $0xFFFFF086  }
0x25: {  	[simem:s6], [sflag:s4] =	dma.local [hbm:s3], $0xF7A  }
0x26: {  	[smem:$0x3F95] =	sst s1;
	(tag) =	ssettag s2;
	_ =	strace s9  }
0x27: {  	s1 =	sld [smem:$0x3FA5]  }
0x28: {  	s2 =	sld [smem:$0x3FA6]  }
0x29: {  	s4 =	sld [smem:$0x3FA8]  }
0x2a: {  	p0 =	seq.s32 s5, $0x0;
	s5 =	sld [smem:$0x3FA9]  }
0x2b: {  	s6 =	sld [smem:$0x3FAA]  }
0x2c: {  	s7 =	sld [smem:$0x3FAB]  }
0x2d: {  	s3 =	simm.s32 $0x108;
	s8 =	sld [smem:$0x3FAC]  }
0x2e: {  	s3 =	simm.s32 @!p0 $0x1082;
	s9 =	sld [smem:$0x3FAD]  }
0x2f: {  	lr =	sadd.s32 s0, s3;
	s0 =	sld [smem:$0x3FA4]  }
0x30: {  	s3 =	sld [smem:$0x3FA7]  }
0x31: {  	[smem:$0x3FB0] =	sst s10  }
0x32: {  	s10 =	sld [smem:$0x3FAE];
	_ =	sdelay $0x3  }
0x33: {  	p0 =	seq.s32 s10, $0x1;
	s10 =	sld [smem:$0x3FB0];
	_ =	sdelay $0x3  }
0x34: {  	[smem:$0x3FB0] =	sst s10  }
0x35: {  	s10 =	sld [smem:$0x3FAF];
	_ =	sdelay $0x3  }
0x36: {  	p1 =	seq.s32 s10, $0x1;
	s10 =	sld [smem:$0x3FB0];
	_ =	sdelay $0x3  }
0x37: {  	[smem:$0x3FB0] =	sst s10  }
0x38: {  	s10 =	sld [smem:$0x3FB1]  }
0x39: {  	_ = 	snop;
	(pc) =	sbr.ind lr, $3  }
0x3a: {  	_ = 	snop  }
0x3b: {  	_ = 	snop  }
0x3c: {  	p2 =	seq.s32 s10, $0x1;
	s10 =	sld [smem:$0x3FB0]  }
0x3d: {  	_ =	shalt  }
0x3e: {  	_ =	shalt  }
0x3f: {  	_ =	shalt  }
0x40: {  	_ =	shalt  }
0x41: {  	_ =	shalt  }
0x42: {  	_ =	shalt  }
0x43: {  	_ =	shalt  }
0x44: {  	_ =	shalt  }
0x45: {  	_ =	shalt  }
0x46: {  	_ =	shalt  }
0x47: {  	_ =	shalt  }
0x48: {  	_ =	shalt  }
0x49: {  	_ =	shalt  }
0x4a: {  	_ =	shalt  }
0x4b: {  	_ =	shalt  }
0x4c: {  	_ =	shalt  }
0x4d: {  	_ =	shalt  }
0x4e: {  	_ =	shalt  }
0x4f: {  	_ =	shalt  }
0x50: {  	_ =	shalt  }
0x51: {  	_ =	shalt  }
0x52: {  	_ =	shalt  }
0x53: {  	_ =	shalt  }
0x54: {  	_ =	shalt  }
0x55: {  	_ =	shalt  }
0x56: {  	_ =	shalt  }
0x57: {  	_ =	shalt  }
0x58: {  	_ =	shalt  }
0x59: {  	_ =	shalt  }
0x5a: {  	_ =	shalt  }
0x5b: {  	_ =	shalt  }
0x5c: {  	_ =	shalt  }
0x5d: {  	_ =	shalt  }
0x5e: {  	_ =	shalt  }
0x5f: {  	_ =	shalt  }
0x60: {  	_ =	shalt  }
0x61: {  	_ =	shalt  }
0x62: {  	_ =	shalt  }
0x63: {  	_ =	shalt  }
0x64: {  	_ =	shalt  }
0x65: {  	_ =	shalt  }
0x66: {  	_ =	shalt  }
0x67: {  	_ =	shalt  }
0x68: {  	_ =	shalt  }
0x69: {  	_ =	shalt  }
0x6a: {  	_ =	shalt  }
0x6b: {  	_ =	shalt  }
0x6c: {  	_ =	shalt  }
0x6d: {  	_ =	shalt  }
0x6e: {  	_ =	shalt  }
0x6f: {  	_ =	shalt  }
0x70: {  	_ =	shalt  }
0x71: {  	_ =	shalt  }
0x72: {  	_ =	shalt  }
0x73: {  	_ =	shalt  }
0x74: {  	_ =	shalt  }
0x75: {  	_ =	shalt  }
0x76: {  	_ =	shalt  }
0x77: {  	_ =	shalt  }
0x78: {  	_ =	shalt  }
0x79: {  	_ =	shalt  }
0x7a: {  	_ =	shalt  }
0x7b: {  	_ =	shalt  }
0x7c: {  	_ =	shalt  }
0x7d: {  	_ =	shalt  }
0x7e: {  	_ =	shalt  }
0x7f: {  	_ =	shalt  }
0x80: {  	_ =	shalt  }
0x81: {  	_ =	shalt  }
0x82: {  	_ =	shalt  }
0x83: {  	_ =	shalt  }
0x84: {  	_ =	shalt  }
0x85: {  	_ =	shalt  }
0x86: {  	_ =	shalt  }
0x87: {  	_ =	shalt  }
.Lfunc_end0:
.L_simem_size_0:
called_computation.1_lowered:
.L_overlay_start_0:
0x88: {  	s2 =	sld [smem:$0x3FD9]  }
0x89: {  	s3 =	sld [smem:$0x3FFE];
	_ =	sdelay $0x1  }
0x8a: {  	s1 =	srdreg.scid  }
0x8b: {  	s0 =	sand.u32 $0x1, s1  }
0x8c: {  	s17 =	sshll.u32 s0, $0xA;
	s2 =	sadd.s32 s3, s2  }
0x8d: {  	s2 =	sadd.s32 s2, s17  }
0x8e: {  	[smem:$0x3FBC] =	sst s2  }
0x8f: {  	_ = 	snop  }
0x90: {  	s2 =	sld [smem:$0x3FD0];
	(tm) =	ssettm $0x1  }
0x91: {  	s18 =	sld [smem:$0x3FFB];
	_ =	sdelay $0x3  }
0x92: {  	_ =	strace s18  }
0x93: {  	s3 =	sld [smem:$0x3FFC];
	_ =	sdelay $0x3  }
0x94: {  	_ =	strace s3  }
0x95: {  	s3 =	sld [smem:$0x3FFD];
	_ =	sdelay $0x3  }
0x96: {  	_ =	strace s3  }
0x97: {  	_ =	strace $0x8FFFFFFF  }
0x98: {  	s19 =	sld [smem:$0x3FDB];
	_ =	sdelay $0x1  }
0x99: {  	s4 =	simm.s32 $_scs_section_size  }
0x9a: {  	s5 =	simm.s32 $_size__tile_overlayer_lowered;
	s6 =	simm.s32 $_tile_overlayer_lowered  }
0x9b: {  	s22 =	simm.s32 $0x1BFF;
	s21 =	sshll.u32 s6, $0x1;
	s3 =	sadd.s32 s4, s19  }
0x9c: {  	s7 =	simm.s32 $0x0;
	s20 =	sshll.u32 s5, $0x1;
	s5 =	sadd.s32 s21, s3  }
0x9d: {  	[timem:s7], [sflag:s22] =	dma.local [hbm:s5], s20  }
0x9e: {  	_ =	swait.ge [sflag:s22], s20  }
0x9f: {  	s4 =	ssub.s32 $0x0, s20;
	[sflag:s22] =	ssyncset.done $0x0  }
0xa0: {  	[sflag:s22] =	ssyncadd.s32 s4;
	_ =	sdelay $0x1  }
0xa1: {  	s23 =	simm.s32 $0x1B8B  }
0xa2: {  	_ =	swait.ge [sflag:s23], $0x1  }
0xa3: {  	[sflag:s23] =	ssyncset.done $0x0  }
0xa4: {  	s25 =	simm.s32 $0x1B8E;
	s24 =	sld [smem:$0x3FFE];
	[sflag:s23] =	ssyncadd.s32 $0xFFFFFFFF  }
0xa5: {  	s26 =	simm.s32 $execute0_lowered;
	[smem:$0x3FD2] =	sst s25  }
0xa6: {  	s5 =	sshll.u32 s26, $0x1;
	_ =	strace $0x80000049;
	[dreg:$0x1] =	wrdreg $0xFFFFFFFF  }
0xa7: {  	s28 =	simm.s32 $_size_execute0_lowered;
	s3 =	sadd.s32 s3, s5;
	[dreg:$0x0] =	wrdreg $0x0  }
0xa8: {  	s5 =	sshll.u32 s28, $0x1;
	[dreg:$0x2] =	wrdreg s3  }
0xa9: {  	[dreg:$0x3] =	wrdreg s5  }
0xaa: {  	[dreg:$0x4] =	wrdreg $0xC0  }
0xab: {  	_ =	task [dreg:s7], $0x5FFFF  }
0xac: {  	[dreg:$0x1] =	wrdreg $0xFFFFFFFF  }
0xad: {  	[dreg:$0x0] =	wrdreg $0x60  }
0xae: {  	[dreg:$0x2] =	wrdreg s24  }
0xaf: {  	[dreg:$0x3] =	wrdreg s2  }
0xb0: {  	[dreg:$0x4] =	wrdreg $0xA8000  }
0xb1: {  	[dreg:$0x5] =	wrdreg $0x9  }
0xb2: {  	_ =	task.clear_ibuf [dreg:s7], $0x6FFFF;
	_ =	strace $0x90000049  }
0xb3: {  	s29 =	simm.s32 $0x9;
	_ =	strace $0x8000004B  }
0xb4: {  	_ =	swait.ge [sflag:s29], $0x1  }
0xb5: {  	[sflag:s29] =	ssyncadd.s32 $0xFFFFFFFF  }
0xb6: {  	_ =	strace $0x9000004B  }
0xb7: {  	_ =	sfence  }
0xb8: {  	s30 =	sld [smem:$0x0];
	_ =	sdelay $0x2  }
0xb9: {  	s31 =	sshll.u32 s1, $0xD;
	s1 =	sshrl.u32 s1, $0x2  }
0xba: {  	s3 =	sand.u32 $0x4000, s31;
	s1 =	sadd.s32 s1, s30  }
0xbb: {  	s0 =	sor.u32 s3, s0;
	s1 =	sshll.u32 s1, $0x11  }
0xbc: {  	s0 =	sor.u32 s1, s0  }
0xbd: {  	s0 =	sadd.s32 $0x8F2B, s0  }
0xbe: {  	[sflag:s0] =	ssyncadd.remote.s32 $0x1  }
0xbf: {  	_ =	sfence.sel $0xFFFF  }
0xc0: {  	[dreg:$0x0] =	wrdreg $0xFFFFFFFF;
	(pc) =	sbr.abs _section_cstart, $3  }
0xc1: {  	[dreg:$0x1] =	wrdreg $0xFFFFFFFF  }
0xc2: {  	_ =	task.clear_ibuf [dreg:s7], $0x2FFFF;
	_ =	strace $0x9FFFFFFF  }
0xc3: {  	(tm) =	ssettm $0x7FFFFFFF  }
tec
execute0_lowered:
.L_overlay_start_1:
0x0: {  	(tag) =	ssettag $0x1  }
0x1: {  	s6 =	rddreg [dreg:$0x0]  }
0x2: {  	s2 =	rddreg [dreg:$0x1]  }
0x3: {  	s3 =	rddreg [dreg:$0x2]  }
0x4: {  	s0 =	rddreg [dreg:$0x3];
	s5 =	srdreg.scid  }
0x5: {  	s1 =	stileid.u32;
	s4 =	simm.s32 $0x0;
	s16 =	simm.s32 $0x1  }
0x6: {  	s17 =	simm.s32 $0x2;
	s18 =	simm.s32 $0x80;
	s19 =	simm.s32 $0x2800  }
0x7: {  	s20 =	simm.s32 $0x6800;
	s21 =	simm.s32 $0x3;
	s22 =	simm.s32 $0x2700  }
0x8: {  	s23 =	simm.s32 $0x2780;
	s24 =	simm.s32 $0x0;
	s7 =	sand.u32 $0x1, s5  }
0x9: {  	s8 =	smul.u32 $0x2800, s1;
	[smem:$0x7FF] =	sst s4;
	s5 =	sadd.s32 $0x16400, s6  }
0xa: {  	s10 =	sadd.s32 $0xC400, s6;
	s11 =	sadd.s32 $0x2400, s6;
	s9 =	smul.u32 $0x28000, s7  }
0xb: {  	s12 =	smul.u32 $0x50000, s1;
	_ =	strace $0x8000004A;
	s26 =	sshll.u32 s7, $0x4  }
0xc: {  	s7 =	ssub.s32 $0x2, s7;
	s8 =	sadd.s32 s8, s9;
	s9 =	sor.u32 s1, s26  }
0xd: {  	s28 =	sshrl.u32 s7, $0x1;
	s30 =	sshrl.u32 s12, $0x2;
	s29 =	smul.u32 $0x2800, s9  }
0xe: {  	s14 =	ssub.s32 s7, s28;
	s13 =	sadd.s32 s8, s6;
	s6 =	sshll.u32 s1, $0x6  }
0xf: {  	s15 =	sadd.s32 s30, s3;
	s7 =	sor.u32 $0x1C01, s6;
	s31 =	sshrl.u32 s29, $0x3  }
0x10: {  	s8 =	sadd.s32 s10, s31;
	s9 =	sadd.s32 s11, s31;
	s12 =	sadd.s32 $0x280, s31  }
0x11: {  	s10 =	sadd.s32 s10, s12;
	s11 =	sadd.s32 s11, s12;
	s12 =	sadd.s32 $0x3DE00, s13  }
0x12: {  	s13 =	smax.u32 s14, $0x1;
	s14 =	sshrl.u32 s15, $0x3;
	s15 =	simm.s32 $0x1400  }
.LBB2_1:
0x13: {  	[spmem:s14], [sflag:s7] =	dma.local [hbm:s2], $0x2800  }
0x14: {  	[tilespmem:s4], [sflag:$0x2] =	stream.linear.gather [hbm4b:s8+s4], $0x1400, $0x38;
	[tilespmem:$0x1E800] =	vst v63  }
0x15: {  	_ = 	snop  }
0x16: {  	[tilespmem:s15], [sflag:$0x2] =	stream.linear.gather [hbm4b:s9+s4], $0x1400, $0x38;
	[tilespmem:$0x1E800] =	vst v63  }
0x17: {  	_ =	swait.ge [sflag:s16], $0x2800  }
0x18: {  	[sflag:s16] =	ssyncset.done $0x0  }
0x19: {  	[sflag:s16] =	ssyncadd.s32 $0xFFFFD800  }
0x1a: {  	_ =	swait.ge [sflag:s17], $0x1400  }
0x1b: {  	[sflag:s17] =	ssyncset.done $0x0  }
0x1c: {  	[sflag:s17] =	ssyncadd.s32 $0xFFFFEC00  }
0x1d: {  	_ =	swait.ge [sflag:s17], $0x1400  }
0x1e: {  	[sflag:s17] =	ssyncset.done $0x0  }
0x1f: {  	[sflag:s17] =	ssyncadd.s32 $0xFFFFEC00  }
0x20: {  	[bflag:$0x0] =	sbarrier.arrive $0xFFFF  }
0x21: {  	[tilespmem:s19], [sflag:$0x1] =	stream.indirect.gather [hbm4b:s5+s18], $0x80, s4, s18, $0xb8;
	[tilespmem:$0x1E800] =	vst v63  }
0x22: {  	_ = 	snop  }
0x23: {  	[tilespmem:s20], [sflag:$0x2] =	stream.indirect.gather [hbm4b:s5+s18], $0x80, s18, s18, $0xb8;
	[tilespmem:$0x1E800] =	vst v63  }
0x24: {  	_ =	swait.ge [sflag:s16], $0x4000  }
0x25: {  	[sflag:s16] =	ssyncset.done $0x0  }
0x26: {  	s25 =	simm.s32 $0x1400;
	[sflag:s16] =	ssyncadd.s32 $0xFFFFC000  }
0x27: {  	[spmem:s3] =	stream.indirect.scatter.add.f32 [tilespmem:s19], [sflag:$0x3], $0x80, s25, s18, $0xb8;
	[tilespmem:$0x1E800] =	vst v63  }
0x28: {  	_ =	swait.ge [sflag:s21], $0x4000  }
0x29: {  	[sflag:s21] =	ssyncset.done $0x0  }
0x2a: {  	s30 =	simm.s32 $0x100;
	[sflag:s21] =	ssyncadd.s32 $0xFFFFC000  }
0x2b: {  	[tilespmem:s19], [sflag:$0x1] =	stream.indirect.gather [hbm4b:s5+s18], $0x80, s30, s18, $0xb8;
	[tilespmem:$0x1E800] =	vst v63  }
0x2c: {  	_ =	swait.ge [sflag:s17], $0x4000  }
0x2d: {  	[sflag:s17] =	ssyncset.done $0x0  }
0x2e: {  	s31 =	simm.s32 $0x1480;
	[sflag:s17] =	ssyncadd.s32 $0xFFFFC000  }
0x2f: {  	[spmem:s3] =	stream.indirect.scatter.add.f32 [tilespmem:s20], [sflag:$0x3], $0x80, s31, s18, $0xb8;
	[tilespmem:$0x1E800] =	vst v63  }
0x30: {  	_ =	swait.ge [sflag:s21], $0x4000  }
0x31: {  	[sflag:s21] =	ssyncset.done $0x0  }
0x32: {  	s26 =	simm.s32 $0x180;
	s25 =	simm.s32 $0x400;
	[sflag:s21] =	ssyncadd.s32 $0xFFFFC000  }
.LBB2_2:
0x33: {  	[tilespmem:s20], [sflag:$0x2] =	stream.indirect.gather [hbm4b:s5+s18], $0x80, s26, s18, $0xb8;
	[tilespmem:$0x1E800] =	vst v63  }
0x34: {  	s26 =	smov.u32 s25  }
0x35: {  	p0 =	sne.s32 s25, $0x4800;
	s25 =	sadd.s32 $0x400, s25;
	_ =	swait.ge [sflag:s16], $0x4000  }
0x36: {  	s26 =	sshra.s32 s26, $0x2;
	[sflag:s16] =	ssyncset.done $0x0  }
0x37: {  	s28 =	sadd.s32 $0x1400, s26;
	[sflag:s16] =	ssyncadd.s32 $0xFFFFC000  }
0x38: {  	[spmem:s3] =	stream.indirect.scatter.add.f32 [tilespmem:s19], [sflag:$0x3], $0x80, s28, s18, $0xb8;
	[tilespmem:$0x1E800] =	vst v63  }
0x39: {  	_ =	swait.ge [sflag:s21], $0x4000  }
0x3a: {  	[sflag:s21] =	ssyncset.done $0x0  }
0x3b: {  	s28 =	sadd.s32 $0x100, s26;
	[sflag:s21] =	ssyncadd.s32 $0xFFFFC000  }
0x3c: {  	[tilespmem:s19], [sflag:$0x1] =	stream.indirect.gather [hbm4b:s5+s18], $0x80, s28, s18, $0xb8;
	[tilespmem:$0x1E800] =	vst v63  }
0x3d: {  	_ =	swait.ge [sflag:s17], $0x4000  }
0x3e: {  	[sflag:s17] =	ssyncset.done $0x0  }
.Ltmp0:
0x3f: {  	s28 =	sadd.s32 $0x1480, s26;
	[sflag:s17] =	ssyncadd.s32 $0xFFFFC000;
	(pc) =	sbr.rel @p0 .LBB2_2-.Ltmp0, $4  }
0x40: {  	[spmem:s3] =	stream.indirect.scatter.add.f32 [tilespmem:s20], [sflag:$0x3], $0x80, s28, s18, $0xb8;
	[tilespmem:$0x1E800] =	vst v63  }
0x41: {  	_ =	swait.ge [sflag:s21], $0x4000  }
0x42: {  	[sflag:s21] =	ssyncset.done $0x0  }
0x43: {  	s26 =	sadd.s32 $0x180, s26;
	[sflag:s21] =	ssyncadd.s32 $0xFFFFC000  }
0x44: {  	[tilespmem:s20], [sflag:$0x2] =	stream.indirect.gather [hbm4b:s5+s18], $0x80, s26, s18, $0xb8;
	[tilespmem:$0x1E800] =	vst v63  }
0x45: {  	_ =	swait.ge [sflag:s16], $0x4000  }
0x46: {  	[sflag:s16] =	ssyncset.done $0x0  }
0x47: {  	[sflag:s16] =	ssyncadd.s32 $0xFFFFC000  }
0x48: {  	[spmem:s3] =	stream.indirect.scatter.add.f32 [tilespmem:s19], [sflag:$0x3], $0x80, s22, s18, $0xb8;
	[tilespmem:$0x1E800] =	vst v63  }
0x49: {  	_ =	swait.ge [sflag:s21], $0x4000  }
0x4a: {  	[sflag:s21] =	ssyncset.done $0x0  }
0x4b: {  	[sflag:s21] =	ssyncadd.s32 $0xFFFFC000  }
0x4c: {  	_ =	swait.ge [sflag:s17], $0x4000  }
0x4d: {  	[sflag:s17] =	ssyncset.done $0x0  }
0x4e: {  	[sflag:s17] =	ssyncadd.s32 $0xFFFFC000  }
0x4f: {  	[spmem:s3] =	stream.indirect.scatter.add.f32 [tilespmem:s20], [sflag:$0x3], $0x80, s23, s18, $0xb8;
	[tilespmem:$0x1E800] =	vst v63  }
0x50: {  	_ =	swait.ge [sflag:s21], $0x4000  }
0x51: {  	[sflag:s21] =	ssyncset.done $0x0  }
0x52: {  	s25 =	simm.s32 $0x0;
	[sflag:s21] =	ssyncadd.s32 $0xFFFFC000  }
0x53: {  	[tilespmem:s25], [sflag:$0x3] =	stream.linear.gather [hbm4b:s10+s25], $0x1400, $0x38;
	[tilespmem:$0x1E800] =	vst v63  }
0x54: {  	_ =	swait.ge [sflag:s21], $0x1400  }
0x55: {  	[sflag:s21] =	ssyncset.done $0x0  }
0x56: {  	[sflag:s21] =	ssyncadd.s32 $0xFFFFEC00  }
0x57: {  	[tilespmem:s15], [sflag:$0x3] =	stream.linear.gather [hbm4b:s11+s25], $0x1400, $0x38;
	[tilespmem:$0x1E800] =	vst v63  }
0x58: {  	_ =	swait.ge [sflag:s21], $0x1400  }
0x59: {  	[sflag:s21] =	ssyncset.done $0x0  }
0x5a: {  	[sflag:s21] =	ssyncadd.s32 $0xFFFFEC00  }
0x5b: {  	[tilespmem:s19], [sflag:$0x1] =	stream.indirect.gather [hbm4b:s5+s18], $0x80, s25, s18, $0xb8;
	[tilespmem:$0x1E800] =	vst v63  }
0x5c: {  	_ = 	snop  }
0x5d: {  	[tilespmem:s20], [sflag:$0x2] =	stream.indirect.gather [hbm4b:s5+s18], $0x80, s18, s18, $0xb8;
	[tilespmem:$0x1E800] =	vst v63  }
0x5e: {  	_ =	swait.ge [sflag:s16], $0x4000  }
0x5f: {  	[sflag:s16] =	ssyncset.done $0x0  }
0x60: {  	s29 =	simm.s32 $0x1400;
	[sflag:s16] =	ssyncadd.s32 $0xFFFFC000  }
0x61: {  	[spmem:s3] =	stream.indirect.scatter.add.f32 [tilespmem:s19], [sflag:$0x3], $0x80, s29, s18, $0xb8;
	[tilespmem:$0x1E800] =	vst v63  }
0x62: {  	_ =	swait.ge [sflag:s21], $0x4000  }
0x63: {  	[sflag:s21] =	ssyncset.done $0x0  }
0x64: {  	s30 =	simm.s32 $0x100;
	[sflag:s21] =	ssyncadd.s32 $0xFFFFC000  }
0x65: {  	[tilespmem:s19], [sflag:$0x1] =	stream.indirect.gather [hbm4b:s5+s18], $0x80, s30, s18, $0xb8;
	[tilespmem:$0x1E800] =	vst v63  }
0x66: {  	_ =	swait.ge [sflag:s17], $0x4000  }
0x67: {  	[sflag:s17] =	ssyncset.done $0x0  }
0x68: {  	s31 =	simm.s32 $0x1480;
	[sflag:s17] =	ssyncadd.s32 $0xFFFFC000  }
0x69: {  	[spmem:s3] =	stream.indirect.scatter.add.f32 [tilespmem:s20], [sflag:$0x3], $0x80, s31, s18, $0xb8;
	[tilespmem:$0x1E800] =	vst v63  }
0x6a: {  	_ =	swait.ge [sflag:s21], $0x4000  }
0x6b: {  	[sflag:s21] =	ssyncset.done $0x0  }
0x6c: {  	s26 =	simm.s32 $0x180;
	s25 =	simm.s32 $0x400;
	[sflag:s21] =	ssyncadd.s32 $0xFFFFC000  }
.LBB2_4:
0x6d: {  	[tilespmem:s20], [sflag:$0x2] =	stream.indirect.gather [hbm4b:s5+s18], $0x80, s26, s18, $0xb8;
	[tilespmem:$0x1E800] =	vst v63  }
0x6e: {  	s26 =	smov.u32 s25  }
0x6f: {  	p0 =	sne.s32 s25, $0x4800;
	s25 =	sadd.s32 $0x400, s25;
	_ =	swait.ge [sflag:s16], $0x4000  }
0x70: {  	s26 =	sshra.s32 s26, $0x2;
	[sflag:s16] =	ssyncset.done $0x0  }
0x71: {  	s28 =	sadd.s32 $0x1400, s26;
	[sflag:s16] =	ssyncadd.s32 $0xFFFFC000  }
0x72: {  	[spmem:s3] =	stream.indirect.scatter.add.f32 [tilespmem:s19], [sflag:$0x3], $0x80, s28, s18, $0xb8;
	[tilespmem:$0x1E800] =	vst v63  }
0x73: {  	_ =	swait.ge [sflag:s21], $0x4000  }
0x74: {  	[sflag:s21] =	ssyncset.done $0x0  }
0x75: {  	s28 =	sadd.s32 $0x100, s26;
	[sflag:s21] =	ssyncadd.s32 $0xFFFFC000  }
0x76: {  	[tilespmem:s19], [sflag:$0x1] =	stream.indirect.gather [hbm4b:s5+s18], $0x80, s28, s18, $0xb8;
	[tilespmem:$0x1E800] =	vst v63  }
0x77: {  	_ =	swait.ge [sflag:s17], $0x4000  }
0x78: {  	[sflag:s17] =	ssyncset.done $0x0  }
.Ltmp1:
0x79: {  	s28 =	sadd.s32 $0x1480, s26;
	[sflag:s17] =	ssyncadd.s32 $0xFFFFC000;
	(pc) =	sbr.rel @p0 .LBB2_4-.Ltmp1, $4  }
0x7a: {  	[spmem:s3] =	stream.indirect.scatter.add.f32 [tilespmem:s20], [sflag:$0x3], $0x80, s28, s18, $0xb8;
	[tilespmem:$0x1E800] =	vst v63  }
0x7b: {  	_ =	swait.ge [sflag:s21], $0x4000  }
0x7c: {  	[sflag:s21] =	ssyncset.done $0x0  }
0x7d: {  	s26 =	sadd.s32 $0x180, s26;
	[sflag:s21] =	ssyncadd.s32 $0xFFFFC000  }
0x7e: {  	[tilespmem:s20], [sflag:$0x2] =	stream.indirect.gather [hbm4b:s5+s18], $0x80, s26, s18, $0xb8;
	[tilespmem:$0x1E800] =	vst v63  }
0x7f: {  	_ =	swait.ge [sflag:s16], $0x4000  }
0x80: {  	[sflag:s16] =	ssyncset.done $0x0  }
0x81: {  	[sflag:s16] =	ssyncadd.s32 $0xFFFFC000  }
0x82: {  	[spmem:s3] =	stream.indirect.scatter.add.f32 [tilespmem:s19], [sflag:$0x3], $0x80, s22, s18, $0xb8;
	[tilespmem:$0x1E800] =	vst v63  }
0x83: {  	_ =	swait.ge [sflag:s21], $0x4000  }
0x84: {  	[sflag:s21] =	ssyncset.done $0x0  }
0x85: {  	[sflag:s21] =	ssyncadd.s32 $0xFFFFC000  }
0x86: {  	_ =	swait.ge [sflag:s17], $0x4000  }
0x87: {  	[sflag:s17] =	ssyncset.done $0x0  }
0x88: {  	[sflag:s17] =	ssyncadd.s32 $0xFFFFC000  }
0x89: {  	[spmem:s3] =	stream.indirect.scatter.add.f32 [tilespmem:s20], [sflag:$0x3], $0x80, s23, s18, $0xb8;
	[tilespmem:$0x1E800] =	vst v63  }
0x8a: {  	_ =	swait.ge [sflag:s21], $0x4000  }
0x8b: {  	s24 =	sadd.s32 $0x1, s24;
	[sflag:s21] =	ssyncset.done $0x0  }
0x8c: {  	p0 =	sne.s32 s24, s13;
	[sflag:s21] =	ssyncadd.s32 $0xFFFFC000  }
.Ltmp2:
0x8d: {  	s25 =	sor.u32 $0x1C03, s6;
	[bflag:$0x0] =	sbarrier.arrive $0xFFFF;
	(pc) =	sbr.rel @p0 .LBB2_1-.Ltmp2, $4  }
0x8e: {  	[hbm:s12], [sflag:s25] =	dma.local [spmem:s14], $0x2800  }
0x8f: {  	_ =	swait.ge [sflag:s21], $0x2800  }
0x90: {  	[sflag:s21] =	ssyncset.done $0x0  }
0x91: {  	[sflag:s21] =	ssyncadd.s32 $0xFFFFD800  }
0x92: {  	_ =	sfence.sel $0x180000  }
0x93: {  	[bflag:$0x0] =	sbarrier.arrive $0xFFFF  }
0x94: {  	p0 =	sne.s32 s1, $0x0;
	_ =	strace $0x9000004A  }
0x95: {  	s0 =	sadd.s32 @!p0 $0x100000, s0;
	[bflag:$0x2] =	sbarrier.arrive $0xFFFF  }
0x96: {  	[sflag:s0] =	ssyncadd.tile.s32 @!p0 $0x1;
	_ =	shalt  }
.Lfunc_end2:
_tile_overlayer_lowered:
.L_overlay_start_2:
0x97: {  	(tag) =	ssettag $0x2  }
0x98: {  	s0 =	rddreg [dreg:$0x0];
	s2 =	stileid.u32  }
0x99: {  	s1 =	rddreg [dreg:$0x1];
	p0 =	sne.s32 s2, $0x0  }
0x9a: {  	s3 =	rddreg [dreg:$0x2];
	[bflag:$0x3] =	sbarrier.arrive $0xFFFF;
	s2 =	simm.s32 @!p0 $0x1C03  }
0x9b: {  	[timem:s3], [sflag:s2] =	dma.local @!p0 [hbm:s0], s1  }
0x9c: {  	s0 =	simm.s32 @!p0 $0x3  }
0x9d: {  	_ =	swait.ge @!p0 [sflag:s0], s1  }
0x9e: {  	s1 =	ssub.s32 @!p0 $0x0, s1;
	[sflag:s0] =	ssyncset.done @!p0 $0x0  }
0x9f: {  	[sflag:s0] =	ssyncadd.s32 @!p0 s1  }
0xa0: {  	[bflag:$0x3] =	sbarrier.arrive $0xFFFF  }
0xa1: {  	_ =	shalt  }

// kernel: kernel.16.cloned.1.call-start
scs
__scs_entry_jumppad:
0x0: {  	(pc) =	sbr.rel $0x88, $3  }
0x1: {  	(tag) =	ssettag $0x0;
	lr =	simm.s32 $0x1  }
0x2: {  	[smem:$0x3F95] =	sst lr;
	_ =	strace $0xD0000000  }
0x3: {  	_ = 	snop  }
0x4: {  	_ = 	snop  }
0x5: {  	_ = 	snop  }
0x6: {  	_ = 	snop  }
0x7: {  	_ = 	snop  }
__scs_overlays_trampoline_lowered:
0x8: {  	[smem:$0x3FA4] =	sst s0  }
0x9: {  	[smem:$0x3FA5] =	sst s1  }
0xa: {  	[smem:$0x3FA6] =	sst s2  }
0xb: {  	[smem:$0x3FA7] =	sst s3  }
0xc: {  	[smem:$0x3FA8] =	sst s4  }
0xd: {  	[smem:$0x3FA9] =	sst s5  }
0xe: {  	[smem:$0x3FAA] =	sst s6  }
0xf: {  	[smem:$0x3FAB] =	sst s7  }
0x10: {  	[smem:$0x3FAC] =	sst s8  }
0x11: {  	[smem:$0x3FAD] =	sst s9;
	s0 =	simm.s32 @!p0 $0x0  }
0x12: {  	s1 =	sld [smem:$0x3F93];
	s0 =	simm.s32 @p0 $0x1  }
0x13: {  	[smem:$0x3FAE] =	sst s0;
	s0 =	simm.s32 @!p1 $0x0  }
0x14: {  	s2 =	sld [smem:$0x3F92];
	s0 =	simm.s32 @p1 $0x1  }
0x15: {  	[smem:$0x3FAF] =	sst s0;
	s0 =	simm.s32 @!p2 $0x0  }
0x16: {  	s3 =	sld [smem:$0x3FDB];
	s0 =	simm.s32 @p2 $0x1  }
0x17: {  	s4 =	simm.s32 $0x1BF5;
	[smem:$0x3FB1] =	sst s0  }
0x18: {  	s0 =	sld [smem:$0x3F94];
	_ =	swait.ge [sflag:s4], $0x0  }
0x19: {  	s7 =	sld [smem:$0x3F95]  }
0x1a: {  	s8 =	sadd.s32 $0xFFFFE003, lr  }
0x1b: {  	s9 =	sadd.s32 $0xFFFFFEF7, lr;
	s5 =	simm.s32 $0xFFFFFFFF;
	p2 =	slt.u32 s8, $0xFFFFF086  }
0x1c: {  	p1 =	slt.u32 s9, $0xF7A;
	s5 =	simm.s32 @!p2 $0x0  }
0x1d: {  	s5 =	simm.s32 @p1 $0x1;
	p0 =	seq.s32 s7, s2  }
0x1e: {  	s7 =	smul.u32 @!p0 $0xF7A, s2;
	p2 =	seq.s32 @!p0 s5, $0x0  }
0x1f: {  	s9 =	smul.u32 $0xF7A, s1;
	s8 =	simm.s32 @!p0 $0x1BF5;
	p2 =	por !p2, p0  }
0x20: {  	[sflag:s8] =	ssyncset.s32 @!p0 $0xFFFFF086;
	s6 =	sadd.s32 @!p0 s3, s7;
	s7 =	simm.s32 @!p0 $0x108  }
0x21: {  	s3 =	sadd.s32 s3, s9;
	s6 =	sadd.s32 @!p0 $0x88, s6;
	s7 =	simm.s32 @p2 $0x1082  }
0x22: {  	[simem:s7], [sflag:s8] =	dma.local @!p0 [hbm:s6], $0xF7A  }
0x23: {  	s9 =	sor.u32 $0xD0000000, s2;
	s6 =	simm.s32 $0x108;
	_ =	swait.ge @!p0 [sflag:s8], $0x0  }
0x24: {  	s3 =	sadd.s32 $0x88, s3;
	s6 =	simm.s32 @!p1 $0x1082;
	[sflag:s4] =	ssyncset.s32 $0xFFFFF086  }
0x25: {  	[simem:s6], [sflag:s4] =	dma.local [hbm:s3], $0xF7A  }
0x26: {  	[smem:$0x3F95] =	sst s1;
	(tag) =	ssettag s2;
	_ =	strace s9  }
0x27: {  	s1 =	sld [smem:$0x3FA5]  }
0x28: {  	s2 =	sld [smem:$0x3FA6]  }
0x29: {  	s4 =	sld [smem:$0x3FA8]  }
0x2a: {  	p0 =	seq.s32 s5, $0x0;
	s5 =	sld [smem:$0x3FA9]  }
0x2b: {  	s6 =	sld [smem:$0x3FAA]  }
0x2c: {  	s7 =	sld [smem:$0x3FAB]  }
0x2d: {  	s3 =	simm.s32 $0x108;
	s8 =	sld [smem:$0x3FAC]  }
0x2e: {  	s3 =	simm.s32 @!p0 $0x1082;
	s9 =	sld [smem:$0x3FAD]  }
0x2f: {  	lr =	sadd.s32 s0, s3;
	s0 =	sld [smem:$0x3FA4]  }
0x30: {  	s3 =	sld [smem:$0x3FA7]  }
0x31: {  	[smem:$0x3FB0] =	sst s10  }
0x32: {  	s10 =	sld [smem:$0x3FAE];
	_ =	sdelay $0x3  }
0x33: {  	p0 =	seq.s32 s10, $0x1;
	s10 =	sld [smem:$0x3FB0];
	_ =	sdelay $0x3  }
0x34: {  	[smem:$0x3FB0] =	sst s10  }
0x35: {  	s10 =	sld [smem:$0x3FAF];
	_ =	sdelay $0x3  }
0x36: {  	p1 =	seq.s32 s10, $0x1;
	s10 =	sld [smem:$0x3FB0];
	_ =	sdelay $0x3  }
0x37: {  	[smem:$0x3FB0] =	sst s10  }
0x38: {  	s10 =	sld [smem:$0x3FB1]  }
0x39: {  	_ = 	snop;
	(pc) =	sbr.ind lr, $3  }
0x3a: {  	_ = 	snop  }
0x3b: {  	_ = 	snop  }
0x3c: {  	p2 =	seq.s32 s10, $0x1;
	s10 =	sld [smem:$0x3FB0]  }
0x3d: {  	_ =	shalt  }
0x3e: {  	_ =	shalt  }
0x3f: {  	_ =	shalt  }
0x40: {  	_ =	shalt  }
0x41: {  	_ =	shalt  }
0x42: {  	_ =	shalt  }
0x43: {  	_ =	shalt  }
0x44: {  	_ =	shalt  }
0x45: {  	_ =	shalt  }
0x46: {  	_ =	shalt  }
0x47: {  	_ =	shalt  }
0x48: {  	_ =	shalt  }
0x49: {  	_ =	shalt  }
0x4a: {  	_ =	shalt  }
0x4b: {  	_ =	shalt  }
0x4c: {  	_ =	shalt  }
0x4d: {  	_ =	shalt  }
0x4e: {  	_ =	shalt  }
0x4f: {  	_ =	shalt  }
0x50: {  	_ =	shalt  }
0x51: {  	_ =	shalt  }
0x52: {  	_ =	shalt  }
0x53: {  	_ =	shalt  }
0x54: {  	_ =	shalt  }
0x55: {  	_ =	shalt  }
0x56: {  	_ =	shalt  }
0x57: {  	_ =	shalt  }
0x58: {  	_ =	shalt  }
0x59: {  	_ =	shalt  }
0x5a: {  	_ =	shalt  }
0x5b: {  	_ =	shalt  }
0x5c: {  	_ =	shalt  }
0x5d: {  	_ =	shalt  }
0x5e: {  	_ =	shalt  }
0x5f: {  	_ =	shalt  }
0x60: {  	_ =	shalt  }
0x61: {  	_ =	shalt  }
0x62: {  	_ =	shalt  }
0x63: {  	_ =	shalt  }
0x64: {  	_ =	shalt  }
0x65: {  	_ =	shalt  }
0x66: {  	_ =	shalt  }
0x67: {  	_ =	shalt  }
0x68: {  	_ =	shalt  }
0x69: {  	_ =	shalt  }
0x6a: {  	_ =	shalt  }
0x6b: {  	_ =	shalt  }
0x6c: {  	_ =	shalt  }
0x6d: {  	_ =	shalt  }
0x6e: {  	_ =	shalt  }
0x6f: {  	_ =	shalt  }
0x70: {  	_ =	shalt  }
0x71: {  	_ =	shalt  }
0x72: {  	_ =	shalt  }
0x73: {  	_ =	shalt  }
0x74: {  	_ =	shalt  }
0x75: {  	_ =	shalt  }
0x76: {  	_ =	shalt  }
0x77: {  	_ =	shalt  }
0x78: {  	_ =	shalt  }
0x79: {  	_ =	shalt  }
0x7a: {  	_ =	shalt  }
0x7b: {  	_ =	shalt  }
0x7c: {  	_ =	shalt  }
0x7d: {  	_ =	shalt  }
0x7e: {  	_ =	shalt  }
0x7f: {  	_ =	shalt  }
0x80: {  	_ =	shalt  }
0x81: {  	_ =	shalt  }
0x82: {  	_ =	shalt  }
0x83: {  	_ =	shalt  }
0x84: {  	_ =	shalt  }
0x85: {  	_ =	shalt  }
0x86: {  	_ =	shalt  }
0x87: {  	_ =	shalt  }
.Lfunc_end0:
.L_simem_size_0:
called_computation.2_lowered:
.L_overlay_start_0:
0x88: {  	s2 =	sld [smem:$0x3FD9]  }
0x89: {  	s3 =	sld [smem:$0x3FFE];
	_ =	sdelay $0x1  }
0x8a: {  	s1 =	srdreg.scid  }
0x8b: {  	s0 =	sand.u32 $0x1, s1  }
0x8c: {  	s17 =	sshll.u32 s0, $0xA;
	s2 =	sadd.s32 s3, s2  }
0x8d: {  	s2 =	sadd.s32 s2, s17  }
0x8e: {  	[smem:$0x3FBC] =	sst s2  }
0x8f: {  	_ = 	snop  }
0x90: {  	s2 =	sld [smem:$0x3FD0];
	(tm) =	ssettm $0x1  }
0x91: {  	s18 =	sld [smem:$0x3FFB];
	_ =	sdelay $0x3  }
0x92: {  	_ =	strace s18  }
0x93: {  	s3 =	sld [smem:$0x3FFC];
	_ =	sdelay $0x3  }
0x94: {  	_ =	strace s3  }
0x95: {  	s3 =	sld [smem:$0x3FFD];
	_ =	sdelay $0x3  }
0x96: {  	_ =	strace s3  }
0x97: {  	_ =	strace $0x8FFFFFFF  }
0x98: {  	s19 =	sld [smem:$0x3FDB];
	_ =	sdelay $0x1  }
0x99: {  	s4 =	simm.s32 $_scs_section_size  }
0x9a: {  	s5 =	simm.s32 $_size__tile_overlayer_lowered;
	s6 =	simm.s32 $_tile_overlayer_lowered  }
0x9b: {  	s22 =	simm.s32 $0x1BFF;
	s21 =	sshll.u32 s6, $0x1;
	s3 =	sadd.s32 s4, s19  }
0x9c: {  	s7 =	simm.s32 $0x0;
	s20 =	sshll.u32 s5, $0x1;
	s5 =	sadd.s32 s21, s3  }
0x9d: {  	[timem:s7], [sflag:s22] =	dma.local [hbm:s5], s20  }
0x9e: {  	_ =	swait.ge [sflag:s22], s20  }
0x9f: {  	s4 =	ssub.s32 $0x0, s20;
	[sflag:s22] =	ssyncset.done $0x0  }
0xa0: {  	[sflag:s22] =	ssyncadd.s32 s4;
	_ =	sdelay $0x1  }
0xa1: {  	s23 =	simm.s32 $0x1B8B  }
0xa2: {  	_ =	swait.ge [sflag:s23], $0x1  }
0xa3: {  	[sflag:s23] =	ssyncset.done $0x0  }
0xa4: {  	s25 =	simm.s32 $0x1B8E;
	s24 =	sld [smem:$0x3FFE];
	[sflag:s23] =	ssyncadd.s32 $0xFFFFFFFF  }
0xa5: {  	s26 =	simm.s32 $execute0_lowered;
	[smem:$0x3FD2] =	sst s25  }
0xa6: {  	s5 =	sshll.u32 s26, $0x1;
	_ =	strace $0x8000004C;
	[dreg:$0x1] =	wrdreg $0xFFFFFFFF  }
0xa7: {  	s28 =	simm.s32 $_size_execute0_lowered;
	s3 =	sadd.s32 s3, s5;
	[dreg:$0x0] =	wrdreg $0x0  }
0xa8: {  	s5 =	sshll.u32 s28, $0x1;
	[dreg:$0x2] =	wrdreg s3  }
0xa9: {  	[dreg:$0x3] =	wrdreg s5  }
0xaa: {  	[dreg:$0x4] =	wrdreg $0xC0  }
0xab: {  	_ =	task [dreg:s7], $0x5FFFF  }
0xac: {  	[dreg:$0x1] =	wrdreg $0xFFFFFFFF  }
0xad: {  	[dreg:$0x0] =	wrdreg $0x60  }
0xae: {  	[dreg:$0x2] =	wrdreg s24  }
0xaf: {  	[dreg:$0x3] =	wrdreg s2  }
0xb0: {  	[dreg:$0x4] =	wrdreg $0xA8000  }
0xb1: {  	[dreg:$0x5] =	wrdreg $0x9  }
0xb2: {  	_ =	task.clear_ibuf [dreg:s7], $0x6FFFF;
	_ =	strace $0x9000004C  }
0xb3: {  	s29 =	simm.s32 $0x9;
	_ =	strace $0x8000004E  }
0xb4: {  	_ =	swait.ge [sflag:s29], $0x1  }
0xb5: {  	[sflag:s29] =	ssyncadd.s32 $0xFFFFFFFF  }
0xb6: {  	_ =	strace $0x9000004E  }
0xb7: {  	_ =	sfence  }
0xb8: {  	s30 =	sld [smem:$0x0];
	_ =	sdelay $0x2  }
0xb9: {  	s31 =	sshll.u32 s1, $0xD;
	s1 =	sshrl.u32 s1, $0x2  }
0xba: {  	s3 =	sand.u32 $0x4000, s31;
	s1 =	sadd.s32 s1, s30  }
0xbb: {  	s0 =	sor.u32 s3, s0;
	s1 =	sshll.u32 s1, $0x11  }
0xbc: {  	s0 =	sor.u32 s1, s0  }
0xbd: {  	s0 =	sadd.s32 $0x8F2B, s0  }
0xbe: {  	[sflag:s0] =	ssyncadd.remote.s32 $0x1  }
0xbf: {  	_ =	sfence.sel $0xFFFF  }
0xc0: {  	[dreg:$0x0] =	wrdreg $0xFFFFFFFF;
	(pc) =	sbr.abs _section_cstart, $3  }
0xc1: {  	[dreg:$0x1] =	wrdreg $0xFFFFFFFF  }
0xc2: {  	_ =	task.clear_ibuf [dreg:s7], $0x2FFFF;
	_ =	strace $0x9FFFFFFF  }
0xc3: {  	(tm) =	ssettm $0x7FFFFFFF  }
tec
execute0_lowered:
.L_overlay_start_1:
0x0: {  	(tag) =	ssettag $0x1  }
0x1: {  	s6 =	rddreg [dreg:$0x0]  }
0x2: {  	s2 =	rddreg [dreg:$0x1]  }
0x3: {  	s3 =	rddreg [dreg:$0x2]  }
0x4: {  	s0 =	rddreg [dreg:$0x3];
	s5 =	srdreg.scid  }
0x5: {  	s1 =	stileid.u32;
	s4 =	simm.s32 $0x0;
	s16 =	simm.s32 $0x1  }
0x6: {  	s17 =	simm.s32 $0x2;
	s18 =	simm.s32 $0x80;
	s19 =	simm.s32 $0x2800  }
0x7: {  	s20 =	simm.s32 $0x6800;
	s21 =	simm.s32 $0x3;
	s22 =	simm.s32 $0x2700  }
0x8: {  	s23 =	simm.s32 $0x2780;
	s24 =	simm.s32 $0x0;
	s7 =	sand.u32 $0x1, s5  }
0x9: {  	s8 =	smul.u32 $0x2800, s1;
	[smem:$0x7FF] =	sst s4;
	s5 =	sadd.s32 $0x16400, s6  }
0xa: {  	s10 =	sadd.s32 $0xC400, s6;
	s11 =	sadd.s32 $0x2400, s6;
	s9 =	smul.u32 $0x28000, s7  }
0xb: {  	s12 =	smul.u32 $0x50000, s1;
	_ =	strace $0x8000004D;
	s26 =	sshll.u32 s7, $0x4  }
0xc: {  	s7 =	ssub.s32 $0x2, s7;
	s8 =	sadd.s32 s8, s9;
	s9 =	sor.u32 s1, s26  }
0xd: {  	s28 =	sshrl.u32 s7, $0x1;
	s30 =	sshrl.u32 s12, $0x2;
	s29 =	smul.u32 $0x2800, s9  }
0xe: {  	s14 =	ssub.s32 s7, s28;
	s13 =	sadd.s32 s8, s6;
	s6 =	sshll.u32 s1, $0x6  }
0xf: {  	s15 =	sadd.s32 s30, s3;
	s7 =	sor.u32 $0x1C01, s6;
	s31 =	sshrl.u32 s29, $0x3  }
0x10: {  	s8 =	sadd.s32 s10, s31;
	s9 =	sadd.s32 s11, s31;
	s12 =	sadd.s32 $0x280, s31  }
0x11: {  	s10 =	sadd.s32 s10, s12;
	s11 =	sadd.s32 s11, s12;
	s12 =	sadd.s32 $0x3DE00, s13  }
0x12: {  	s13 =	smax.u32 s14, $0x1;
	s14 =	sshrl.u32 s15, $0x3;
	s15 =	simm.s32 $0x1400  }
.LBB2_1:
0x13: {  	[spmem:s14], [sflag:s7] =	dma.local [hbm:s2], $0x2800  }
0x14: {  	[tilespmem:s4], [sflag:$0x2] =	stream.linear.gather [hbm4b:s8+s4], $0x1400, $0x38;
	[tilespmem:$0x1E800] =	vst v63  }
0x15: {  	_ = 	snop  }
0x16: {  	[tilespmem:s15], [sflag:$0x2] =	stream.linear.gather [hbm4b:s9+s4], $0x1400, $0x38;
	[tilespmem:$0x1E800] =	vst v63  }
0x17: {  	_ =	swait.ge [sflag:s16], $0x2800  }
0x18: {  	[sflag:s16] =	ssyncset.done $0x0  }
0x19: {  	[sflag:s16] =	ssyncadd.s32 $0xFFFFD800  }
0x1a: {  	_ =	swait.ge [sflag:s17], $0x1400  }
0x1b: {  	[sflag:s17] =	ssyncset.done $0x0  }
0x1c: {  	[sflag:s17] =	ssyncadd.s32 $0xFFFFEC00  }
0x1d: {  	_ =	swait.ge [sflag:s17], $0x1400  }
0x1e: {  	[sflag:s17] =	ssyncset.done $0x0  }
0x1f: {  	[sflag:s17] =	ssyncadd.s32 $0xFFFFEC00  }
0x20: {  	[bflag:$0x0] =	sbarrier.arrive $0xFFFF  }
0x21: {  	[tilespmem:s19], [sflag:$0x1] =	stream.indirect.gather [hbm4b:s5+s18], $0x80, s4, s18, $0xb8;
	[tilespmem:$0x1E800] =	vst v63  }
0x22: {  	_ = 	snop  }
0x23: {  	[tilespmem:s20], [sflag:$0x2] =	stream.indirect.gather [hbm4b:s5+s18], $0x80, s18, s18, $0xb8;
	[tilespmem:$0x1E800] =	vst v63  }
0x24: {  	_ =	swait.ge [sflag:s16], $0x4000  }
0x25: {  	[sflag:s16] =	ssyncset.done $0x0  }
0x26: {  	s25 =	simm.s32 $0x1400;
	[sflag:s16] =	ssyncadd.s32 $0xFFFFC000  }
0x27: {  	[spmem:s3] =	stream.indirect.scatter.add.f32 [tilespmem:s19], [sflag:$0x3], $0x80, s25, s18, $0xb8;
	[tilespmem:$0x1E800] =	vst v63  }
0x28: {  	_ =	swait.ge [sflag:s21], $0x4000  }
0x29: {  	[sflag:s21] =	ssyncset.done $0x0  }
0x2a: {  	s30 =	simm.s32 $0x100;
	[sflag:s21] =	ssyncadd.s32 $0xFFFFC000  }
0x2b: {  	[tilespmem:s19], [sflag:$0x1] =	stream.indirect.gather [hbm4b:s5+s18], $0x80, s30, s18, $0xb8;
	[tilespmem:$0x1E800] =	vst v63  }
0x2c: {  	_ =	swait.ge [sflag:s17], $0x4000  }
0x2d: {  	[sflag:s17] =	ssyncset.done $0x0  }
0x2e: {  	s31 =	simm.s32 $0x1480;
	[sflag:s17] =	ssyncadd.s32 $0xFFFFC000  }
0x2f: {  	[spmem:s3] =	stream.indirect.scatter.add.f32 [tilespmem:s20], [sflag:$0x3], $0x80, s31, s18, $0xb8;
	[tilespmem:$0x1E800] =	vst v63  }
0x30: {  	_ =	swait.ge [sflag:s21], $0x4000  }
0x31: {  	[sflag:s21] =	ssyncset.done $0x0  }
0x32: {  	s26 =	simm.s32 $0x180;
	s25 =	simm.s32 $0x400;
	[sflag:s21] =	ssyncadd.s32 $0xFFFFC000  }
.LBB2_2:
0x33: {  	[tilespmem:s20], [sflag:$0x2] =	stream.indirect.gather [hbm4b:s5+s18], $0x80, s26, s18, $0xb8;
	[tilespmem:$0x1E800] =	vst v63  }
0x34: {  	s26 =	smov.u32 s25  }
0x35: {  	p0 =	sne.s32 s25, $0x4800;
	s25 =	sadd.s32 $0x400, s25;
	_ =	swait.ge [sflag:s16], $0x4000  }
0x36: {  	s26 =	sshra.s32 s26, $0x2;
	[sflag:s16] =	ssyncset.done $0x0  }
0x37: {  	s28 =	sadd.s32 $0x1400, s26;
	[sflag:s16] =	ssyncadd.s32 $0xFFFFC000  }
0x38: {  	[spmem:s3] =	stream.indirect.scatter.add.f32 [tilespmem:s19], [sflag:$0x3], $0x80, s28, s18, $0xb8;
	[tilespmem:$0x1E800] =	vst v63  }
0x39: {  	_ =	swait.ge [sflag:s21], $0x4000  }
0x3a: {  	[sflag:s21] =	ssyncset.done $0x0  }
0x3b: {  	s28 =	sadd.s32 $0x100, s26;
	[sflag:s21] =	ssyncadd.s32 $0xFFFFC000  }
0x3c: {  	[tilespmem:s19], [sflag:$0x1] =	stream.indirect.gather [hbm4b:s5+s18], $0x80, s28, s18, $0xb8;
	[tilespmem:$0x1E800] =	vst v63  }
0x3d: {  	_ =	swait.ge [sflag:s17], $0x4000  }
0x3e: {  	[sflag:s17] =	ssyncset.done $0x0  }
.Ltmp0:
0x3f: {  	s28 =	sadd.s32 $0x1480, s26;
	[sflag:s17] =	ssyncadd.s32 $0xFFFFC000;
	(pc) =	sbr.rel @p0 .LBB2_2-.Ltmp0, $4  }
0x40: {  	[spmem:s3] =	stream.indirect.scatter.add.f32 [tilespmem:s20], [sflag:$0x3], $0x80, s28, s18, $0xb8;
	[tilespmem:$0x1E800] =	vst v63  }
0x41: {  	_ =	swait.ge [sflag:s21], $0x4000  }
0x42: {  	[sflag:s21] =	ssyncset.done $0x0  }
0x43: {  	s26 =	sadd.s32 $0x180, s26;
	[sflag:s21] =	ssyncadd.s32 $0xFFFFC000  }
0x44: {  	[tilespmem:s20], [sflag:$0x2] =	stream.indirect.gather [hbm4b:s5+s18], $0x80, s26, s18, $0xb8;
	[tilespmem:$0x1E800] =	vst v63  }
0x45: {  	_ =	swait.ge [sflag:s16], $0x4000  }
0x46: {  	[sflag:s16] =	ssyncset.done $0x0  }
0x47: {  	[sflag:s16] =	ssyncadd.s32 $0xFFFFC000  }
0x48: {  	[spmem:s3] =	stream.indirect.scatter.add.f32 [tilespmem:s19], [sflag:$0x3], $0x80, s22, s18, $0xb8;
	[tilespmem:$0x1E800] =	vst v63  }
0x49: {  	_ =	swait.ge [sflag:s21], $0x4000  }
0x4a: {  	[sflag:s21] =	ssyncset.done $0x0  }
0x4b: {  	[sflag:s21] =	ssyncadd.s32 $0xFFFFC000  }
0x4c: {  	_ =	swait.ge [sflag:s17], $0x4000  }
0x4d: {  	[sflag:s17] =	ssyncset.done $0x0  }
0x4e: {  	[sflag:s17] =	ssyncadd.s32 $0xFFFFC000  }
0x4f: {  	[spmem:s3] =	stream.indirect.scatter.add.f32 [tilespmem:s20], [sflag:$0x3], $0x80, s23, s18, $0xb8;
	[tilespmem:$0x1E800] =	vst v63  }
0x50: {  	_ =	swait.ge [sflag:s21], $0x4000  }
0x51: {  	[sflag:s21] =	ssyncset.done $0x0  }
0x52: {  	s25 =	simm.s32 $0x0;
	[sflag:s21] =	ssyncadd.s32 $0xFFFFC000  }
0x53: {  	[tilespmem:s25], [sflag:$0x3] =	stream.linear.gather [hbm4b:s10+s25], $0x1400, $0x38;
	[tilespmem:$0x1E800] =	vst v63  }
0x54: {  	_ =	swait.ge [sflag:s21], $0x1400  }
0x55: {  	[sflag:s21] =	ssyncset.done $0x0  }
0x56: {  	[sflag:s21] =	ssyncadd.s32 $0xFFFFEC00  }
0x57: {  	[tilespmem:s15], [sflag:$0x3] =	stream.linear.gather [hbm4b:s11+s25], $0x1400, $0x38;
	[tilespmem:$0x1E800] =	vst v63  }
0x58: {  	_ =	swait.ge [sflag:s21], $0x1400  }
0x59: {  	[sflag:s21] =	ssyncset.done $0x0  }
0x5a: {  	[sflag:s21] =	ssyncadd.s32 $0xFFFFEC00  }
0x5b: {  	[tilespmem:s19], [sflag:$0x1] =	stream.indirect.gather [hbm4b:s5+s18], $0x80, s25, s18, $0xb8;
	[tilespmem:$0x1E800] =	vst v63  }
0x5c: {  	_ = 	snop  }
0x5d: {  	[tilespmem:s20], [sflag:$0x2] =	stream.indirect.gather [hbm4b:s5+s18], $0x80, s18, s18, $0xb8;
	[tilespmem:$0x1E800] =	vst v63  }
0x5e: {  	_ =	swait.ge [sflag:s16], $0x4000  }
0x5f: {  	[sflag:s16] =	ssyncset.done $0x0  }
0x60: {  	s29 =	simm.s32 $0x1400;
	[sflag:s16] =	ssyncadd.s32 $0xFFFFC000  }
0x61: {  	[spmem:s3] =	stream.indirect.scatter.add.f32 [tilespmem:s19], [sflag:$0x3], $0x80, s29, s18, $0xb8;
	[tilespmem:$0x1E800] =	vst v63  }
0x62: {  	_ =	swait.ge [sflag:s21], $0x4000  }
0x63: {  	[sflag:s21] =	ssyncset.done $0x0  }
0x64: {  	s30 =	simm.s32 $0x100;
	[sflag:s21] =	ssyncadd.s32 $0xFFFFC000  }
0x65: {  	[tilespmem:s19], [sflag:$0x1] =	stream.indirect.gather [hbm4b:s5+s18], $0x80, s30, s18, $0xb8;
	[tilespmem:$0x1E800] =	vst v63  }
0x66: {  	_ =	swait.ge [sflag:s17], $0x4000  }
0x67: {  	[sflag:s17] =	ssyncset.done $0x0  }
0x68: {  	s31 =	simm.s32 $0x1480;
	[sflag:s17] =	ssyncadd.s32 $0xFFFFC000  }
0x69: {  	[spmem:s3] =	stream.indirect.scatter.add.f32 [tilespmem:s20], [sflag:$0x3], $0x80, s31, s18, $0xb8;
	[tilespmem:$0x1E800] =	vst v63  }
0x6a: {  	_ =	swait.ge [sflag:s21], $0x4000  }
0x6b: {  	[sflag:s21] =	ssyncset.done $0x0  }
0x6c: {  	s26 =	simm.s32 $0x180;
	s25 =	simm.s32 $0x400;
	[sflag:s21] =	ssyncadd.s32 $0xFFFFC000  }
.LBB2_4:
0x6d: {  	[tilespmem:s20], [sflag:$0x2] =	stream.indirect.gather [hbm4b:s5+s18], $0x80, s26, s18, $0xb8;
	[tilespmem:$0x1E800] =	vst v63  }
0x6e: {  	s26 =	smov.u32 s25  }
0x6f: {  	p0 =	sne.s32 s25, $0x4800;
	s25 =	sadd.s32 $0x400, s25;
	_ =	swait.ge [sflag:s16], $0x4000  }
0x70: {  	s26 =	sshra.s32 s26, $0x2;
	[sflag:s16] =	ssyncset.done $0x0  }
0x71: {  	s28 =	sadd.s32 $0x1400, s26;
	[sflag:s16] =	ssyncadd.s32 $0xFFFFC000  }
0x72: {  	[spmem:s3] =	stream.indirect.scatter.add.f32 [tilespmem:s19], [sflag:$0x3], $0x80, s28, s18, $0xb8;
	[tilespmem:$0x1E800] =	vst v63  }
0x73: {  	_ =	swait.ge [sflag:s21], $0x4000  }
0x74: {  	[sflag:s21] =	ssyncset.done $0x0  }
0x75: {  	s28 =	sadd.s32 $0x100, s26;
	[sflag:s21] =	ssyncadd.s32 $0xFFFFC000  }
0x76: {  	[tilespmem:s19], [sflag:$0x1] =	stream.indirect.gather [hbm4b:s5+s18], $0x80, s28, s18, $0xb8;
	[tilespmem:$0x1E800] =	vst v63  }
0x77: {  	_ =	swait.ge [sflag:s17], $0x4000  }
0x78: {  	[sflag:s17] =	ssyncset.done $0x0  }
.Ltmp1:
0x79: {  	s28 =	sadd.s32 $0x1480, s26;
	[sflag:s17] =	ssyncadd.s32 $0xFFFFC000;
	(pc) =	sbr.rel @p0 .LBB2_4-.Ltmp1, $4  }
0x7a: {  	[spmem:s3] =	stream.indirect.scatter.add.f32 [tilespmem:s20], [sflag:$0x3], $0x80, s28, s18, $0xb8;
	[tilespmem:$0x1E800] =	vst v63  }
0x7b: {  	_ =	swait.ge [sflag:s21], $0x4000  }
0x7c: {  	[sflag:s21] =	ssyncset.done $0x0  }
0x7d: {  	s26 =	sadd.s32 $0x180, s26;
	[sflag:s21] =	ssyncadd.s32 $0xFFFFC000  }
0x7e: {  	[tilespmem:s20], [sflag:$0x2] =	stream.indirect.gather [hbm4b:s5+s18], $0x80, s26, s18, $0xb8;
	[tilespmem:$0x1E800] =	vst v63  }
0x7f: {  	_ =	swait.ge [sflag:s16], $0x4000  }
0x80: {  	[sflag:s16] =	ssyncset.done $0x0  }
0x81: {  	[sflag:s16] =	ssyncadd.s32 $0xFFFFC000  }
0x82: {  	[spmem:s3] =	stream.indirect.scatter.add.f32 [tilespmem:s19], [sflag:$0x3], $0x80, s22, s18, $0xb8;
	[tilespmem:$0x1E800] =	vst v63  }
0x83: {  	_ =	swait.ge [sflag:s21], $0x4000  }
0x84: {  	[sflag:s21] =	ssyncset.done $0x0  }
0x85: {  	[sflag:s21] =	ssyncadd.s32 $0xFFFFC000  }
0x86: {  	_ =	swait.ge [sflag:s17], $0x4000  }
0x87: {  	[sflag:s17] =	ssyncset.done $0x0  }
0x88: {  	[sflag:s17] =	ssyncadd.s32 $0xFFFFC000  }
0x89: {  	[spmem:s3] =	stream.indirect.scatter.add.f32 [tilespmem:s20], [sflag:$0x3], $0x80, s23, s18, $0xb8;
	[tilespmem:$0x1E800] =	vst v63  }
0x8a: {  	_ =	swait.ge [sflag:s21], $0x4000  }
0x8b: {  	s24 =	sadd.s32 $0x1, s24;
	[sflag:s21] =	ssyncset.done $0x0  }
0x8c: {  	p0 =	sne.s32 s24, s13;
	[sflag:s21] =	ssyncadd.s32 $0xFFFFC000  }
.Ltmp2:
0x8d: {  	s25 =	sor.u32 $0x1C03, s6;
	[bflag:$0x0] =	sbarrier.arrive $0xFFFF;
	(pc) =	sbr.rel @p0 .LBB2_1-.Ltmp2, $4  }
0x8e: {  	[hbm:s12], [sflag:s25] =	dma.local [spmem:s14], $0x2800  }
0x8f: {  	_ =	swait.ge [sflag:s21], $0x2800  }
0x90: {  	[sflag:s21] =	ssyncset.done $0x0  }
0x91: {  	[sflag:s21] =	ssyncadd.s32 $0xFFFFD800  }
0x92: {  	_ =	sfence.sel $0x180000  }
0x93: {  	[bflag:$0x0] =	sbarrier.arrive $0xFFFF  }
0x94: {  	p0 =	sne.s32 s1, $0x0;
	_ =	strace $0x9000004D  }
0x95: {  	s0 =	sadd.s32 @!p0 $0x100000, s0;
	[bflag:$0x2] =	sbarrier.arrive $0xFFFF  }
0x96: {  	[sflag:s0] =	ssyncadd.tile.s32 @!p0 $0x1;
	_ =	shalt  }
.Lfunc_end2:
_tile_overlayer_lowered:
.L_overlay_start_2:
0x97: {  	(tag) =	ssettag $0x2  }
0x98: {  	s0 =	rddreg [dreg:$0x0];
	s2 =	stileid.u32  }
0x99: {  	s1 =	rddreg [dreg:$0x1];
	p0 =	sne.s32 s2, $0x0  }
0x9a: {  	s3 =	rddreg [dreg:$0x2];
	[bflag:$0x3] =	sbarrier.arrive $0xFFFF;
	s2 =	simm.s32 @!p0 $0x1C03  }
0x9b: {  	[timem:s3], [sflag:s2] =	dma.local @!p0 [hbm:s0], s1  }
0x9c: {  	s0 =	simm.s32 @!p0 $0x3  }
0x9d: {  	_ =	swait.ge @!p0 [sflag:s0], s1  }
0x9e: {  	s1 =	ssub.s32 @!p0 $0x0, s1;
	[sflag:s0] =	ssyncset.done @!p0 $0x0  }
0x9f: {  	[sflag:s0] =	ssyncadd.s32 @!p0 s1  }
0xa0: {  	[bflag:$0x3] =	sbarrier.arrive $0xFFFF  }
0xa1: {  	_ =	shalt  }

// kernel: kernel.19.cloned.1.call-start
scs
__scs_entry_jumppad:
0x0: {  	(pc) =	sbr.rel $0x88, $3  }
0x1: {  	(tag) =	ssettag $0x0;
	lr =	simm.s32 $0x1  }
0x2: {  	[smem:$0x3F95] =	sst lr;
	_ =	strace $0xD0000000  }
0x3: {  	_ = 	snop  }
0x4: {  	_ = 	snop  }
0x5: {  	_ = 	snop  }
0x6: {  	_ = 	snop  }
0x7: {  	_ = 	snop  }
__scs_overlays_trampoline_lowered:
0x8: {  	[smem:$0x3FA4] =	sst s0  }
0x9: {  	[smem:$0x3FA5] =	sst s1  }
0xa: {  	[smem:$0x3FA6] =	sst s2  }
0xb: {  	[smem:$0x3FA7] =	sst s3  }
0xc: {  	[smem:$0x3FA8] =	sst s4  }
0xd: {  	[smem:$0x3FA9] =	sst s5  }
0xe: {  	[smem:$0x3FAA] =	sst s6  }
0xf: {  	[smem:$0x3FAB] =	sst s7  }
0x10: {  	[smem:$0x3FAC] =	sst s8  }
0x11: {  	[smem:$0x3FAD] =	sst s9;
	s0 =	simm.s32 @!p0 $0x0  }
0x12: {  	s1 =	sld [smem:$0x3F93];
	s0 =	simm.s32 @p0 $0x1  }
0x13: {  	[smem:$0x3FAE] =	sst s0;
	s0 =	simm.s32 @!p1 $0x0  }
0x14: {  	s2 =	sld [smem:$0x3F92];
	s0 =	simm.s32 @p1 $0x1  }
0x15: {  	[smem:$0x3FAF] =	sst s0;
	s0 =	simm.s32 @!p2 $0x0  }
0x16: {  	s3 =	sld [smem:$0x3FDB];
	s0 =	simm.s32 @p2 $0x1  }
0x17: {  	s4 =	simm.s32 $0x1BF5;
	[smem:$0x3FB1] =	sst s0  }
0x18: {  	s0 =	sld [smem:$0x3F94];
	_ =	swait.ge [sflag:s4], $0x0  }
0x19: {  	s7 =	sld [smem:$0x3F95]  }
0x1a: {  	s8 =	sadd.s32 $0xFFFFE003, lr  }
0x1b: {  	s9 =	sadd.s32 $0xFFFFFEF7, lr;
	s5 =	simm.s32 $0xFFFFFFFF;
	p2 =	slt.u32 s8, $0xFFFFF086  }
0x1c: {  	p1 =	slt.u32 s9, $0xF7A;
	s5 =	simm.s32 @!p2 $0x0  }
0x1d: {  	s5 =	simm.s32 @p1 $0x1;
	p0 =	seq.s32 s7, s2  }
0x1e: {  	s7 =	smul.u32 @!p0 $0xF7A, s2;
	p2 =	seq.s32 @!p0 s5, $0x0  }
0x1f: {  	s9 =	smul.u32 $0xF7A, s1;
	s8 =	simm.s32 @!p0 $0x1BF5;
	p2 =	por !p2, p0  }
0x20: {  	[sflag:s8] =	ssyncset.s32 @!p0 $0xFFFFF086;
	s6 =	sadd.s32 @!p0 s3, s7;
	s7 =	simm.s32 @!p0 $0x108  }
0x21: {  	s3 =	sadd.s32 s3, s9;
	s6 =	sadd.s32 @!p0 $0x88, s6;
	s7 =	simm.s32 @p2 $0x1082  }
0x22: {  	[simem:s7], [sflag:s8] =	dma.local @!p0 [hbm:s6], $0xF7A  }
0x23: {  	s9 =	sor.u32 $0xD0000000, s2;
	s6 =	simm.s32 $0x108;
	_ =	swait.ge @!p0 [sflag:s8], $0x0  }
0x24: {  	s3 =	sadd.s32 $0x88, s3;
	s6 =	simm.s32 @!p1 $0x1082;
	[sflag:s4] =	ssyncset.s32 $0xFFFFF086  }
0x25: {  	[simem:s6], [sflag:s4] =	dma.local [hbm:s3], $0xF7A  }
0x26: {  	[smem:$0x3F95] =	sst s1;
	(tag) =	ssettag s2;
	_ =	strace s9  }
0x27: {  	s1 =	sld [smem:$0x3FA5]  }
0x28: {  	s2 =	sld [smem:$0x3FA6]  }
0x29: {  	s4 =	sld [smem:$0x3FA8]  }
0x2a: {  	p0 =	seq.s32 s5, $0x0;
	s5 =	sld [smem:$0x3FA9]  }
0x2b: {  	s6 =	sld [smem:$0x3FAA]  }
0x2c: {  	s7 =	sld [smem:$0x3FAB]  }
0x2d: {  	s3 =	simm.s32 $0x108;
	s8 =	sld [smem:$0x3FAC]  }
0x2e: {  	s3 =	simm.s32 @!p0 $0x1082;
	s9 =	sld [smem:$0x3FAD]  }
0x2f: {  	lr =	sadd.s32 s0, s3;
	s0 =	sld [smem:$0x3FA4]  }
0x30: {  	s3 =	sld [smem:$0x3FA7]  }
0x31: {  	[smem:$0x3FB0] =	sst s10  }
0x32: {  	s10 =	sld [smem:$0x3FAE];
	_ =	sdelay $0x3  }
0x33: {  	p0 =	seq.s32 s10, $0x1;
	s10 =	sld [smem:$0x3FB0];
	_ =	sdelay $0x3  }
0x34: {  	[smem:$0x3FB0] =	sst s10  }
0x35: {  	s10 =	sld [smem:$0x3FAF];
	_ =	sdelay $0x3  }
0x36: {  	p1 =	seq.s32 s10, $0x1;
	s10 =	sld [smem:$0x3FB0];
	_ =	sdelay $0x3  }
0x37: {  	[smem:$0x3FB0] =	sst s10  }
0x38: {  	s10 =	sld [smem:$0x3FB1]  }
0x39: {  	_ = 	snop;
	(pc) =	sbr.ind lr, $3  }
0x3a: {  	_ = 	snop  }
0x3b: {  	_ = 	snop  }
0x3c: {  	p2 =	seq.s32 s10, $0x1;
	s10 =	sld [smem:$0x3FB0]  }
0x3d: {  	_ =	shalt  }
0x3e: {  	_ =	shalt  }
0x3f: {  	_ =	shalt  }
0x40: {  	_ =	shalt  }
0x41: {  	_ =	shalt  }
0x42: {  	_ =	shalt  }
0x43: {  	_ =	shalt  }
0x44: {  	_ =	shalt  }
0x45: {  	_ =	shalt  }
0x46: {  	_ =	shalt  }
0x47: {  	_ =	shalt  }
0x48: {  	_ =	shalt  }
0x49: {  	_ =	shalt  }
0x4a: {  	_ =	shalt  }
0x4b: {  	_ =	shalt  }
0x4c: {  	_ =	shalt  }
0x4d: {  	_ =	shalt  }
0x4e: {  	_ =	shalt  }
0x4f: {  	_ =	shalt  }
0x50: {  	_ =	shalt  }
0x51: {  	_ =	shalt  }
0x52: {  	_ =	shalt  }
0x53: {  	_ =	shalt  }
0x54: {  	_ =	shalt  }
0x55: {  	_ =	shalt  }
0x56: {  	_ =	shalt  }
0x57: {  	_ =	shalt  }
0x58: {  	_ =	shalt  }
0x59: {  	_ =	shalt  }
0x5a: {  	_ =	shalt  }
0x5b: {  	_ =	shalt  }
0x5c: {  	_ =	shalt  }
0x5d: {  	_ =	shalt  }
0x5e: {  	_ =	shalt  }
0x5f: {  	_ =	shalt  }
0x60: {  	_ =	shalt  }
0x61: {  	_ =	shalt  }
0x62: {  	_ =	shalt  }
0x63: {  	_ =	shalt  }
0x64: {  	_ =	shalt  }
0x65: {  	_ =	shalt  }
0x66: {  	_ =	shalt  }
0x67: {  	_ =	shalt  }
0x68: {  	_ =	shalt  }
0x69: {  	_ =	shalt  }
0x6a: {  	_ =	shalt  }
0x6b: {  	_ =	shalt  }
0x6c: {  	_ =	shalt  }
0x6d: {  	_ =	shalt  }
0x6e: {  	_ =	shalt  }
0x6f: {  	_ =	shalt  }
0x70: {  	_ =	shalt  }
0x71: {  	_ =	shalt  }
0x72: {  	_ =	shalt  }
0x73: {  	_ =	shalt  }
0x74: {  	_ =	shalt  }
0x75: {  	_ =	shalt  }
0x76: {  	_ =	shalt  }
0x77: {  	_ =	shalt  }
0x78: {  	_ =	shalt  }
0x79: {  	_ =	shalt  }
0x7a: {  	_ =	shalt  }
0x7b: {  	_ =	shalt  }
0x7c: {  	_ =	shalt  }
0x7d: {  	_ =	shalt  }
0x7e: {  	_ =	shalt  }
0x7f: {  	_ =	shalt  }
0x80: {  	_ =	shalt  }
0x81: {  	_ =	shalt  }
0x82: {  	_ =	shalt  }
0x83: {  	_ =	shalt  }
0x84: {  	_ =	shalt  }
0x85: {  	_ =	shalt  }
0x86: {  	_ =	shalt  }
0x87: {  	_ =	shalt  }
.Lfunc_end0:
.L_simem_size_0:
called_computation.3_lowered:
.L_overlay_start_0:
0x88: {  	s2 =	sld [smem:$0x3FD9]  }
0x89: {  	s3 =	sld [smem:$0x3FFE];
	_ =	sdelay $0x1  }
0x8a: {  	s1 =	srdreg.scid  }
0x8b: {  	s0 =	sand.u32 $0x1, s1  }
0x8c: {  	s17 =	sshll.u32 s0, $0xA;
	s2 =	sadd.s32 s3, s2  }
0x8d: {  	s2 =	sadd.s32 s2, s17  }
0x8e: {  	[smem:$0x3FBC] =	sst s2  }
0x8f: {  	_ = 	snop  }
0x90: {  	s2 =	sld [smem:$0x3FD0];
	(tm) =	ssettm $0x1  }
0x91: {  	s18 =	sld [smem:$0x3FFB];
	_ =	sdelay $0x3  }
0x92: {  	_ =	strace s18  }
0x93: {  	s3 =	sld [smem:$0x3FFC];
	_ =	sdelay $0x3  }
0x94: {  	_ =	strace s3  }
0x95: {  	s3 =	sld [smem:$0x3FFD];
	_ =	sdelay $0x3  }
0x96: {  	_ =	strace s3  }
0x97: {  	_ =	strace $0x8FFFFFFF  }
0x98: {  	s19 =	sld [smem:$0x3FDB];
	_ =	sdelay $0x1  }
0x99: {  	s4 =	simm.s32 $_scs_section_size  }
0x9a: {  	s5 =	simm.s32 $_size__tile_overlayer_lowered;
	s6 =	simm.s32 $_tile_overlayer_lowered  }
0x9b: {  	s22 =	simm.s32 $0x1BFF;
	s21 =	sshll.u32 s6, $0x1;
	s3 =	sadd.s32 s4, s19  }
0x9c: {  	s7 =	simm.s32 $0x0;
	s20 =	sshll.u32 s5, $0x1;
	s5 =	sadd.s32 s21, s3  }
0x9d: {  	[timem:s7], [sflag:s22] =	dma.local [hbm:s5], s20  }
0x9e: {  	_ =	swait.ge [sflag:s22], s20  }
0x9f: {  	s4 =	ssub.s32 $0x0, s20;
	[sflag:s22] =	ssyncset.done $0x0  }
0xa0: {  	[sflag:s22] =	ssyncadd.s32 s4;
	_ =	sdelay $0x1  }
0xa1: {  	s23 =	simm.s32 $0x1B8B  }
0xa2: {  	_ =	swait.ge [sflag:s23], $0x1  }
0xa3: {  	[sflag:s23] =	ssyncset.done $0x0  }
0xa4: {  	s25 =	simm.s32 $0x1B8E;
	s24 =	sld [smem:$0x3FFE];
	[sflag:s23] =	ssyncadd.s32 $0xFFFFFFFF  }
0xa5: {  	s26 =	simm.s32 $execute0_lowered;
	[smem:$0x3FD2] =	sst s25  }
0xa6: {  	s5 =	sshll.u32 s26, $0x1;
	_ =	strace $0x8000004F;
	[dreg:$0x1] =	wrdreg $0xFFFFFFFF  }
0xa7: {  	s28 =	simm.s32 $_size_execute0_lowered;
	s3 =	sadd.s32 s3, s5;
	[dreg:$0x0] =	wrdreg $0x0  }
0xa8: {  	s5 =	sshll.u32 s28, $0x1;
	[dreg:$0x2] =	wrdreg s3  }
0xa9: {  	[dreg:$0x3] =	wrdreg s5  }
0xaa: {  	[dreg:$0x4] =	wrdreg $0xC0  }
0xab: {  	_ =	task [dreg:s7], $0x5FFFF  }
0xac: {  	[dreg:$0x1] =	wrdreg $0xFFFFFFFF  }
0xad: {  	[dreg:$0x0] =	wrdreg $0x60  }
0xae: {  	[dreg:$0x2] =	wrdreg s24  }
0xaf: {  	[dreg:$0x3] =	wrdreg s2  }
0xb0: {  	[dreg:$0x4] =	wrdreg $0xA8000  }
0xb1: {  	[dreg:$0x5] =	wrdreg $0x9  }
0xb2: {  	_ =	task.clear_ibuf [dreg:s7], $0x6FFFF;
	_ =	strace $0x9000004F  }
0xb3: {  	s29 =	simm.s32 $0x9;
	_ =	strace $0x80000051  }
0xb4: {  	_ =	swait.ge [sflag:s29], $0x1  }
0xb5: {  	[sflag:s29] =	ssyncadd.s32 $0xFFFFFFFF  }
0xb6: {  	_ =	strace $0x90000051  }
0xb7: {  	_ =	sfence  }
0xb8: {  	s30 =	sld [smem:$0x0];
	_ =	sdelay $0x2  }
0xb9: {  	s31 =	sshll.u32 s1, $0xD;
	s1 =	sshrl.u32 s1, $0x2  }
0xba: {  	s3 =	sand.u32 $0x4000, s31;
	s1 =	sadd.s32 s1, s30  }
0xbb: {  	s0 =	sor.u32 s3, s0;
	s1 =	sshll.u32 s1, $0x11  }
0xbc: {  	s0 =	sor.u32 s1, s0  }
0xbd: {  	s0 =	sadd.s32 $0x8F2B, s0  }
0xbe: {  	[sflag:s0] =	ssyncadd.remote.s32 $0x1  }
0xbf: {  	_ =	sfence.sel $0xFFFF  }
0xc0: {  	[dreg:$0x0] =	wrdreg $0xFFFFFFFF;
	(pc) =	sbr.abs _section_cstart, $3  }
0xc1: {  	[dreg:$0x1] =	wrdreg $0xFFFFFFFF  }
0xc2: {  	_ =	task.clear_ibuf [dreg:s7], $0x2FFFF;
	_ =	strace $0x9FFFFFFF  }
0xc3: {  	(tm) =	ssettm $0x7FFFFFFF  }
tec
execute0_lowered:
.L_overlay_start_1:
0x0: {  	(tag) =	ssettag $0x1  }
0x1: {  	s6 =	rddreg [dreg:$0x0]  }
0x2: {  	s2 =	rddreg [dreg:$0x1]  }
0x3: {  	s3 =	rddreg [dreg:$0x2]  }
0x4: {  	s0 =	rddreg [dreg:$0x3];
	s5 =	srdreg.scid  }
0x5: {  	s1 =	stileid.u32;
	s4 =	simm.s32 $0x0;
	s16 =	simm.s32 $0x1  }
0x6: {  	s17 =	simm.s32 $0x2;
	s18 =	simm.s32 $0x80;
	s19 =	simm.s32 $0x2800  }
0x7: {  	s20 =	simm.s32 $0x6800;
	s21 =	simm.s32 $0x3;
	s22 =	simm.s32 $0x2700  }
0x8: {  	s23 =	simm.s32 $0x2780;
	s24 =	simm.s32 $0x0;
	s7 =	sand.u32 $0x1, s5  }
0x9: {  	s8 =	smul.u32 $0x2800, s1;
	[smem:$0x7FF] =	sst s4;
	s5 =	sadd.s32 $0x16400, s6  }
0xa: {  	s10 =	sadd.s32 $0xC400, s6;
	s11 =	sadd.s32 $0x2400, s6;
	s9 =	smul.u32 $0x28000, s7  }
0xb: {  	s12 =	smul.u32 $0x50000, s1;
	_ =	strace $0x80000050;
	s26 =	sshll.u32 s7, $0x4  }
0xc: {  	s7 =	ssub.s32 $0x2, s7;
	s8 =	sadd.s32 s8, s9;
	s9 =	sor.u32 s1, s26  }
0xd: {  	s28 =	sshrl.u32 s7, $0x1;
	s30 =	sshrl.u32 s12, $0x2;
	s29 =	smul.u32 $0x2800, s9  }
0xe: {  	s14 =	ssub.s32 s7, s28;
	s13 =	sadd.s32 s8, s6;
	s6 =	sshll.u32 s1, $0x6  }
0xf: {  	s15 =	sadd.s32 s30, s3;
	s7 =	sor.u32 $0x1C01, s6;
	s31 =	sshrl.u32 s29, $0x3  }
0x10: {  	s8 =	sadd.s32 s10, s31;
	s9 =	sadd.s32 s11, s31;
	s12 =	sadd.s32 $0x280, s31  }
0x11: {  	s10 =	sadd.s32 s10, s12;
	s11 =	sadd.s32 s11, s12;
	s12 =	sadd.s32 $0x3DE00, s13  }
0x12: {  	s13 =	smax.u32 s14, $0x1;
	s14 =	sshrl.u32 s15, $0x3;
	s15 =	simm.s32 $0x1400  }
.LBB2_1:
0x13: {  	[spmem:s14], [sflag:s7] =	dma.local [hbm:s2], $0x2800  }
0x14: {  	[tilespmem:s4], [sflag:$0x2] =	stream.linear.gather [hbm4b:s8+s4], $0x1400, $0x38;
	[tilespmem:$0x1E800] =	vst v63  }
0x15: {  	_ = 	snop  }
0x16: {  	[tilespmem:s15], [sflag:$0x2] =	stream.linear.gather [hbm4b:s9+s4], $0x1400, $0x38;
	[tilespmem:$0x1E800] =	vst v63  }
0x17: {  	_ =	swait.ge [sflag:s16], $0x2800  }
0x18: {  	[sflag:s16] =	ssyncset.done $0x0  }
0x19: {  	[sflag:s16] =	ssyncadd.s32 $0xFFFFD800  }
0x1a: {  	_ =	swait.ge [sflag:s17], $0x1400  }
0x1b: {  	[sflag:s17] =	ssyncset.done $0x0  }
0x1c: {  	[sflag:s17] =	ssyncadd.s32 $0xFFFFEC00  }
0x1d: {  	_ =	swait.ge [sflag:s17], $0x1400  }
0x1e: {  	[sflag:s17] =	ssyncset.done $0x0  }
0x1f: {  	[sflag:s17] =	ssyncadd.s32 $0xFFFFEC00  }
0x20: {  	[bflag:$0x0] =	sbarrier.arrive $0xFFFF  }
0x21: {  	[tilespmem:s19], [sflag:$0x1] =	stream.indirect.gather [hbm4b:s5+s18], $0x80, s4, s18, $0xb8;
	[tilespmem:$0x1E800] =	vst v63  }
0x22: {  	_ = 	snop  }
0x23: {  	[tilespmem:s20], [sflag:$0x2] =	stream.indirect.gather [hbm4b:s5+s18], $0x80, s18, s18, $0xb8;
	[tilespmem:$0x1E800] =	vst v63  }
0x24: {  	_ =	swait.ge [sflag:s16], $0x4000  }
0x25: {  	[sflag:s16] =	ssyncset.done $0x0  }
0x26: {  	s25 =	simm.s32 $0x1400;
	[sflag:s16] =	ssyncadd.s32 $0xFFFFC000  }
0x27: {  	[spmem:s3] =	stream.indirect.scatter.add.f32 [tilespmem:s19], [sflag:$0x3], $0x80, s25, s18, $0xb8;
	[tilespmem:$0x1E800] =	vst v63  }
0x28: {  	_ =	swait.ge [sflag:s21], $0x4000  }
0x29: {  	[sflag:s21] =	ssyncset.done $0x0  }
0x2a: {  	s30 =	simm.s32 $0x100;
	[sflag:s21] =	ssyncadd.s32 $0xFFFFC000  }
0x2b: {  	[tilespmem:s19], [sflag:$0x1] =	stream.indirect.gather [hbm4b:s5+s18], $0x80, s30, s18, $0xb8;
	[tilespmem:$0x1E800] =	vst v63  }
0x2c: {  	_ =	swait.ge [sflag:s17], $0x4000  }
0x2d: {  	[sflag:s17] =	ssyncset.done $0x0  }
0x2e: {  	s31 =	simm.s32 $0x1480;
	[sflag:s17] =	ssyncadd.s32 $0xFFFFC000  }
0x2f: {  	[spmem:s3] =	stream.indirect.scatter.add.f32 [tilespmem:s20], [sflag:$0x3], $0x80, s31, s18, $0xb8;
	[tilespmem:$0x1E800] =	vst v63  }
0x30: {  	_ =	swait.ge [sflag:s21], $0x4000  }
0x31: {  	[sflag:s21] =	ssyncset.done $0x0  }
0x32: {  	s26 =	simm.s32 $0x180;
	s25 =	simm.s32 $0x400;
	[sflag:s21] =	ssyncadd.s32 $0xFFFFC000  }
.LBB2_2:
0x33: {  	[tilespmem:s20], [sflag:$0x2] =	stream.indirect.gather [hbm4b:s5+s18], $0x80, s26, s18, $0xb8;
	[tilespmem:$0x1E800] =	vst v63  }
0x34: {  	s26 =	smov.u32 s25  }
0x35: {  	p0 =	sne.s32 s25, $0x4800;
	s25 =	sadd.s32 $0x400, s25;
	_ =	swait.ge [sflag:s16], $0x4000  }
0x36: {  	s26 =	sshra.s32 s26, $0x2;
	[sflag:s16] =	ssyncset.done $0x0  }
0x37: {  	s28 =	sadd.s32 $0x1400, s26;
	[sflag:s16] =	ssyncadd.s32 $0xFFFFC000  }
0x38: {  	[spmem:s3] =	stream.indirect.scatter.add.f32 [tilespmem:s19], [sflag:$0x3], $0x80, s28, s18, $0xb8;
	[tilespmem:$0x1E800] =	vst v63  }
0x39: {  	_ =	swait.ge [sflag:s21], $0x4000  }
0x3a: {  	[sflag:s21] =	ssyncset.done $0x0  }
0x3b: {  	s28 =	sadd.s32 $0x100, s26;
	[sflag:s21] =	ssyncadd.s32 $0xFFFFC000  }
0x3c: {  	[tilespmem:s19], [sflag:$0x1] =	stream.indirect.gather [hbm4b:s5+s18], $0x80, s28, s18, $0xb8;
	[tilespmem:$0x1E800] =	vst v63  }
0x3d: {  	_ =	swait.ge [sflag:s17], $0x4000  }
0x3e: {  	[sflag:s17] =	ssyncset.done $0x0  }
.Ltmp0:
0x3f: {  	s28 =	sadd.s32 $0x1480, s26;
	[sflag:s17] =	ssyncadd.s32 $0xFFFFC000;
	(pc) =	sbr.rel @p0 .LBB2_2-.Ltmp0, $4  }
0x40: {  	[spmem:s3] =	stream.indirect.scatter.add.f32 [tilespmem:s20], [sflag:$0x3], $0x80, s28, s18, $0xb8;
	[tilespmem:$0x1E800] =	vst v63  }
0x41: {  	_ =	swait.ge [sflag:s21], $0x4000  }
0x42: {  	[sflag:s21] =	ssyncset.done $0x0  }
0x43: {  	s26 =	sadd.s32 $0x180, s26;
	[sflag:s21] =	ssyncadd.s32 $0xFFFFC000  }
0x44: {  	[tilespmem:s20], [sflag:$0x2] =	stream.indirect.gather [hbm4b:s5+s18], $0x80, s26, s18, $0xb8;
	[tilespmem:$0x1E800] =	vst v63  }
0x45: {  	_ =	swait.ge [sflag:s16], $0x4000  }
0x46: {  	[sflag:s16] =	ssyncset.done $0x0  }
0x47: {  	[sflag:s16] =	ssyncadd.s32 $0xFFFFC000  }
0x48: {  	[spmem:s3] =	stream.indirect.scatter.add.f32 [tilespmem:s19], [sflag:$0x3], $0x80, s22, s18, $0xb8;
	[tilespmem:$0x1E800] =	vst v63  }
0x49: {  	_ =	swait.ge [sflag:s21], $0x4000  }
0x4a: {  	[sflag:s21] =	ssyncset.done $0x0  }
0x4b: {  	[sflag:s21] =	ssyncadd.s32 $0xFFFFC000  }
0x4c: {  	_ =	swait.ge [sflag:s17], $0x4000  }
0x4d: {  	[sflag:s17] =	ssyncset.done $0x0  }
0x4e: {  	[sflag:s17] =	ssyncadd.s32 $0xFFFFC000  }
0x4f: {  	[spmem:s3] =	stream.indirect.scatter.add.f32 [tilespmem:s20], [sflag:$0x3], $0x80, s23, s18, $0xb8;
	[tilespmem:$0x1E800] =	vst v63  }
0x50: {  	_ =	swait.ge [sflag:s21], $0x4000  }
0x51: {  	[sflag:s21] =	ssyncset.done $0x0  }
0x52: {  	s25 =	simm.s32 $0x0;
	[sflag:s21] =	ssyncadd.s32 $0xFFFFC000  }
0x53: {  	[tilespmem:s25], [sflag:$0x3] =	stream.linear.gather [hbm4b:s10+s25], $0x1400, $0x38;
	[tilespmem:$0x1E800] =	vst v63  }
0x54: {  	_ =	swait.ge [sflag:s21], $0x1400  }
0x55: {  	[sflag:s21] =	ssyncset.done $0x0  }
0x56: {  	[sflag:s21] =	ssyncadd.s32 $0xFFFFEC00  }
0x57: {  	[tilespmem:s15], [sflag:$0x3] =	stream.linear.gather [hbm4b:s11+s25], $0x1400, $0x38;
	[tilespmem:$0x1E800] =	vst v63  }
0x58: {  	_ =	swait.ge [sflag:s21], $0x1400  }
0x59: {  	[sflag:s21] =	ssyncset.done $0x0  }
0x5a: {  	[sflag:s21] =	ssyncadd.s32 $0xFFFFEC00  }
0x5b: {  	[tilespmem:s19], [sflag:$0x1] =	stream.indirect.gather [hbm4b:s5+s18], $0x80, s25, s18, $0xb8;
	[tilespmem:$0x1E800] =	vst v63  }
0x5c: {  	_ = 	snop  }
0x5d: {  	[tilespmem:s20], [sflag:$0x2] =	stream.indirect.gather [hbm4b:s5+s18], $0x80, s18, s18, $0xb8;
	[tilespmem:$0x1E800] =	vst v63  }
0x5e: {  	_ =	swait.ge [sflag:s16], $0x4000  }
0x5f: {  	[sflag:s16] =	ssyncset.done $0x0  }
0x60: {  	s29 =	simm.s32 $0x1400;
	[sflag:s16] =	ssyncadd.s32 $0xFFFFC000  }
0x61: {  	[spmem:s3] =	stream.indirect.scatter.add.f32 [tilespmem:s19], [sflag:$0x3], $0x80, s29, s18, $0xb8;
	[tilespmem:$0x1E800] =	vst v63  }
0x62: {  	_ =	swait.ge [sflag:s21], $0x4000  }
0x63: {  	[sflag:s21] =	ssyncset.done $0x0  }
0x64: {  	s30 =	simm.s32 $0x100;
	[sflag:s21] =	ssyncadd.s32 $0xFFFFC000  }
0x65: {  	[tilespmem:s19], [sflag:$0x1] =	stream.indirect.gather [hbm4b:s5+s18], $0x80, s30, s18, $0xb8;
	[tilespmem:$0x1E800] =	vst v63  }
0x66: {  	_ =	swait.ge [sflag:s17], $0x4000  }
0x67: {  	[sflag:s17] =	ssyncset.done $0x0  }
0x68: {  	s31 =	simm.s32 $0x1480;
	[sflag:s17] =	ssyncadd.s32 $0xFFFFC000  }
0x69: {  	[spmem:s3] =	stream.indirect.scatter.add.f32 [tilespmem:s20], [sflag:$0x3], $0x80, s31, s18, $0xb8;
	[tilespmem:$0x1E800] =	vst v63  }
0x6a: {  	_ =	swait.ge [sflag:s21], $0x4000  }
0x6b: {  	[sflag:s21] =	ssyncset.done $0x0  }
0x6c: {  	s26 =	simm.s32 $0x180;
	s25 =	simm.s32 $0x400;
	[sflag:s21] =	ssyncadd.s32 $0xFFFFC000  }
.LBB2_4:
0x6d: {  	[tilespmem:s20], [sflag:$0x2] =	stream.indirect.gather [hbm4b:s5+s18], $0x80, s26, s18, $0xb8;
	[tilespmem:$0x1E800] =	vst v63  }
0x6e: {  	s26 =	smov.u32 s25  }
0x6f: {  	p0 =	sne.s32 s25, $0x4800;
	s25 =	sadd.s32 $0x400, s25;
	_ =	swait.ge [sflag:s16], $0x4000  }
0x70: {  	s26 =	sshra.s32 s26, $0x2;
	[sflag:s16] =	ssyncset.done $0x0  }
0x71: {  	s28 =	sadd.s32 $0x1400, s26;
	[sflag:s16] =	ssyncadd.s32 $0xFFFFC000  }
0x72: {  	[spmem:s3] =	stream.indirect.scatter.add.f32 [tilespmem:s19], [sflag:$0x3], $0x80, s28, s18, $0xb8;
	[tilespmem:$0x1E800] =	vst v63  }
0x73: {  	_ =	swait.ge [sflag:s21], $0x4000  }
0x74: {  	[sflag:s21] =	ssyncset.done $0x0  }
0x75: {  	s28 =	sadd.s32 $0x100, s26;
	[sflag:s21] =	ssyncadd.s32 $0xFFFFC000  }
0x76: {  	[tilespmem:s19], [sflag:$0x1] =	stream.indirect.gather [hbm4b:s5+s18], $0x80, s28, s18, $0xb8;
	[tilespmem:$0x1E800] =	vst v63  }
0x77: {  	_ =	swait.ge [sflag:s17], $0x4000  }
0x78: {  	[sflag:s17] =	ssyncset.done $0x0  }
.Ltmp1:
0x79: {  	s28 =	sadd.s32 $0x1480, s26;
	[sflag:s17] =	ssyncadd.s32 $0xFFFFC000;
	(pc) =	sbr.rel @p0 .LBB2_4-.Ltmp1, $4  }
0x7a: {  	[spmem:s3] =	stream.indirect.scatter.add.f32 [tilespmem:s20], [sflag:$0x3], $0x80, s28, s18, $0xb8;
	[tilespmem:$0x1E800] =	vst v63  }
0x7b: {  	_ =	swait.ge [sflag:s21], $0x4000  }
0x7c: {  	[sflag:s21] =	ssyncset.done $0x0  }
0x7d: {  	s26 =	sadd.s32 $0x180, s26;
	[sflag:s21] =	ssyncadd.s32 $0xFFFFC000  }
0x7e: {  	[tilespmem:s20], [sflag:$0x2] =	stream.indirect.gather [hbm4b:s5+s18], $0x80, s26, s18, $0xb8;
	[tilespmem:$0x1E800] =	vst v63  }
0x7f: {  	_ =	swait.ge [sflag:s16], $0x4000  }
0x80: {  	[sflag:s16] =	ssyncset.done $0x0  }
0x81: {  	[sflag:s16] =	ssyncadd.s32 $0xFFFFC000  }
0x82: {  	[spmem:s3] =	stream.indirect.scatter.add.f32 [tilespmem:s19], [sflag:$0x3], $0x80, s22, s18, $0xb8;
	[tilespmem:$0x1E800] =	vst v63  }
0x83: {  	_ =	swait.ge [sflag:s21], $0x4000  }
0x84: {  	[sflag:s21] =	ssyncset.done $0x0  }
0x85: {  	[sflag:s21] =	ssyncadd.s32 $0xFFFFC000  }
0x86: {  	_ =	swait.ge [sflag:s17], $0x4000  }
0x87: {  	[sflag:s17] =	ssyncset.done $0x0  }
0x88: {  	[sflag:s17] =	ssyncadd.s32 $0xFFFFC000  }
0x89: {  	[spmem:s3] =	stream.indirect.scatter.add.f32 [tilespmem:s20], [sflag:$0x3], $0x80, s23, s18, $0xb8;
	[tilespmem:$0x1E800] =	vst v63  }
0x8a: {  	_ =	swait.ge [sflag:s21], $0x4000  }
0x8b: {  	s24 =	sadd.s32 $0x1, s24;
	[sflag:s21] =	ssyncset.done $0x0  }
0x8c: {  	p0 =	sne.s32 s24, s13;
	[sflag:s21] =	ssyncadd.s32 $0xFFFFC000  }
.Ltmp2:
0x8d: {  	s25 =	sor.u32 $0x1C03, s6;
	[bflag:$0x0] =	sbarrier.arrive $0xFFFF;
	(pc) =	sbr.rel @p0 .LBB2_1-.Ltmp2, $4  }
0x8e: {  	[hbm:s12], [sflag:s25] =	dma.local [spmem:s14], $0x2800  }
0x8f: {  	_ =	swait.ge [sflag:s21], $0x2800  }
0x90: {  	[sflag:s21] =	ssyncset.done $0x0  }
0x91: {  	[sflag:s21] =	ssyncadd.s32 $0xFFFFD800  }
0x92: {  	_ =	sfence.sel $0x180000  }
0x93: {  	[bflag:$0x0] =	sbarrier.arrive $0xFFFF  }
0x94: {  	p0 =	sne.s32 s1, $0x0;
	_ =	strace $0x90000050  }
0x95: {  	s0 =	sadd.s32 @!p0 $0x100000, s0;
	[bflag:$0x2] =	sbarrier.arrive $0xFFFF  }
0x96: {  	[sflag:s0] =	ssyncadd.tile.s32 @!p0 $0x1;
	_ =	shalt  }
.Lfunc_end2:
_tile_overlayer_lowered:
.L_overlay_start_2:
0x97: {  	(tag) =	ssettag $0x2  }
0x98: {  	s0 =	rddreg [dreg:$0x0];
	s2 =	stileid.u32  }
0x99: {  	s1 =	rddreg [dreg:$0x1];
	p0 =	sne.s32 s2, $0x0  }
0x9a: {  	s3 =	rddreg [dreg:$0x2];
	[bflag:$0x3] =	sbarrier.arrive $0xFFFF;
	s2 =	simm.s32 @!p0 $0x1C03  }
0x9b: {  	[timem:s3], [sflag:s2] =	dma.local @!p0 [hbm:s0], s1  }
0x9c: {  	s0 =	simm.s32 @!p0 $0x3  }
0x9d: {  	_ =	swait.ge @!p0 [sflag:s0], s1  }
0x9e: {  	s1 =	ssub.s32 @!p0 $0x0, s1;
	[sflag:s0] =	ssyncset.done @!p0 $0x0  }
0x9f: {  	[sflag:s0] =	ssyncadd.s32 @!p0 s1  }
0xa0: {  	[bflag:$0x3] =	sbarrier.arrive $0xFFFF  }
0xa1: {  	_ =	shalt  }

</sc_bundles>
